<compile_context>
chip_gen: v7x
topology: tpu7x:2x2x1
jax: 0.10.2.dev20260603
libtpu: 0.0.44.dev20260713+nightly
codegen_flags: <defaults>
</compile_context>

<pallas_src>
import functools

import jax
import jax.numpy as jnp
from jax import lax
from jax.experimental import pallas as pl
from jax.experimental.pallas import tpu as pltpu
from jax.experimental.pallas import tpu_sc as plsc

NC, NS, L = 2, 16, 16
NW = NC * NS
D = 64
SCALE = 8.0
CHUNK = 256
INFLIGHT = 12
TC_BLK = 8192


@functools.partial(jax.jit, static_argnames=("B",))
def _sc_gather(idx_flat, table, B):
    b_per_w = B // NW
    n_chunks = b_per_w // CHUNK
    mesh = plsc.VectorSubcoreMesh(core_axis_name="c", subcore_axis_name="s")

    @functools.partial(
        pl.kernel,
        out_type=jax.ShapeDtypeStruct((B, D), jnp.float32),
        mesh=mesh,
        scratch_types=[
            pltpu.VMEM((b_per_w,), jnp.int32),
            pltpu.VMEM_SHARED((NS, CHUNK, D), jnp.float32),
            pltpu.SemaphoreType.DMA,
            pltpu.SemaphoreType.DMA,
        ],
    )
    def k(idx_hbm, table_hbm, out_hbm, idx_v, shared, sem_g, sem_o):
        cid = lax.axis_index("c")
        sid = lax.axis_index("s")
        wid = sid * NC + cid
        base = wid * b_per_w
        pltpu.sync_copy(
            idx_hbm.at[pl.ds(pl.multiple_of(base, 256), b_per_w)], idx_v)

        def drain_group():
            for r in range(L):
                pltpu.make_async_copy(
                    table_hbm.at[pl.ds(0, 1)],
                    shared.at[sid, pl.ds(0, 1)],
                    sem_g,
                ).wait()

        def chunk_body(c, carry):
            def fire(gg, carry2):
                g16 = idx_v[pl.ds(c * CHUNK + gg * L, L)]
                for r in range(L):
                    pltpu.async_copy(
                        table_hbm.at[pl.ds(g16[r], 1)],
                        shared.at[sid, pl.ds(gg * L + r, 1)],
                        sem_g,
                    )

                @pl.when(gg >= INFLIGHT)
                def _():
                    drain_group()

                return carry2

            lax.fori_loop(0, CHUNK // L, fire, 0, unroll=False)
            for _ in range(INFLIGHT):
                drain_group()

            pltpu.async_copy(
                shared.at[sid],
                out_hbm.at[pl.ds(
                    pl.multiple_of(base + c * CHUNK, 256), CHUNK)],
                sem_o,
            )
            pltpu.make_async_copy(
                shared.at[sid], out_hbm.at[pl.ds(0, CHUNK)], sem_o
            ).wait()
            return carry

        lax.fori_loop(0, n_chunks, chunk_body, 0, unroll=False)

    return k(idx_flat, table)


def _tc_scale_body(idx_ref, rows_ref, o_ref):
    m = jnp.where(idx_ref[...] != 0, SCALE, 0.0).astype(jnp.float32)
    o_ref[...] = rows_ref[...] * m[:, None]


@functools.partial(jax.jit, static_argnames=("B",))
def _tc_scale(idx_flat, gathered, B):
    grid = B // TC_BLK
    return pl.pallas_call(
        _tc_scale_body,
        grid=(grid,),
        in_specs=[
            pl.BlockSpec((TC_BLK,), lambda i: (i,)),
            pl.BlockSpec((TC_BLK, D), lambda i: (i, 0)),
        ],
        out_specs=pl.BlockSpec((TC_BLK, D), lambda i: (i, 0)),
        out_shape=jax.ShapeDtypeStruct((B, D), jnp.float32),
    )(idx_flat, gathered)


def kernel(inputs, shared_weights):
    B = inputs.size
    idx_flat = inputs.reshape(B).astype(jnp.int32)
    gathered = _sc_gather(idx_flat, shared_weights, B)
    out = _tc_scale(idx_flat, gathered, B)
    return out.reshape(inputs.shape + (D,))

# --- scband reference (transcript-rebuilt; emitter-appended) ---
"""Pipeline reference for scband-embedding-shared-weights-49821620634259 (READ-ONLY COPY).

The authoritative reference and input builder live on the scoring server;
editing this copy changes nothing except your own understanding.
"""

import jax, jax.numpy as jnp
import numpy as np

VOCAB_SIZE = 1000000
NUM_UNITS = 64

def setup_inputs(seed: int = 0) -> dict:
    key = jax.random.key(seed)
    k_idx, k_w = jax.random.split(key)
    inputs = jax.random.randint(k_idx, (4096, 200), 0, VOCAB_SIZE, dtype=jnp.int64 if jax.config.jax_enable_x64 else jnp.int32)
    # glorot uniform for shared_weights [vocab, num_units]
    limit = np.sqrt(6.0 / (VOCAB_SIZE + NUM_UNITS))
    shared_weights = jax.random.uniform(k_w, (VOCAB_SIZE, NUM_UNITS), minval=-limit, maxval=limit, dtype=jnp.float32)
    return {"inputs": inputs, "shared_weights": shared_weights}

def reference(inputs, shared_weights):
    # _embedding path of EmbeddingSharedWeights.call (linear=False)
    embeddings = jnp.take(shared_weights, inputs, axis=0)
    mask = (inputs != 0).astype(embeddings.dtype)
    embeddings = embeddings * mask[..., None]
    embeddings = embeddings * (NUM_UNITS ** 0.5)  # scale_we=True
    return embeddings

if __name__ == "__main__":
    import jax
    _d = setup_inputs()
    print(jax.jit(kernel)(*tuple(_d.values())))

</pallas_src>

<mosaic_0001>
#map = affine_map<(d0, d1) -> (0)>
#map1 = affine_map<(d0, d1) -> (0, 0)>
module attributes {stable_mosaic.version = 14 : i64} {
  func.func @k(%arg0: i32, %arg1: i32, %arg2: memref<819200xi32, #tpu.memory_space<hbm>>, %arg3: memref<1000000x64xf32, #tpu.memory_space<hbm>>, %arg4: memref<819200x64xf32, #tpu.memory_space<hbm>>, %arg5: memref<25600xi32, #tpu.memory_space<vmem>>, %arg6: memref<16x256x64xf32, #tpu.memory_space<vmem_shared>>, %arg7: memref<!tpu.dma_semaphore, #tpu.memory_space<semaphore_mem>>, %arg8: memref<!tpu.dma_semaphore, #tpu.memory_space<semaphore_mem>>) attributes {dimension_semantics = [#tpu.dimension_semantics<core_parallel>, #tpu.dimension_semantics<subcore_parallel>], iteration_bounds = array<i64: 2, 16>, scalar_prefetch = 0 : i64, scratch_operands = 4 : i64, tpu.core_type = #tpu.core_type<sc_vector_subcore>, window_params = [{transform_indices = #map}, {transform_indices = #map1}, {transform_indices = #map1}]} {
    %mul3A = arith.constant 2 : i32
    %mul3A_0 = arith.muli %arg1, %mul3A : i32
    %add3A = arith.addi %mul3A_0, %arg0 : i32
    %mul3A_1 = arith.constant 25600 : i32
    %mul3A_2 = arith.muli %add3A, %mul3A_1 : i32
    %multiple_of3A = tpu.assume_multiple %mul3A_2, 256 : i32
    "tpu.region"() ({
      %run_scoped3A = tpu.sem_alloc : memref<!tpu.dma_semaphore, #tpu.memory_space<semaphore_mem>>
      %dma_start3A = tpu.memref_slice %arg2[%multiple_of3A] : memref<819200xi32, #tpu.memory_space<hbm>> -> memref<25600xi32, #tpu.memory_space<hbm>>
      %dma_start3A_8 = tpu.memref_slice %arg2[%multiple_of3A] : memref<819200xi32, #tpu.memory_space<hbm>> -> memref<25600xi32, #tpu.memory_space<hbm>>
      tpu.enqueue_dma source(%dma_start3A_8 : memref<25600xi32, #tpu.memory_space<hbm>>) target(%arg5 : memref<25600xi32, #tpu.memory_space<vmem>>) target_semaphore(%run_scoped3A : memref<!tpu.dma_semaphore, #tpu.memory_space<semaphore_mem>>)
      %dma_wait3A = tpu.memref_slice %arg2[%multiple_of3A] : memref<819200xi32, #tpu.memory_space<hbm>> -> memref<25600xi32, #tpu.memory_space<hbm>>
      %dma_wait3A_9 = tpu.memref_slice %arg2[%multiple_of3A] : memref<819200xi32, #tpu.memory_space<hbm>> -> memref<25600xi32, #tpu.memory_space<hbm>>
      tpu.wait_dma2 semaphore(%run_scoped3A : memref<!tpu.dma_semaphore, #tpu.memory_space<semaphore_mem>>) src(%dma_wait3A_9 : memref<25600xi32, #tpu.memory_space<hbm>>) dst(%arg5 : memref<25600xi32, #tpu.memory_space<vmem>>)
      tpu.yield
    }) : () -> ()
    %scan3A = arith.constant 0 : i32
    %scan3A_3 = arith.constant 0 : i32
    %scan3A_4 = arith.constant 100 : i32
    %scan3A_5 = arith.addi %scan3A_3, %scan3A_4 : i32
    %scan3A_6 = arith.constant 1 : i32
    scf.for %scan3A_8 = %scan3A_3 to %scan3A_5 step %scan3A_6  : i32 {
      %scan3A_9 = arith.constant 0 : i32
      %scan3A_10 = arith.constant 0 : i32
      %scan3A_11 = arith.constant 16 : i32
      %scan3A_12 = arith.addi %scan3A_10, %scan3A_11 : i32
      %scan3A_13 = arith.constant 1 : i32
      scf.for %scan3A_1374 = %scan3A_10 to %scan3A_12 step %scan3A_13  : i32 {
        %mul3A_1375 = arith.constant 256 : i32
        %mul3A_1376 = arith.muli %scan3A_8, %mul3A_1375 : i32
        %mul3A_1377 = arith.constant 16 : i32
        %mul3A_1378 = arith.muli %scan3A_1374, %mul3A_1377 : i32
        %add3A_1379 = arith.addi %mul3A_1376, %mul3A_1378 : i32
        %get3A = arith.index_cast %add3A_1379 : i32 to index
        %get3A_1380 = tpu.vector_load %arg5[%get3A] {strides = array<i32>} : memref<25600xi32, #tpu.memory_space<vmem>>, vector<16xi32>,
        %get3A_1381 = vector.shape_cast %get3A_1380 : vector<16xi32> to vector<16xi32>
        %slice3A = vector.extract_strided_slice %get3A_1381 {offsets = [0], sizes = [1], strides = [1]} : vector<16xi32> to vector<1xi32>
        %squeeze3A = vector.extract %slice3A[0] : i32 from vector<1xi32>
        %mul3A_1382 = arith.constant 16 : i32
        %mul3A_1383 = arith.muli %scan3A_1374, %mul3A_1382 : i32
        %add3A_1384 = arith.constant 0 : i32
        %add3A_1385 = arith.addi %mul3A_1383, %add3A_1384 : i32
        %dma_start3A_1386 = arith.constant 0 : i32
        %dma_start3A_1387 = tpu.memref_slice %arg6[%arg1, %add3A_1385, %dma_start3A_1386] : memref<16x256x64xf32, #tpu.memory_space<vmem_shared>> -> memref<1x1x64xf32, #tpu.memory_space<vmem_shared>>
        %dma_start3A_1388 = tpu.memref_squeeze %dma_start3A_1387 : memref<1x1x64xf32, #tpu.memory_space<vmem_shared>> -> memref<1x64xf32, #tpu.memory_space<vmem_shared>>
        %dma_start3A_1389 = arith.constant 0 : i32
        %dma_start3A_1390 = tpu.memref_slice %arg3[%squeeze3A, %dma_start3A_1389] : memref<1000000x64xf32, #tpu.memory_space<hbm>> -> memref<1x64xf32, #tpu.memory_space<hbm>>
        tpu.enqueue_dma source(%dma_start3A_1390 : memref<1x64xf32, #tpu.memory_space<hbm>>) target(%dma_start3A_1388 : memref<1x64xf32, #tpu.memory_space<vmem_shared>>) target_semaphore(%arg7 : memref<!tpu.dma_semaphore, #tpu.memory_space<semaphore_mem>>)
        %slice3A_1391 = vector.extract_strided_slice %get3A_1381 {offsets = [1], sizes = [1], strides = [1]} : vector<16xi32> to vector<1xi32>
        %squeeze3A_1392 = vector.extract %slice3A_1391[0] : i32 from vector<1xi32>
        %mul3A_1393 = arith.constant 16 : i32
        %mul3A_1394 = arith.muli %scan3A_1374, %mul3A_1393 : i32
        %add3A_1395 = arith.constant 1 : i32
        %add3A_1396 = arith.addi %mul3A_1394, %add3A_1395 : i32
        %dma_start3A_1397 = arith.constant 0 : i32
        %dma_start3A_1398 = tpu.memref_slice %arg6[%arg1, %add3A_1396, %dma_start3A_1397] : memref<16x256x64xf32, #tpu.memory_space<vmem_shared>> -> memref<1x1x64xf32, #tpu.memory_space<vmem_shared>>
        %dma_start3A_1399 = tpu.memref_squeeze %dma_start3A_1398 : memref<1x1x64xf32, #tpu.memory_space<vmem_shared>> -> memref<1x64xf32, #tpu.memory_space<vmem_shared>>
        %dma_start3A_1400 = arith.constant 0 : i32
        %dma_start3A_1401 = tpu.memref_slice %arg3[%squeeze3A_1392, %dma_start3A_1400] : memref<1000000x64xf32, #tpu.memory_space<hbm>> -> memref<1x64xf32, #tpu.memory_space<hbm>>
        tpu.enqueue_dma source(%dma_start3A_1401 : memref<1x64xf32, #tpu.memory_space<hbm>>) target(%dma_start3A_1399 : memref<1x64xf32, #tpu.memory_space<vmem_shared>>) target_semaphore(%arg7 : memref<!tpu.dma_semaphore, #tpu.memory_space<semaphore_mem>>)
        %slice3A_1402 = vector.extract_strided_slice %get3A_1381 {offsets = [2], sizes = [1], strides = [1]} : vector<16xi32> to vector<1xi32>
        %squeeze3A_1403 = vector.extract %slice3A_1402[0] : i32 from vector<1xi32>
        %mul3A_1404 = arith.constant 16 : i32
        %mul3A_1405 = arith.muli %scan3A_1374, %mul3A_1404 : i32
        %add3A_1406 = arith.constant 2 : i32
        %add3A_1407 = arith.addi %mul3A_1405, %add3A_1406 : i32
        %dma_start3A_1408 = arith.constant 0 : i32
        %dma_start3A_1409 = tpu.memref_slice %arg6[%arg1, %add3A_1407, %dma_start3A_1408] : memref<16x256x64xf32, #tpu.memory_space<vmem_shared>> -> memref<1x1x64xf32, #tpu.memory_space<vmem_shared>>
        %dma_start3A_1410 = tpu.memref_squeeze %dma_start3A_1409 : memref<1x1x64xf32, #tpu.memory_space<vmem_shared>> -> memref<1x64xf32, #tpu.memory_space<vmem_shared>>
        %dma_start3A_1411 = arith.constant 0 : i32
        %dma_start3A_1412 = tpu.memref_slice %arg3[%squeeze3A_1403, %dma_start3A_1411] : memref<1000000x64xf32, #tpu.memory_space<hbm>> -> memref<1x64xf32, #tpu.memory_space<hbm>>
        tpu.enqueue_dma source(%dma_start3A_1412 : memref<1x64xf32, #tpu.memory_space<hbm>>) target(%dma_start3A_1410 : memref<1x64xf32, #tpu.memory_space<vmem_shared>>) target_semaphore(%arg7 : memref<!tpu.dma_semaphore, #tpu.memory_space<semaphore_mem>>)
        %slice3A_1413 = vector.extract_strided_slice %get3A_1381 {offsets = [3], sizes = [1], strides = [1]} : vector<16xi32> to vector<1xi32>
        %squeeze3A_1414 = vector.extract %slice3A_1413[0] : i32 from vector<1xi32>
        %mul3A_1415 = arith.constant 16 : i32
        %mul3A_1416 = arith.muli %scan3A_1374, %mul3A_1415 : i32
        %add3A_1417 = arith.constant 3 : i32
        %add3A_1418 = arith.addi %mul3A_1416, %add3A_1417 : i32
        %dma_start3A_1419 = arith.constant 0 : i32
        %dma_start3A_1420 = tpu.memref_slice %arg6[%arg1, %add3A_1418, %dma_start3A_1419] : memref<16x256x64xf32, #tpu.memory_space<vmem_shared>> -> memref<1x1x64xf32, #tpu.memory_space<vmem_shared>>
        %dma_start3A_1421 = tpu.memref_squeeze %dma_start3A_1420 : memref<1x1x64xf32, #tpu.memory_space<vmem_shared>> -> memref<1x64xf32, #tpu.memory_space<vmem_shared>>
        %dma_start3A_1422 = arith.constant 0 : i32
        %dma_start3A_1423 = tpu.memref_slice %arg3[%squeeze3A_1414, %dma_start3A_1422] : memref<1000000x64xf32, #tpu.memory_space<hbm>> -> memref<1x64xf32, #tpu.memory_space<hbm>>
        tpu.enqueue_dma source(%dma_start3A_1423 : memref<1x64xf32, #tpu.memory_space<hbm>>) target(%dma_start3A_1421 : memref<1x64xf32, #tpu.memory_space<vmem_shared>>) target_semaphore(%arg7 : memref<!tpu.dma_semaphore, #tpu.memory_space<semaphore_mem>>)
        %slice3A_1424 = vector.extract_strided_slice %get3A_1381 {offsets = [4], sizes = [1], strides = [1]} : vector<16xi32> to vector<1xi32>
        %squeeze3A_1425 = vector.extract %slice3A_1424[0] : i32 from vector<1xi32>
        %mul3A_1426 = arith.constant 16 : i32
        %mul3A_1427 = arith.muli %scan3A_1374, %mul3A_1426 : i32
        %add3A_1428 = arith.constant 4 : i32
        %add3A_1429 = arith.addi %mul3A_1427, %add3A_1428 : i32
        %dma_start3A_1430 = arith.constant 0 : i32
        %dma_start3A_1431 = tpu.memref_slice %arg6[%arg1, %add3A_1429, %dma_start3A_1430] : memref<16x256x64xf32, #tpu.memory_space<vmem_shared>> -> memref<1x1x64xf32, #tpu.memory_space<vmem_shared>>
        %dma_start3A_1432 = tpu.memref_squeeze %dma_start3A_1431 : memref<1x1x64xf32, #tpu.memory_space<vmem_shared>> -> memref<1x64xf32, #tpu.memory_space<vmem_shared>>
        %dma_start3A_1433 = arith.constant 0 : i32
        %dma_start3A_1434 = tpu.memref_slice %arg3[%squeeze3A_1425, %dma_start3A_1433] : memref<1000000x64xf32, #tpu.memory_space<hbm>> -> memref<1x64xf32, #tpu.memory_space<hbm>>
        tpu.enqueue_dma source(%dma_start3A_1434 : memref<1x64xf32, #tpu.memory_space<hbm>>) target(%dma_start3A_1432 : memref<1x64xf32, #tpu.memory_space<vmem_shared>>) target_semaphore(%arg7 : memref<!tpu.dma_semaphore, #tpu.memory_space<semaphore_mem>>)
        %slice3A_1435 = vector.extract_strided_slice %get3A_1381 {offsets = [5], sizes = [1], strides = [1]} : vector<16xi32> to vector<1xi32>
        %squeeze3A_1436 = vector.extract %slice3A_1435[0] : i32 from vector<1xi32>
        %mul3A_1437 = arith.constant 16 : i32
        %mul3A_1438 = arith.muli %scan3A_1374, %mul3A_1437 : i32
        %add3A_1439 = arith.constant 5 : i32
        %add3A_1440 = arith.addi %mul3A_1438, %add3A_1439 : i32
        %dma_start3A_1441 = arith.constant 0 : i32
        %dma_start3A_1442 = tpu.memref_slice %arg6[%arg1, %add3A_1440, %dma_start3A_1441] : memref<16x256x64xf32, #tpu.memory_space<vmem_shared>> -> memref<1x1x64xf32, #tpu.memory_space<vmem_shared>>
        %dma_start3A_1443 = tpu.memref_squeeze %dma_start3A_1442 : memref<1x1x64xf32, #tpu.memory_space<vmem_shared>> -> memref<1x64xf32, #tpu.memory_space<vmem_shared>>
        %dma_start3A_1444 = arith.constant 0 : i32
        %dma_start3A_1445 = tpu.memref_slice %arg3[%squeeze3A_1436, %dma_start3A_1444] : memref<1000000x64xf32, #tpu.memory_space<hbm>> -> memref<1x64xf32, #tpu.memory_space<hbm>>
        tpu.enqueue_dma source(%dma_start3A_1445 : memref<1x64xf32, #tpu.memory_space<hbm>>) target(%dma_start3A_1443 : memref<1x64xf32, #tpu.memory_space<vmem_shared>>) target_semaphore(%arg7 : memref<!tpu.dma_semaphore, #tpu.memory_space<semaphore_mem>>)
        %slice3A_1446 = vector.extract_strided_slice %get3A_1381 {offsets = [6], sizes = [1], strides = [1]} : vector<16xi32> to vector<1xi32>
        %squeeze3A_1447 = vector.extract %slice3A_1446[0] : i32 from vector<1xi32>
        %mul3A_1448 = arith.constant 16 : i32
        %mul3A_1449 = arith.muli %scan3A_1374, %mul3A_1448 : i32
        %add3A_1450 = arith.constant 6 : i32
        %add3A_1451 = arith.addi %mul3A_1449, %add3A_1450 : i32
        %dma_start3A_1452 = arith.constant 0 : i32
        %dma_start3A_1453 = tpu.memref_slice %arg6[%arg1, %add3A_1451, %dma_start3A_1452] : memref<16x256x64xf32, #tpu.memory_space<vmem_shared>> -> memref<1x1x64xf32, #tpu.memory_space<vmem_shared>>
        %dma_start3A_1454 = tpu.memref_squeeze %dma_start3A_1453 : memref<1x1x64xf32, #tpu.memory_space<vmem_shared>> -> memref<1x64xf32, #tpu.memory_space<vmem_shared>>
        %dma_start3A_1455 = arith.constant 0 : i32
        %dma_start3A_1456 = tpu.memref_slice %arg3[%squeeze3A_1447, %dma_start3A_1455] : memref<1000000x64xf32, #tpu.memory_space<hbm>> -> memref<1x64xf32, #tpu.memory_space<hbm>>
        tpu.enqueue_dma source(%dma_start3A_1456 : memref<1x64xf32, #tpu.memory_space<hbm>>) target(%dma_start3A_1454 : memref<1x64xf32, #tpu.memory_space<vmem_shared>>) target_semaphore(%arg7 : memref<!tpu.dma_semaphore, #tpu.memory_space<semaphore_mem>>)
        %slice3A_1457 = vector.extract_strided_slice %get3A_1381 {offsets = [7], sizes = [1], strides = [1]} : vector<16xi32> to vector<1xi32>
        %squeeze3A_1458 = vector.extract %slice3A_1457[0] : i32 from vector<1xi32>
        %mul3A_1459 = arith.constant 16 : i32
        %mul3A_1460 = arith.muli %scan3A_1374, %mul3A_1459 : i32
        %add3A_1461 = arith.constant 7 : i32
        %add3A_1462 = arith.addi %mul3A_1460, %add3A_1461 : i32
        %dma_start3A_1463 = arith.constant 0 : i32
        %dma_start3A_1464 = tpu.memref_slice %arg6[%arg1, %add3A_1462, %dma_start3A_1463] : memref<16x256x64xf32, #tpu.memory_space<vmem_shared>> -> memref<1x1x64xf32, #tpu.memory_space<vmem_shared>>
        %dma_start3A_1465 = tpu.memref_squeeze %dma_start3A_1464 : memref<1x1x64xf32, #tpu.memory_space<vmem_shared>> -> memref<1x64xf32, #tpu.memory_space<vmem_shared>>
        %dma_start3A_1466 = arith.constant 0 : i32
        %dma_start3A_1467 = tpu.memref_slice %arg3[%squeeze3A_1458, %dma_start3A_1466] : memref<1000000x64xf32, #tpu.memory_space<hbm>> -> memref<1x64xf32, #tpu.memory_space<hbm>>
        tpu.enqueue_dma source(%dma_start3A_1467 : memref<1x64xf32, #tpu.memory_space<hbm>>) target(%dma_start3A_1465 : memref<1x64xf32, #tpu.memory_space<vmem_shared>>) target_semaphore(%arg7 : memref<!tpu.dma_semaphore, #tpu.memory_space<semaphore_mem>>)
        %slice3A_1468 = vector.extract_strided_slice %get3A_1381 {offsets = [8], sizes = [1], strides = [1]} : vector<16xi32> to vector<1xi32>
        %squeeze3A_1469 = vector.extract %slice3A_1468[0] : i32 from vector<1xi32>
        %mul3A_1470 = arith.constant 16 : i32
        %mul3A_1471 = arith.muli %scan3A_1374, %mul3A_1470 : i32
        %add3A_1472 = arith.constant 8 : i32
        %add3A_1473 = arith.addi %mul3A_1471, %add3A_1472 : i32
        %dma_start3A_1474 = arith.constant 0 : i32
        %dma_start3A_1475 = tpu.memref_slice %arg6[%arg1, %add3A_1473, %dma_start3A_1474] : memref<16x256x64xf32, #tpu.memory_space<vmem_shared>> -> memref<1x1x64xf32, #tpu.memory_space<vmem_shared>>
        %dma_start3A_1476 = tpu.memref_squeeze %dma_start3A_1475 : memref<1x1x64xf32, #tpu.memory_space<vmem_shared>> -> memref<1x64xf32, #tpu.memory_space<vmem_shared>>
        %dma_start3A_1477 = arith.constant 0 : i32
        %dma_start3A_1478 = tpu.memref_slice %arg3[%squeeze3A_1469, %dma_start3A_1477] : memref<1000000x64xf32, #tpu.memory_space<hbm>> -> memref<1x64xf32, #tpu.memory_space<hbm>>
        tpu.enqueue_dma source(%dma_start3A_1478 : memref<1x64xf32, #tpu.memory_space<hbm>>) target(%dma_start3A_1476 : memref<1x64xf32, #tpu.memory_space<vmem_shared>>) target_semaphore(%arg7 : memref<!tpu.dma_semaphore, #tpu.memory_space<semaphore_mem>>)
        %slice3A_1479 = vector.extract_strided_slice %get3A_1381 {offsets = [9], sizes = [1], strides = [1]} : vector<16xi32> to vector<1xi32>
        %squeeze3A_1480 = vector.extract %slice3A_1479[0] : i32 from vector<1xi32>
        %mul3A_1481 = arith.constant 16 : i32
        %mul3A_1482 = arith.muli %scan3A_1374, %mul3A_1481 : i32
        %add3A_1483 = arith.constant 9 : i32
        %add3A_1484 = arith.addi %mul3A_1482, %add3A_1483 : i32
        %dma_start3A_1485 = arith.constant 0 : i32
        %dma_start3A_1486 = tpu.memref_slice %arg6[%arg1, %add3A_1484, %dma_start3A_1485] : memref<16x256x64xf32, #tpu.memory_space<vmem_shared>> -> memref<1x1x64xf32, #tpu.memory_space<vmem_shared>>
        %dma_start3A_1487 = tpu.memref_squeeze %dma_start3A_1486 : memref<1x1x64xf32, #tpu.memory_space<vmem_shared>> -> memref<1x64xf32, #tpu.memory_space<vmem_shared>>
        %dma_start3A_1488 = arith.constant 0 : i32
        %dma_start3A_1489 = tpu.memref_slice %arg3[%squeeze3A_1480, %dma_start3A_1488] : memref<1000000x64xf32, #tpu.memory_space<hbm>> -> memref<1x64xf32, #tpu.memory_space<hbm>>
        tpu.enqueue_dma source(%dma_start3A_1489 : memref<1x64xf32, #tpu.memory_space<hbm>>) target(%dma_start3A_1487 : memref<1x64xf32, #tpu.memory_space<vmem_shared>>) target_semaphore(%arg7 : memref<!tpu.dma_semaphore, #tpu.memory_space<semaphore_mem>>)
        %slice3A_1490 = vector.extract_strided_slice %get3A_1381 {offsets = [10], sizes = [1], strides = [1]} : vector<16xi32> to vector<1xi32>
        %squeeze3A_1491 = vector.extract %slice3A_1490[0] : i32 from vector<1xi32>
        %mul3A_1492 = arith.constant 16 : i32
        %mul3A_1493 = arith.muli %scan3A_1374, %mul3A_1492 : i32
        %add3A_1494 = arith.constant 10 : i32
        %add3A_1495 = arith.addi %mul3A_1493, %add3A_1494 : i32
        %dma_start3A_1496 = arith.constant 0 : i32
        %dma_start3A_1497 = tpu.memref_slice %arg6[%arg1, %add3A_1495, %dma_start3A_1496] : memref<16x256x64xf32, #tpu.memory_space<vmem_shared>> -> memref<1x1x64xf32, #tpu.memory_space<vmem_shared>>
        %dma_start3A_1498 = tpu.memref_squeeze %dma_start3A_1497 : memref<1x1x64xf32, #tpu.memory_space<vmem_shared>> -> memref<1x64xf32, #tpu.memory_space<vmem_shared>>
        %dma_start3A_1499 = arith.constant 0 : i32
        %dma_start3A_1500 = tpu.memref_slice %arg3[%squeeze3A_1491, %dma_start3A_1499] : memref<1000000x64xf32, #tpu.memory_space<hbm>> -> memref<1x64xf32, #tpu.memory_space<hbm>>
        tpu.enqueue_dma source(%dma_start3A_1500 : memref<1x64xf32, #tpu.memory_space<hbm>>) target(%dma_start3A_1498 : memref<1x64xf32, #tpu.memory_space<vmem_shared>>) target_semaphore(%arg7 : memref<!tpu.dma_semaphore, #tpu.memory_space<semaphore_mem>>)
        %slice3A_1501 = vector.extract_strided_slice %get3A_1381 {offsets = [11], sizes = [1], strides = [1]} : vector<16xi32> to vector<1xi32>
        %squeeze3A_1502 = vector.extract %slice3A_1501[0] : i32 from vector<1xi32>
        %mul3A_1503 = arith.constant 16 : i32
        %mul3A_1504 = arith.muli %scan3A_1374, %mul3A_1503 : i32
        %add3A_1505 = arith.constant 11 : i32
        %add3A_1506 = arith.addi %mul3A_1504, %add3A_1505 : i32
        %dma_start3A_1507 = arith.constant 0 : i32
        %dma_start3A_1508 = tpu.memref_slice %arg6[%arg1, %add3A_1506, %dma_start3A_1507] : memref<16x256x64xf32, #tpu.memory_space<vmem_shared>> -> memref<1x1x64xf32, #tpu.memory_space<vmem_shared>>
        %dma_start3A_1509 = tpu.memref_squeeze %dma_start3A_1508 : memref<1x1x64xf32, #tpu.memory_space<vmem_shared>> -> memref<1x64xf32, #tpu.memory_space<vmem_shared>>
        %dma_start3A_1510 = arith.constant 0 : i32
        %dma_start3A_1511 = tpu.memref_slice %arg3[%squeeze3A_1502, %dma_start3A_1510] : memref<1000000x64xf32, #tpu.memory_space<hbm>> -> memref<1x64xf32, #tpu.memory_space<hbm>>
        tpu.enqueue_dma source(%dma_start3A_1511 : memref<1x64xf32, #tpu.memory_space<hbm>>) target(%dma_start3A_1509 : memref<1x64xf32, #tpu.memory_space<vmem_shared>>) target_semaphore(%arg7 : memref<!tpu.dma_semaphore, #tpu.memory_space<semaphore_mem>>)
        %slice3A_1512 = vector.extract_strided_slice %get3A_1381 {offsets = [12], sizes = [1], strides = [1]} : vector<16xi32> to vector<1xi32>
        %squeeze3A_1513 = vector.extract %slice3A_1512[0] : i32 from vector<1xi32>
        %mul3A_1514 = arith.constant 16 : i32
        %mul3A_1515 = arith.muli %scan3A_1374, %mul3A_1514 : i32
        %add3A_1516 = arith.constant 12 : i32
        %add3A_1517 = arith.addi %mul3A_1515, %add3A_1516 : i32
        %dma_start3A_1518 = arith.constant 0 : i32
        %dma_start3A_1519 = tpu.memref_slice %arg6[%arg1, %add3A_1517, %dma_start3A_1518] : memref<16x256x64xf32, #tpu.memory_space<vmem_shared>> -> memref<1x1x64xf32, #tpu.memory_space<vmem_shared>>
        %dma_start3A_1520 = tpu.memref_squeeze %dma_start3A_1519 : memref<1x1x64xf32, #tpu.memory_space<vmem_shared>> -> memref<1x64xf32, #tpu.memory_space<vmem_shared>>
        %dma_start3A_1521 = arith.constant 0 : i32
        %dma_start3A_1522 = tpu.memref_slice %arg3[%squeeze3A_1513, %dma_start3A_1521] : memref<1000000x64xf32, #tpu.memory_space<hbm>> -> memref<1x64xf32, #tpu.memory_space<hbm>>
        tpu.enqueue_dma source(%dma_start3A_1522 : memref<1x64xf32, #tpu.memory_space<hbm>>) target(%dma_start3A_1520 : memref<1x64xf32, #tpu.memory_space<vmem_shared>>) target_semaphore(%arg7 : memref<!tpu.dma_semaphore, #tpu.memory_space<semaphore_mem>>)
        %slice3A_1523 = vector.extract_strided_slice %get3A_1381 {offsets = [13], sizes = [1], strides = [1]} : vector<16xi32> to vector<1xi32>
        %squeeze3A_1524 = vector.extract %slice3A_1523[0] : i32 from vector<1xi32>
        %mul3A_1525 = arith.constant 16 : i32
        %mul3A_1526 = arith.muli %scan3A_1374, %mul3A_1525 : i32
        %add3A_1527 = arith.constant 13 : i32
        %add3A_1528 = arith.addi %mul3A_1526, %add3A_1527 : i32
        %dma_start3A_1529 = arith.constant 0 : i32
        %dma_start3A_1530 = tpu.memref_slice %arg6[%arg1, %add3A_1528, %dma_start3A_1529] : memref<16x256x64xf32, #tpu.memory_space<vmem_shared>> -> memref<1x1x64xf32, #tpu.memory_space<vmem_shared>>
        %dma_start3A_1531 = tpu.memref_squeeze %dma_start3A_1530 : memref<1x1x64xf32, #tpu.memory_space<vmem_shared>> -> memref<1x64xf32, #tpu.memory_space<vmem_shared>>
        %dma_start3A_1532 = arith.constant 0 : i32
        %dma_start3A_1533 = tpu.memref_slice %arg3[%squeeze3A_1524, %dma_start3A_1532] : memref<1000000x64xf32, #tpu.memory_space<hbm>> -> memref<1x64xf32, #tpu.memory_space<hbm>>
        tpu.enqueue_dma source(%dma_start3A_1533 : memref<1x64xf32, #tpu.memory_space<hbm>>) target(%dma_start3A_1531 : memref<1x64xf32, #tpu.memory_space<vmem_shared>>) target_semaphore(%arg7 : memref<!tpu.dma_semaphore, #tpu.memory_space<semaphore_mem>>)
        %slice3A_1534 = vector.extract_strided_slice %get3A_1381 {offsets = [14], sizes = [1], strides = [1]} : vector<16xi32> to vector<1xi32>
        %squeeze3A_1535 = vector.extract %slice3A_1534[0] : i32 from vector<1xi32>
        %mul3A_1536 = arith.constant 16 : i32
        %mul3A_1537 = arith.muli %scan3A_1374, %mul3A_1536 : i32
        %add3A_1538 = arith.constant 14 : i32
        %add3A_1539 = arith.addi %mul3A_1537, %add3A_1538 : i32
        %dma_start3A_1540 = arith.constant 0 : i32
        %dma_start3A_1541 = tpu.memref_slice %arg6[%arg1, %add3A_1539, %dma_start3A_1540] : memref<16x256x64xf32, #tpu.memory_space<vmem_shared>> -> memref<1x1x64xf32, #tpu.memory_space<vmem_shared>>
        %dma_start3A_1542 = tpu.memref_squeeze %dma_start3A_1541 : memref<1x1x64xf32, #tpu.memory_space<vmem_shared>> -> memref<1x64xf32, #tpu.memory_space<vmem_shared>>
        %dma_start3A_1543 = arith.constant 0 : i32
        %dma_start3A_1544 = tpu.memref_slice %arg3[%squeeze3A_1535, %dma_start3A_1543] : memref<1000000x64xf32, #tpu.memory_space<hbm>> -> memref<1x64xf32, #tpu.memory_space<hbm>>
        tpu.enqueue_dma source(%dma_start3A_1544 : memref<1x64xf32, #tpu.memory_space<hbm>>) target(%dma_start3A_1542 : memref<1x64xf32, #tpu.memory_space<vmem_shared>>) target_semaphore(%arg7 : memref<!tpu.dma_semaphore, #tpu.memory_space<semaphore_mem>>)
        %slice3A_1545 = vector.extract_strided_slice %get3A_1381 {offsets = [15], sizes = [1], strides = [1]} : vector<16xi32> to vector<1xi32>
        %squeeze3A_1546 = vector.extract %slice3A_1545[0] : i32 from vector<1xi32>
        %mul3A_1547 = arith.constant 16 : i32
        %mul3A_1548 = arith.muli %scan3A_1374, %mul3A_1547 : i32
        %add3A_1549 = arith.constant 15 : i32
        %add3A_1550 = arith.addi %mul3A_1548, %add3A_1549 : i32
        %dma_start3A_1551 = arith.constant 0 : i32
        %dma_start3A_1552 = tpu.memref_slice %arg6[%arg1, %add3A_1550, %dma_start3A_1551] : memref<16x256x64xf32, #tpu.memory_space<vmem_shared>> -> memref<1x1x64xf32, #tpu.memory_space<vmem_shared>>
        %dma_start3A_1553 = tpu.memref_squeeze %dma_start3A_1552 : memref<1x1x64xf32, #tpu.memory_space<vmem_shared>> -> memref<1x64xf32, #tpu.memory_space<vmem_shared>>
        %dma_start3A_1554 = arith.constant 0 : i32
        %dma_start3A_1555 = tpu.memref_slice %arg3[%squeeze3A_1546, %dma_start3A_1554] : memref<1000000x64xf32, #tpu.memory_space<hbm>> -> memref<1x64xf32, #tpu.memory_space<hbm>>
        tpu.enqueue_dma source(%dma_start3A_1555 : memref<1x64xf32, #tpu.memory_space<hbm>>) target(%dma_start3A_1553 : memref<1x64xf32, #tpu.memory_space<vmem_shared>>) target_semaphore(%arg7 : memref<!tpu.dma_semaphore, #tpu.memory_space<semaphore_mem>>)
        %ge3A = arith.constant 12 : i32
        %ge3A_1556 = arith.cmpi sge, %scan3A_1374, %ge3A : i32
        %convert_element_type3A = arith.extui %ge3A_1556 : i1 to i32
        %cond3A = arith.constant 0 : i32
        %cond3A_1557 = arith.cmpi ne, %convert_element_type3A, %cond3A : i32
        scf.if %cond3A_1557 {
          %dma_wait3A_1558 = arith.constant 0 : i32
          %dma_wait3A_1559 = arith.constant 0 : i32
          %dma_wait3A_1560 = tpu.memref_slice %arg6[%arg1, %dma_wait3A_1558, %dma_wait3A_1559] : memref<16x256x64xf32, #tpu.memory_space<vmem_shared>> -> memref<1x1x64xf32, #tpu.memory_space<vmem_shared>>
          %dma_wait3A_1561 = tpu.memref_squeeze %dma_wait3A_1560 : memref<1x1x64xf32, #tpu.memory_space<vmem_shared>> -> memref<1x64xf32, #tpu.memory_space<vmem_shared>>
          %dma_wait3A_1562 = arith.constant 0 : i32
          %dma_wait3A_1563 = arith.constant 0 : i32
          %dma_wait3A_1564 = tpu.memref_slice %arg3[%dma_wait3A_1562, %dma_wait3A_1563] : memref<1000000x64xf32, #tpu.memory_space<hbm>> -> memref<1x64xf32, #tpu.memory_space<hbm>>
          tpu.wait_dma2 semaphore(%arg7 : memref<!tpu.dma_semaphore, #tpu.memory_space<semaphore_mem>>) src(%dma_wait3A_1564 : memref<1x64xf32, #tpu.memory_space<hbm>>) dst(%dma_wait3A_1561 : memref<1x64xf32, #tpu.memory_space<vmem_shared>>)
          %dma_wait3A_1565 = arith.constant 0 : i32
          %dma_wait3A_1566 = arith.constant 0 : i32
          %dma_wait3A_1567 = tpu.memref_slice %arg6[%arg1, %dma_wait3A_1565, %dma_wait3A_1566] : memref<16x256x64xf32, #tpu.memory_space<vmem_shared>> -> memref<1x1x64xf32, #tpu.memory_space<vmem_shared>>
          %dma_wait3A_1568 = tpu.memref_squeeze %dma_wait3A_1567 : memref<1x1x64xf32, #tpu.memory_space<vmem_shared>> -> memref<1x64xf32, #tpu.memory_space<vmem_shared>>
          %dma_wait3A_1569 = arith.constant 0 : i32
          %dma_wait3A_1570 = arith.constant 0 : i32
          %dma_wait3A_1571 = tpu.memref_slice %arg3[%dma_wait3A_1569, %dma_wait3A_1570] : memref<1000000x64xf32, #tpu.memory_space<hbm>> -> memref<1x64xf32, #tpu.memory_space<hbm>>
          tpu.wait_dma2 semaphore(%arg7 : memref<!tpu.dma_semaphore, #tpu.memory_space<semaphore_mem>>) src(%dma_wait3A_1571 : memref<1x64xf32, #tpu.memory_space<hbm>>) dst(%dma_wait3A_1568 : memref<1x64xf32, #tpu.memory_space<vmem_shared>>)
          %dma_wait3A_1572 = arith.constant 0 : i32
          %dma_wait3A_1573 = arith.constant 0 : i32
          %dma_wait3A_1574 = tpu.memref_slice %arg6[%arg1, %dma_wait3A_1572, %dma_wait3A_1573] : memref<16x256x64xf32, #tpu.memory_space<vmem_shared>> -> memref<1x1x64xf32, #tpu.memory_space<vmem_shared>>
          %dma_wait3A_1575 = tpu.memref_squeeze %dma_wait3A_1574 : memref<1x1x64xf32, #tpu.memory_space<vmem_shared>> -> memref<1x64xf32, #tpu.memory_space<vmem_shared>>
          %dma_wait3A_1576 = arith.constant 0 : i32
          %dma_wait3A_1577 = arith.constant 0 : i32
          %dma_wait3A_1578 = tpu.memref_slice %arg3[%dma_wait3A_1576, %dma_wait3A_1577] : memref<1000000x64xf32, #tpu.memory_space<hbm>> -> memref<1x64xf32, #tpu.memory_space<hbm>>
          tpu.wait_dma2 semaphore(%arg7 : memref<!tpu.dma_semaphore, #tpu.memory_space<semaphore_mem>>) src(%dma_wait3A_1578 : memref<1x64xf32, #tpu.memory_space<hbm>>) dst(%dma_wait3A_1575 : memref<1x64xf32, #tpu.memory_space<vmem_shared>>)
          %dma_wait3A_1579 = arith.constant 0 : i32
          %dma_wait3A_1580 = arith.constant 0 : i32
          %dma_wait3A_1581 = tpu.memref_slice %arg6[%arg1, %dma_wait3A_1579, %dma_wait3A_1580] : memref<16x256x64xf32, #tpu.memory_space<vmem_shared>> -> memref<1x1x64xf32, #tpu.memory_space<vmem_shared>>
          %dma_wait3A_1582 = tpu.memref_squeeze %dma_wait3A_1581 : memref<1x1x64xf32, #tpu.memory_space<vmem_shared>> -> memref<1x64xf32, #tpu.memory_space<vmem_shared>>
          %dma_wait3A_1583 = arith.constant 0 : i32
          %dma_wait3A_1584 = arith.constant 0 : i32
          %dma_wait3A_1585 = tpu.memref_slice %arg3[%dma_wait3A_1583, %dma_wait3A_1584] : memref<1000000x64xf32, #tpu.memory_space<hbm>> -> memref<1x64xf32, #tpu.memory_space<hbm>>
          tpu.wait_dma2 semaphore(%arg7 : memref<!tpu.dma_semaphore, #tpu.memory_space<semaphore_mem>>) src(%dma_wait3A_1585 : memref<1x64xf32, #tpu.memory_space<hbm>>) dst(%dma_wait3A_1582 : memref<1x64xf32, #tpu.memory_space<vmem_shared>>)
          %dma_wait3A_1586 = arith.constant 0 : i32
          %dma_wait3A_1587 = arith.constant 0 : i32
          %dma_wait3A_1588 = tpu.memref_slice %arg6[%arg1, %dma_wait3A_1586, %dma_wait3A_1587] : memref<16x256x64xf32, #tpu.memory_space<vmem_shared>> -> memref<1x1x64xf32, #tpu.memory_space<vmem_shared>>
          %dma_wait3A_1589 = tpu.memref_squeeze %dma_wait3A_1588 : memref<1x1x64xf32, #tpu.memory_space<vmem_shared>> -> memref<1x64xf32, #tpu.memory_space<vmem_shared>>
          %dma_wait3A_1590 = arith.constant 0 : i32
          %dma_wait3A_1591 = arith.constant 0 : i32
          %dma_wait3A_1592 = tpu.memref_slice %arg3[%dma_wait3A_1590, %dma_wait3A_1591] : memref<1000000x64xf32, #tpu.memory_space<hbm>> -> memref<1x64xf32, #tpu.memory_space<hbm>>
          tpu.wait_dma2 semaphore(%arg7 : memref<!tpu.dma_semaphore, #tpu.memory_space<semaphore_mem>>) src(%dma_wait3A_1592 : memref<1x64xf32, #tpu.memory_space<hbm>>) dst(%dma_wait3A_1589 : memref<1x64xf32, #tpu.memory_space<vmem_shared>>)
          %dma_wait3A_1593 = arith.constant 0 : i32
          %dma_wait3A_1594 = arith.constant 0 : i32
          %dma_wait3A_1595 = tpu.memref_slice %arg6[%arg1, %dma_wait3A_1593, %dma_wait3A_1594] : memref<16x256x64xf32, #tpu.memory_space<vmem_shared>> -> memref<1x1x64xf32, #tpu.memory_space<vmem_shared>>
          %dma_wait3A_1596 = tpu.memref_squeeze %dma_wait3A_1595 : memref<1x1x64xf32, #tpu.memory_space<vmem_shared>> -> memref<1x64xf32, #tpu.memory_space<vmem_shared>>
          %dma_wait3A_1597 = arith.constant 0 : i32
          %dma_wait3A_1598 = arith.constant 0 : i32
          %dma_wait3A_1599 = tpu.memref_slice %arg3[%dma_wait3A_1597, %dma_wait3A_1598] : memref<1000000x64xf32, #tpu.memory_space<hbm>> -> memref<1x64xf32, #tpu.memory_space<hbm>>
          tpu.wait_dma2 semaphore(%arg7 : memref<!tpu.dma_semaphore, #tpu.memory_space<semaphore_mem>>) src(%dma_wait3A_1599 : memref<1x64xf32, #tpu.memory_space<hbm>>) dst(%dma_wait3A_1596 : memref<1x64xf32, #tpu.memory_space<vmem_shared>>)
          %dma_wait3A_1600 = arith.constant 0 : i32
          %dma_wait3A_1601 = arith.constant 0 : i32
          %dma_wait3A_1602 = tpu.memref_slice %arg6[%arg1, %dma_wait3A_1600, %dma_wait3A_1601] : memref<16x256x64xf32, #tpu.memory_space<vmem_shared>> -> memref<1x1x64xf32, #tpu.memory_space<vmem_shared>>
          %dma_wait3A_1603 = tpu.memref_squeeze %dma_wait3A_1602 : memref<1x1x64xf32, #tpu.memory_space<vmem_shared>> -> memref<1x64xf32, #tpu.memory_space<vmem_shared>>
          %dma_wait3A_1604 = arith.constant 0 : i32
          %dma_wait3A_1605 = arith.constant 0 : i32
          %dma_wait3A_1606 = tpu.memref_slice %arg3[%dma_wait3A_1604, %dma_wait3A_1605] : memref<1000000x64xf32, #tpu.memory_space<hbm>> -> memref<1x64xf32, #tpu.memory_space<hbm>>
          tpu.wait_dma2 semaphore(%arg7 : memref<!tpu.dma_semaphore, #tpu.memory_space<semaphore_mem>>) src(%dma_wait3A_1606 : memref<1x64xf32, #tpu.memory_space<hbm>>) dst(%dma_wait3A_1603 : memref<1x64xf32, #tpu.memory_space<vmem_shared>>)
          %dma_wait3A_1607 = arith.constant 0 : i32
          %dma_wait3A_1608 = arith.constant 0 : i32
          %dma_wait3A_1609 = tpu.memref_slice %arg6[%arg1, %dma_wait3A_1607, %dma_wait3A_1608] : memref<16x256x64xf32, #tpu.memory_space<vmem_shared>> -> memref<1x1x64xf32, #tpu.memory_space<vmem_shared>>
          %dma_wait3A_1610 = tpu.memref_squeeze %dma_wait3A_1609 : memref<1x1x64xf32, #tpu.memory_space<vmem_shared>> -> memref<1x64xf32, #tpu.memory_space<vmem_shared>>
          %dma_wait3A_1611 = arith.constant 0 : i32
          %dma_wait3A_1612 = arith.constant 0 : i32
          %dma_wait3A_1613 = tpu.memref_slice %arg3[%dma_wait3A_1611, %dma_wait3A_1612] : memref<1000000x64xf32, #tpu.memory_space<hbm>> -> memref<1x64xf32, #tpu.memory_space<hbm>>
          tpu.wait_dma2 semaphore(%arg7 : memref<!tpu.dma_semaphore, #tpu.memory_space<semaphore_mem>>) src(%dma_wait3A_1613 : memref<1x64xf32, #tpu.memory_space<hbm>>) dst(%dma_wait3A_1610 : memref<1x64xf32, #tpu.memory_space<vmem_shared>>)
          %dma_wait3A_1614 = arith.constant 0 : i32
          %dma_wait3A_1615 = arith.constant 0 : i32
          %dma_wait3A_1616 = tpu.memref_slice %arg6[%arg1, %dma_wait3A_1614, %dma_wait3A_1615] : memref<16x256x64xf32, #tpu.memory_space<vmem_shared>> -> memref<1x1x64xf32, #tpu.memory_space<vmem_shared>>
          %dma_wait3A_1617 = tpu.memref_squeeze %dma_wait3A_1616 : memref<1x1x64xf32, #tpu.memory_space<vmem_shared>> -> memref<1x64xf32, #tpu.memory_space<vmem_shared>>
          %dma_wait3A_1618 = arith.constant 0 : i32
          %dma_wait3A_1619 = arith.constant 0 : i32
          %dma_wait3A_1620 = tpu.memref_slice %arg3[%dma_wait3A_1618, %dma_wait3A_1619] : memref<1000000x64xf32, #tpu.memory_space<hbm>> -> memref<1x64xf32, #tpu.memory_space<hbm>>
          tpu.wait_dma2 semaphore(%arg7 : memref<!tpu.dma_semaphore, #tpu.memory_space<semaphore_mem>>) src(%dma_wait3A_1620 : memref<1x64xf32, #tpu.memory_space<hbm>>) dst(%dma_wait3A_1617 : memref<1x64xf32, #tpu.memory_space<vmem_shared>>)
          %dma_wait3A_1621 = arith.constant 0 : i32
          %dma_wait3A_1622 = arith.constant 0 : i32
          %dma_wait3A_1623 = tpu.memref_slice %arg6[%arg1, %dma_wait3A_1621, %dma_wait3A_1622] : memref<16x256x64xf32, #tpu.memory_space<vmem_shared>> -> memref<1x1x64xf32, #tpu.memory_space<vmem_shared>>
          %dma_wait3A_1624 = tpu.memref_squeeze %dma_wait3A_1623 : memref<1x1x64xf32, #tpu.memory_space<vmem_shared>> -> memref<1x64xf32, #tpu.memory_space<vmem_shared>>
          %dma_wait3A_1625 = arith.constant 0 : i32
          %dma_wait3A_1626 = arith.constant 0 : i32
          %dma_wait3A_1627 = tpu.memref_slice %arg3[%dma_wait3A_1625, %dma_wait3A_1626] : memref<1000000x64xf32, #tpu.memory_space<hbm>> -> memref<1x64xf32, #tpu.memory_space<hbm>>
          tpu.wait_dma2 semaphore(%arg7 : memref<!tpu.dma_semaphore, #tpu.memory_space<semaphore_mem>>) src(%dma_wait3A_1627 : memref<1x64xf32, #tpu.memory_space<hbm>>) dst(%dma_wait3A_1624 : memref<1x64xf32, #tpu.memory_space<vmem_shared>>)
          %dma_wait3A_1628 = arith.constant 0 : i32
          %dma_wait3A_1629 = arith.constant 0 : i32
          %dma_wait3A_1630 = tpu.memref_slice %arg6[%arg1, %dma_wait3A_1628, %dma_wait3A_1629] : memref<16x256x64xf32, #tpu.memory_space<vmem_shared>> -> memref<1x1x64xf32, #tpu.memory_space<vmem_shared>>
          %dma_wait3A_1631 = tpu.memref_squeeze %dma_wait3A_1630 : memref<1x1x64xf32, #tpu.memory_space<vmem_shared>> -> memref<1x64xf32, #tpu.memory_space<vmem_shared>>
          %dma_wait3A_1632 = arith.constant 0 : i32
          %dma_wait3A_1633 = arith.constant 0 : i32
          %dma_wait3A_1634 = tpu.memref_slice %arg3[%dma_wait3A_1632, %dma_wait3A_1633] : memref<1000000x64xf32, #tpu.memory_space<hbm>> -> memref<1x64xf32, #tpu.memory_space<hbm>>
          tpu.wait_dma2 semaphore(%arg7 : memref<!tpu.dma_semaphore, #tpu.memory_space<semaphore_mem>>) src(%dma_wait3A_1634 : memref<1x64xf32, #tpu.memory_space<hbm>>) dst(%dma_wait3A_1631 : memref<1x64xf32, #tpu.memory_space<vmem_shared>>)
          %dma_wait3A_1635 = arith.constant 0 : i32
          %dma_wait3A_1636 = arith.constant 0 : i32
          %dma_wait3A_1637 = tpu.memref_slice %arg6[%arg1, %dma_wait3A_1635, %dma_wait3A_1636] : memref<16x256x64xf32, #tpu.memory_space<vmem_shared>> -> memref<1x1x64xf32, #tpu.memory_space<vmem_shared>>
          %dma_wait3A_1638 = tpu.memref_squeeze %dma_wait3A_1637 : memref<1x1x64xf32, #tpu.memory_space<vmem_shared>> -> memref<1x64xf32, #tpu.memory_space<vmem_shared>>
          %dma_wait3A_1639 = arith.constant 0 : i32
          %dma_wait3A_1640 = arith.constant 0 : i32
          %dma_wait3A_1641 = tpu.memref_slice %arg3[%dma_wait3A_1639, %dma_wait3A_1640] : memref<1000000x64xf32, #tpu.memory_space<hbm>> -> memref<1x64xf32, #tpu.memory_space<hbm>>
          tpu.wait_dma2 semaphore(%arg7 : memref<!tpu.dma_semaphore, #tpu.memory_space<semaphore_mem>>) src(%dma_wait3A_1641 : memref<1x64xf32, #tpu.memory_space<hbm>>) dst(%dma_wait3A_1638 : memref<1x64xf32, #tpu.memory_space<vmem_shared>>)
          %dma_wait3A_1642 = arith.constant 0 : i32
          %dma_wait3A_1643 = arith.constant 0 : i32
          %dma_wait3A_1644 = tpu.memref_slice %arg6[%arg1, %dma_wait3A_1642, %dma_wait3A_1643] : memref<16x256x64xf32, #tpu.memory_space<vmem_shared>> -> memref<1x1x64xf32, #tpu.memory_space<vmem_shared>>
          %dma_wait3A_1645 = tpu.memref_squeeze %dma_wait3A_1644 : memref<1x1x64xf32, #tpu.memory_space<vmem_shared>> -> memref<1x64xf32, #tpu.memory_space<vmem_shared>>
          %dma_wait3A_1646 = arith.constant 0 : i32
          %dma_wait3A_1647 = arith.constant 0 : i32
          %dma_wait3A_1648 = tpu.memref_slice %arg3[%dma_wait3A_1646, %dma_wait3A_1647] : memref<1000000x64xf32, #tpu.memory_space<hbm>> -> memref<1x64xf32, #tpu.memory_space<hbm>>
          tpu.wait_dma2 semaphore(%arg7 : memref<!tpu.dma_semaphore, #tpu.memory_space<semaphore_mem>>) src(%dma_wait3A_1648 : memref<1x64xf32, #tpu.memory_space<hbm>>) dst(%dma_wait3A_1645 : memref<1x64xf32, #tpu.memory_space<vmem_shared>>)
          %dma_wait3A_1649 = arith.constant 0 : i32
          %dma_wait3A_1650 = arith.constant 0 : i32
          %dma_wait3A_1651 = tpu.memref_slice %arg6[%arg1, %dma_wait3A_1649, %dma_wait3A_1650] : memref<16x256x64xf32, #tpu.memory_space<vmem_shared>> -> memref<1x1x64xf32, #tpu.memory_space<vmem_shared>>
          %dma_wait3A_1652 = tpu.memref_squeeze %dma_wait3A_1651 : memref<1x1x64xf32, #tpu.memory_space<vmem_shared>> -> memref<1x64xf32, #tpu.memory_space<vmem_shared>>
          %dma_wait3A_1653 = arith.constant 0 : i32
          %dma_wait3A_1654 = arith.constant 0 : i32
          %dma_wait3A_1655 = tpu.memref_slice %arg3[%dma_wait3A_1653, %dma_wait3A_1654] : memref<1000000x64xf32, #tpu.memory_space<hbm>> -> memref<1x64xf32, #tpu.memory_space<hbm>>
          tpu.wait_dma2 semaphore(%arg7 : memref<!tpu.dma_semaphore, #tpu.memory_space<semaphore_mem>>) src(%dma_wait3A_1655 : memref<1x64xf32, #tpu.memory_space<hbm>>) dst(%dma_wait3A_1652 : memref<1x64xf32, #tpu.memory_space<vmem_shared>>)
          %dma_wait3A_1656 = arith.constant 0 : i32
          %dma_wait3A_1657 = arith.constant 0 : i32
          %dma_wait3A_1658 = tpu.memref_slice %arg6[%arg1, %dma_wait3A_1656, %dma_wait3A_1657] : memref<16x256x64xf32, #tpu.memory_space<vmem_shared>> -> memref<1x1x64xf32, #tpu.memory_space<vmem_shared>>
          %dma_wait3A_1659 = tpu.memref_squeeze %dma_wait3A_1658 : memref<1x1x64xf32, #tpu.memory_space<vmem_shared>> -> memref<1x64xf32, #tpu.memory_space<vmem_shared>>
          %dma_wait3A_1660 = arith.constant 0 : i32
          %dma_wait3A_1661 = arith.constant 0 : i32
          %dma_wait3A_1662 = tpu.memref_slice %arg3[%dma_wait3A_1660, %dma_wait3A_1661] : memref<1000000x64xf32, #tpu.memory_space<hbm>> -> memref<1x64xf32, #tpu.memory_space<hbm>>
          tpu.wait_dma2 semaphore(%arg7 : memref<!tpu.dma_semaphore, #tpu.memory_space<semaphore_mem>>) src(%dma_wait3A_1662 : memref<1x64xf32, #tpu.memory_space<hbm>>) dst(%dma_wait3A_1659 : memref<1x64xf32, #tpu.memory_space<vmem_shared>>)
          %dma_wait3A_1663 = arith.constant 0 : i32
          %dma_wait3A_1664 = arith.constant 0 : i32
          %dma_wait3A_1665 = tpu.memref_slice %arg6[%arg1, %dma_wait3A_1663, %dma_wait3A_1664] : memref<16x256x64xf32, #tpu.memory_space<vmem_shared>> -> memref<1x1x64xf32, #tpu.memory_space<vmem_shared>>
          %dma_wait3A_1666 = tpu.memref_squeeze %dma_wait3A_1665 : memref<1x1x64xf32, #tpu.memory_space<vmem_shared>> -> memref<1x64xf32, #tpu.memory_space<vmem_shared>>
          %dma_wait3A_1667 = arith.constant 0 : i32
          %dma_wait3A_1668 = arith.constant 0 : i32
          %dma_wait3A_1669 = tpu.memref_slice %arg3[%dma_wait3A_1667, %dma_wait3A_1668] : memref<1000000x64xf32, #tpu.memory_space<hbm>> -> memref<1x64xf32, #tpu.memory_space<hbm>>
          tpu.wait_dma2 semaphore(%arg7 : memref<!tpu.dma_semaphore, #tpu.memory_space<semaphore_mem>>) src(%dma_wait3A_1669 : memref<1x64xf32, #tpu.memory_space<hbm>>) dst(%dma_wait3A_1666 : memref<1x64xf32, #tpu.memory_space<vmem_shared>>)
        } else {
        }
      }
      %scan3A_14 = arith.constant 16 : i32
      %dma_wait3A = arith.constant 0 : i32
      %dma_wait3A_15 = arith.constant 0 : i32
      %dma_wait3A_16 = tpu.memref_slice %arg6[%arg1, %dma_wait3A, %dma_wait3A_15] : memref<16x256x64xf32, #tpu.memory_space<vmem_shared>> -> memref<1x1x64xf32, #tpu.memory_space<vmem_shared>>
      %dma_wait3A_17 = tpu.memref_squeeze %dma_wait3A_16 : memref<1x1x64xf32, #tpu.memory_space<vmem_shared>> -> memref<1x64xf32, #tpu.memory_space<vmem_shared>>
      %dma_wait3A_18 = arith.constant 0 : i32
      %dma_wait3A_19 = arith.constant 0 : i32
      %dma_wait3A_20 = tpu.memref_slice %arg3[%dma_wait3A_18, %dma_wait3A_19] : memref<1000000x64xf32, #tpu.memory_space<hbm>> -> memref<1x64xf32, #tpu.memory_space<hbm>>
      tpu.wait_dma2 semaphore(%arg7 : memref<!tpu.dma_semaphore, #tpu.memory_space<semaphore_mem>>) src(%dma_wait3A_20 : memref<1x64xf32, #tpu.memory_space<hbm>>) dst(%dma_wait3A_17 : memref<1x64xf32, #tpu.memory_space<vmem_shared>>)
      %dma_wait3A_21 = arith.constant 0 : i32
      %dma_wait3A_22 = arith.constant 0 : i32
      %dma_wait3A_23 = tpu.memref_slice %arg6[%arg1, %dma_wait3A_21, %dma_wait3A_22] : memref<16x256x64xf32, #tpu.memory_space<vmem_shared>> -> memref<1x1x64xf32, #tpu.memory_space<vmem_shared>>
      %dma_wait3A_24 = tpu.memref_squeeze %dma_wait3A_23 : memref<1x1x64xf32, #tpu.memory_space<vmem_shared>> -> memref<1x64xf32, #tpu.memory_space<vmem_shared>>
      %dma_wait3A_25 = arith.constant 0 : i32
      %dma_wait3A_26 = arith.constant 0 : i32
      %dma_wait3A_27 = tpu.memref_slice %arg3[%dma_wait3A_25, %dma_wait3A_26] : memref<1000000x64xf32, #tpu.memory_space<hbm>> -> memref<1x64xf32, #tpu.memory_space<hbm>>
      tpu.wait_dma2 semaphore(%arg7 : memref<!tpu.dma_semaphore, #tpu.memory_space<semaphore_mem>>) src(%dma_wait3A_27 : memref<1x64xf32, #tpu.memory_space<hbm>>) dst(%dma_wait3A_24 : memref<1x64xf32, #tpu.memory_space<vmem_shared>>)
      %dma_wait3A_28 = arith.constant 0 : i32
      %dma_wait3A_29 = arith.constant 0 : i32
      %dma_wait3A_30 = tpu.memref_slice %arg6[%arg1, %dma_wait3A_28, %dma_wait3A_29] : memref<16x256x64xf32, #tpu.memory_space<vmem_shared>> -> memref<1x1x64xf32, #tpu.memory_space<vmem_shared>>
      %dma_wait3A_31 = tpu.memref_squeeze %dma_wait3A_30 : memref<1x1x64xf32, #tpu.memory_space<vmem_shared>> -> memref<1x64xf32, #tpu.memory_space<vmem_shared>>
      %dma_wait3A_32 = arith.constant 0 : i32
      %dma_wait3A_33 = arith.constant 0 : i32
      %dma_wait3A_34 = tpu.memref_slice %arg3[%dma_wait3A_32, %dma_wait3A_33] : memref<1000000x64xf32, #tpu.memory_space<hbm>> -> memref<1x64xf32, #tpu.memory_space<hbm>>
      tpu.wait_dma2 semaphore(%arg7 : memref<!tpu.dma_semaphore, #tpu.memory_space<semaphore_mem>>) src(%dma_wait3A_34 : memref<1x64xf32, #tpu.memory_space<hbm>>) dst(%dma_wait3A_31 : memref<1x64xf32, #tpu.memory_space<vmem_shared>>)
      %dma_wait3A_35 = arith.constant 0 : i32
      %dma_wait3A_36 = arith.constant 0 : i32
      %dma_wait3A_37 = tpu.memref_slice %arg6[%arg1, %dma_wait3A_35, %dma_wait3A_36] : memref<16x256x64xf32, #tpu.memory_space<vmem_shared>> -> memref<1x1x64xf32, #tpu.memory_space<vmem_shared>>
      %dma_wait3A_38 = tpu.memref_squeeze %dma_wait3A_37 : memref<1x1x64xf32, #tpu.memory_space<vmem_shared>> -> memref<1x64xf32, #tpu.memory_space<vmem_shared>>
      %dma_wait3A_39 = arith.constant 0 : i32
      %dma_wait3A_40 = arith.constant 0 : i32
      %dma_wait3A_41 = tpu.memref_slice %arg3[%dma_wait3A_39, %dma_wait3A_40] : memref<1000000x64xf32, #tpu.memory_space<hbm>> -> memref<1x64xf32, #tpu.memory_space<hbm>>
      tpu.wait_dma2 semaphore(%arg7 : memref<!tpu.dma_semaphore, #tpu.memory_space<semaphore_mem>>) src(%dma_wait3A_41 : memref<1x64xf32, #tpu.memory_space<hbm>>) dst(%dma_wait3A_38 : memref<1x64xf32, #tpu.memory_space<vmem_shared>>)
      %dma_wait3A_42 = arith.constant 0 : i32
      %dma_wait3A_43 = arith.constant 0 : i32
      %dma_wait3A_44 = tpu.memref_slice %arg6[%arg1, %dma_wait3A_42, %dma_wait3A_43] : memref<16x256x64xf32, #tpu.memory_space<vmem_shared>> -> memref<1x1x64xf32, #tpu.memory_space<vmem_shared>>
      %dma_wait3A_45 = tpu.memref_squeeze %dma_wait3A_44 : memref<1x1x64xf32, #tpu.memory_space<vmem_shared>> -> memref<1x64xf32, #tpu.memory_space<vmem_shared>>
      %dma_wait3A_46 = arith.constant 0 : i32
      %dma_wait3A_47 = arith.constant 0 : i32
      %dma_wait3A_48 = tpu.memref_slice %arg3[%dma_wait3A_46, %dma_wait3A_47] : memref<1000000x64xf32, #tpu.memory_space<hbm>> -> memref<1x64xf32, #tpu.memory_space<hbm>>
      tpu.wait_dma2 semaphore(%arg7 : memref<!tpu.dma_semaphore, #tpu.memory_space<semaphore_mem>>) src(%dma_wait3A_48 : memref<1x64xf32, #tpu.memory_space<hbm>>) dst(%dma_wait3A_45 : memref<1x64xf32, #tpu.memory_space<vmem_shared>>)
      %dma_wait3A_49 = arith.constant 0 : i32
      %dma_wait3A_50 = arith.constant 0 : i32
      %dma_wait3A_51 = tpu.memref_slice %arg6[%arg1, %dma_wait3A_49, %dma_wait3A_50] : memref<16x256x64xf32, #tpu.memory_space<vmem_shared>> -> memref<1x1x64xf32, #tpu.memory_space<vmem_shared>>
      %dma_wait3A_52 = tpu.memref_squeeze %dma_wait3A_51 : memref<1x1x64xf32, #tpu.memory_space<vmem_shared>> -> memref<1x64xf32, #tpu.memory_space<vmem_shared>>
      %dma_wait3A_53 = arith.constant 0 : i32
      %dma_wait3A_54 = arith.constant 0 : i32
      %dma_wait3A_55 = tpu.memref_slice %arg3[%dma_wait3A_53, %dma_wait3A_54] : memref<1000000x64xf32, #tpu.memory_space<hbm>> -> memref<1x64xf32, #tpu.memory_space<hbm>>
      tpu.wait_dma2 semaphore(%arg7 : memref<!tpu.dma_semaphore, #tpu.memory_space<semaphore_mem>>) src(%dma_wait3A_55 : memref<1x64xf32, #tpu.memory_space<hbm>>) dst(%dma_wait3A_52 : memref<1x64xf32, #tpu.memory_space<vmem_shared>>)
      %dma_wait3A_56 = arith.constant 0 : i32
      %dma_wait3A_57 = arith.constant 0 : i32
      %dma_wait3A_58 = tpu.memref_slice %arg6[%arg1, %dma_wait3A_56, %dma_wait3A_57] : memref<16x256x64xf32, #tpu.memory_space<vmem_shared>> -> memref<1x1x64xf32, #tpu.memory_space<vmem_shared>>
      %dma_wait3A_59 = tpu.memref_squeeze %dma_wait3A_58 : memref<1x1x64xf32, #tpu.memory_space<vmem_shared>> -> memref<1x64xf32, #tpu.memory_space<vmem_shared>>
      %dma_wait3A_60 = arith.constant 0 : i32
      %dma_wait3A_61 = arith.constant 0 : i32
      %dma_wait3A_62 = tpu.memref_slice %arg3[%dma_wait3A_60, %dma_wait3A_61] : memref<1000000x64xf32, #tpu.memory_space<hbm>> -> memref<1x64xf32, #tpu.memory_space<hbm>>
      tpu.wait_dma2 semaphore(%arg7 : memref<!tpu.dma_semaphore, #tpu.memory_space<semaphore_mem>>) src(%dma_wait3A_62 : memref<1x64xf32, #tpu.memory_space<hbm>>) dst(%dma_wait3A_59 : memref<1x64xf32, #tpu.memory_space<vmem_shared>>)
      %dma_wait3A_63 = arith.constant 0 : i32
      %dma_wait3A_64 = arith.constant 0 : i32
      %dma_wait3A_65 = tpu.memref_slice %arg6[%arg1, %dma_wait3A_63, %dma_wait3A_64] : memref<16x256x64xf32, #tpu.memory_space<vmem_shared>> -> memref<1x1x64xf32, #tpu.memory_space<vmem_shared>>
      %dma_wait3A_66 = tpu.memref_squeeze %dma_wait3A_65 : memref<1x1x64xf32, #tpu.memory_space<vmem_shared>> -> memref<1x64xf32, #tpu.memory_space<vmem_shared>>
      %dma_wait3A_67 = arith.constant 0 : i32
      %dma_wait3A_68 = arith.constant 0 : i32
      %dma_wait3A_69 = tpu.memref_slice %arg3[%dma_wait3A_67, %dma_wait3A_68] : memref<1000000x64xf32, #tpu.memory_space<hbm>> -> memref<1x64xf32, #tpu.memory_space<hbm>>
      tpu.wait_dma2 semaphore(%arg7 : memref<!tpu.dma_semaphore, #tpu.memory_space<semaphore_mem>>) src(%dma_wait3A_69 : memref<1x64xf32, #tpu.memory_space<hbm>>) dst(%dma_wait3A_66 : memref<1x64xf32, #tpu.memory_space<vmem_shared>>)
      %dma_wait3A_70 = arith.constant 0 : i32
      %dma_wait3A_71 = arith.constant 0 : i32
      %dma_wait3A_72 = tpu.memref_slice %arg6[%arg1, %dma_wait3A_70, %dma_wait3A_71] : memref<16x256x64xf32, #tpu.memory_space<vmem_shared>> -> memref<1x1x64xf32, #tpu.memory_space<vmem_shared>>
      %dma_wait3A_73 = tpu.memref_squeeze %dma_wait3A_72 : memref<1x1x64xf32, #tpu.memory_space<vmem_shared>> -> memref<1x64xf32, #tpu.memory_space<vmem_shared>>
      %dma_wait3A_74 = arith.constant 0 : i32
      %dma_wait3A_75 = arith.constant 0 : i32
      %dma_wait3A_76 = tpu.memref_slice %arg3[%dma_wait3A_74, %dma_wait3A_75] : memref<1000000x64xf32, #tpu.memory_space<hbm>> -> memref<1x64xf32, #tpu.memory_space<hbm>>
      tpu.wait_dma2 semaphore(%arg7 : memref<!tpu.dma_semaphore, #tpu.memory_space<semaphore_mem>>) src(%dma_wait3A_76 : memref<1x64xf32, #tpu.memory_space<hbm>>) dst(%dma_wait3A_73 : memref<1x64xf32, #tpu.memory_space<vmem_shared>>)
      %dma_wait3A_77 = arith.constant 0 : i32
      %dma_wait3A_78 = arith.constant 0 : i32
      %dma_wait3A_79 = tpu.memref_slice %arg6[%arg1, %dma_wait3A_77, %dma_wait3A_78] : memref<16x256x64xf32, #tpu.memory_space<vmem_shared>> -> memref<1x1x64xf32, #tpu.memory_space<vmem_shared>>
      %dma_wait3A_80 = tpu.memref_squeeze %dma_wait3A_79 : memref<1x1x64xf32, #tpu.memory_space<vmem_shared>> -> memref<1x64xf32, #tpu.memory_space<vmem_shared>>
      %dma_wait3A_81 = arith.constant 0 : i32
      %dma_wait3A_82 = arith.constant 0 : i32
      %dma_wait3A_83 = tpu.memref_slice %arg3[%dma_wait3A_81, %dma_wait3A_82] : memref<1000000x64xf32, #tpu.memory_space<hbm>> -> memref<1x64xf32, #tpu.memory_space<hbm>>
      tpu.wait_dma2 semaphore(%arg7 : memref<!tpu.dma_semaphore, #tpu.memory_space<semaphore_mem>>) src(%dma_wait3A_83 : memref<1x64xf32, #tpu.memory_space<hbm>>) dst(%dma_wait3A_80 : memref<1x64xf32, #tpu.memory_space<vmem_shared>>)
      %dma_wait3A_84 = arith.constant 0 : i32
      %dma_wait3A_85 = arith.constant 0 : i32
      %dma_wait3A_86 = tpu.memref_slice %arg6[%arg1, %dma_wait3A_84, %dma_wait3A_85] : memref<16x256x64xf32, #tpu.memory_space<vmem_shared>> -> memref<1x1x64xf32, #tpu.memory_space<vmem_shared>>
      %dma_wait3A_87 = tpu.memref_squeeze %dma_wait3A_86 : memref<1x1x64xf32, #tpu.memory_space<vmem_shared>> -> memref<1x64xf32, #tpu.memory_space<vmem_shared>>
      %dma_wait3A_88 = arith.constant 0 : i32
      %dma_wait3A_89 = arith.constant 0 : i32
      %dma_wait3A_90 = tpu.memref_slice %arg3[%dma_wait3A_88, %dma_wait3A_89] : memref<1000000x64xf32, #tpu.memory_space<hbm>> -> memref<1x64xf32, #tpu.memory_space<hbm>>
      tpu.wait_dma2 semaphore(%arg7 : memref<!tpu.dma_semaphore, #tpu.memory_space<semaphore_mem>>) src(%dma_wait3A_90 : memref<1x64xf32, #tpu.memory_space<hbm>>) dst(%dma_wait3A_87 : memref<1x64xf32, #tpu.memory_space<vmem_shared>>)
      %dma_wait3A_91 = arith.constant 0 : i32
      %dma_wait3A_92 = arith.constant 0 : i32
      %dma_wait3A_93 = tpu.memref_slice %arg6[%arg1, %dma_wait3A_91, %dma_wait3A_92] : memref<16x256x64xf32, #tpu.memory_space<vmem_shared>> -> memref<1x1x64xf32, #tpu.memory_space<vmem_shared>>
      %dma_wait3A_94 = tpu.memref_squeeze %dma_wait3A_93 : memref<1x1x64xf32, #tpu.memory_space<vmem_shared>> -> memref<1x64xf32, #tpu.memory_space<vmem_shared>>
      %dma_wait3A_95 = arith.constant 0 : i32
      %dma_wait3A_96 = arith.constant 0 : i32
      %dma_wait3A_97 = tpu.memref_slice %arg3[%dma_wait3A_95, %dma_wait3A_96] : memref<1000000x64xf32, #tpu.memory_space<hbm>> -> memref<1x64xf32, #tpu.memory_space<hbm>>
      tpu.wait_dma2 semaphore(%arg7 : memref<!tpu.dma_semaphore, #tpu.memory_space<semaphore_mem>>) src(%dma_wait3A_97 : memref<1x64xf32, #tpu.memory_space<hbm>>) dst(%dma_wait3A_94 : memref<1x64xf32, #tpu.memory_space<vmem_shared>>)
      %dma_wait3A_98 = arith.constant 0 : i32
      %dma_wait3A_99 = arith.constant 0 : i32
      %dma_wait3A_100 = tpu.memref_slice %arg6[%arg1, %dma_wait3A_98, %dma_wait3A_99] : memref<16x256x64xf32, #tpu.memory_space<vmem_shared>> -> memref<1x1x64xf32, #tpu.memory_space<vmem_shared>>
      %dma_wait3A_101 = tpu.memref_squeeze %dma_wait3A_100 : memref<1x1x64xf32, #tpu.memory_space<vmem_shared>> -> memref<1x64xf32, #tpu.memory_space<vmem_shared>>
      %dma_wait3A_102 = arith.constant 0 : i32
      %dma_wait3A_103 = arith.constant 0 : i32
      %dma_wait3A_104 = tpu.memref_slice %arg3[%dma_wait3A_102, %dma_wait3A_103] : memref<1000000x64xf32, #tpu.memory_space<hbm>> -> memref<1x64xf32, #tpu.memory_space<hbm>>
      tpu.wait_dma2 semaphore(%arg7 : memref<!tpu.dma_semaphore, #tpu.memory_space<semaphore_mem>>) src(%dma_wait3A_104 : memref<1x64xf32, #tpu.memory_space<hbm>>) dst(%dma_wait3A_101 : memref<1x64xf32, #tpu.memory_space<vmem_shared>>)
      %dma_wait3A_105 = arith.constant 0 : i32
      %dma_wait3A_106 = arith.constant 0 : i32
      %dma_wait3A_107 = tpu.memref_slice %arg6[%arg1, %dma_wait3A_105, %dma_wait3A_106] : memref<16x256x64xf32, #tpu.memory_space<vmem_shared>> -> memref<1x1x64xf32, #tpu.memory_space<vmem_shared>>
      %dma_wait3A_108 = tpu.memref_squeeze %dma_wait3A_107 : memref<1x1x64xf32, #tpu.memory_space<vmem_shared>> -> memref<1x64xf32, #tpu.memory_space<vmem_shared>>
      %dma_wait3A_109 = arith.constant 0 : i32
      %dma_wait3A_110 = arith.constant 0 : i32
      %dma_wait3A_111 = tpu.memref_slice %arg3[%dma_wait3A_109, %dma_wait3A_110] : memref<1000000x64xf32, #tpu.memory_space<hbm>> -> memref<1x64xf32, #tpu.memory_space<hbm>>
      tpu.wait_dma2 semaphore(%arg7 : memref<!tpu.dma_semaphore, #tpu.memory_space<semaphore_mem>>) src(%dma_wait3A_111 : memref<1x64xf32, #tpu.memory_space<hbm>>) dst(%dma_wait3A_108 : memref<1x64xf32, #tpu.memory_space<vmem_shared>>)
      %dma_wait3A_112 = arith.constant 0 : i32
      %dma_wait3A_113 = arith.constant 0 : i32
      %dma_wait3A_114 = tpu.memref_slice %arg6[%arg1, %dma_wait3A_112, %dma_wait3A_113] : memref<16x256x64xf32, #tpu.memory_space<vmem_shared>> -> memref<1x1x64xf32, #tpu.memory_space<vmem_shared>>
      %dma_wait3A_115 = tpu.memref_squeeze %dma_wait3A_114 : memref<1x1x64xf32, #tpu.memory_space<vmem_shared>> -> memref<1x64xf32, #tpu.memory_space<vmem_shared>>
      %dma_wait3A_116 = arith.constant 0 : i32
      %dma_wait3A_117 = arith.constant 0 : i32
      %dma_wait3A_118 = tpu.memref_slice %arg3[%dma_wait3A_116, %dma_wait3A_117] : memref<1000000x64xf32, #tpu.memory_space<hbm>> -> memref<1x64xf32, #tpu.memory_space<hbm>>
      tpu.wait_dma2 semaphore(%arg7 : memref<!tpu.dma_semaphore, #tpu.memory_space<semaphore_mem>>) src(%dma_wait3A_118 : memref<1x64xf32, #tpu.memory_space<hbm>>) dst(%dma_wait3A_115 : memref<1x64xf32, #tpu.memory_space<vmem_shared>>)
      %dma_wait3A_119 = arith.constant 0 : i32
      %dma_wait3A_120 = arith.constant 0 : i32
      %dma_wait3A_121 = tpu.memref_slice %arg6[%arg1, %dma_wait3A_119, %dma_wait3A_120] : memref<16x256x64xf32, #tpu.memory_space<vmem_shared>> -> memref<1x1x64xf32, #tpu.memory_space<vmem_shared>>
      %dma_wait3A_122 = tpu.memref_squeeze %dma_wait3A_121 : memref<1x1x64xf32, #tpu.memory_space<vmem_shared>> -> memref<1x64xf32, #tpu.memory_space<vmem_shared>>
      %dma_wait3A_123 = arith.constant 0 : i32
      %dma_wait3A_124 = arith.constant 0 : i32
      %dma_wait3A_125 = tpu.memref_slice %arg3[%dma_wait3A_123, %dma_wait3A_124] : memref<1000000x64xf32, #tpu.memory_space<hbm>> -> memref<1x64xf32, #tpu.memory_space<hbm>>
      tpu.wait_dma2 semaphore(%arg7 : memref<!tpu.dma_semaphore, #tpu.memory_space<semaphore_mem>>) src(%dma_wait3A_125 : memref<1x64xf32, #tpu.memory_space<hbm>>) dst(%dma_wait3A_122 : memref<1x64xf32, #tpu.memory_space<vmem_shared>>)
      %dma_wait3A_126 = arith.constant 0 : i32
      %dma_wait3A_127 = arith.constant 0 : i32
      %dma_wait3A_128 = tpu.memref_slice %arg6[%arg1, %dma_wait3A_126, %dma_wait3A_127] : memref<16x256x64xf32, #tpu.memory_space<vmem_shared>> -> memref<1x1x64xf32, #tpu.memory_space<vmem_shared>>
      %dma_wait3A_129 = tpu.memref_squeeze %dma_wait3A_128 : memref<1x1x64xf32, #tpu.memory_space<vmem_shared>> -> memref<1x64xf32, #tpu.memory_space<vmem_shared>>
      %dma_wait3A_130 = arith.constant 0 : i32
      %dma_wait3A_131 = arith.constant 0 : i32
      %dma_wait3A_132 = tpu.memref_slice %arg3[%dma_wait3A_130, %dma_wait3A_131] : memref<1000000x64xf32, #tpu.memory_space<hbm>> -> memref<1x64xf32, #tpu.memory_space<hbm>>
      tpu.wait_dma2 semaphore(%arg7 : memref<!tpu.dma_semaphore, #tpu.memory_space<semaphore_mem>>) src(%dma_wait3A_132 : memref<1x64xf32, #tpu.memory_space<hbm>>) dst(%dma_wait3A_129 : memref<1x64xf32, #tpu.memory_space<vmem_shared>>)
      %dma_wait3A_133 = arith.constant 0 : i32
      %dma_wait3A_134 = arith.constant 0 : i32
      %dma_wait3A_135 = tpu.memref_slice %arg6[%arg1, %dma_wait3A_133, %dma_wait3A_134] : memref<16x256x64xf32, #tpu.memory_space<vmem_shared>> -> memref<1x1x64xf32, #tpu.memory_space<vmem_shared>>
      %dma_wait3A_136 = tpu.memref_squeeze %dma_wait3A_135 : memref<1x1x64xf32, #tpu.memory_space<vmem_shared>> -> memref<1x64xf32, #tpu.memory_space<vmem_shared>>
      %dma_wait3A_137 = arith.constant 0 : i32
      %dma_wait3A_138 = arith.constant 0 : i32
      %dma_wait3A_139 = tpu.memref_slice %arg3[%dma_wait3A_137, %dma_wait3A_138] : memref<1000000x64xf32, #tpu.memory_space<hbm>> -> memref<1x64xf32, #tpu.memory_space<hbm>>
      tpu.wait_dma2 semaphore(%arg7 : memref<!tpu.dma_semaphore, #tpu.memory_space<semaphore_mem>>) src(%dma_wait3A_139 : memref<1x64xf32, #tpu.memory_space<hbm>>) dst(%dma_wait3A_136 : memref<1x64xf32, #tpu.memory_space<vmem_shared>>)
      %dma_wait3A_140 = arith.constant 0 : i32
      %dma_wait3A_141 = arith.constant 0 : i32
      %dma_wait3A_142 = tpu.memref_slice %arg6[%arg1, %dma_wait3A_140, %dma_wait3A_141] : memref<16x256x64xf32, #tpu.memory_space<vmem_shared>> -> memref<1x1x64xf32, #tpu.memory_space<vmem_shared>>
      %dma_wait3A_143 = tpu.memref_squeeze %dma_wait3A_142 : memref<1x1x64xf32, #tpu.memory_space<vmem_shared>> -> memref<1x64xf32, #tpu.memory_space<vmem_shared>>
      %dma_wait3A_144 = arith.constant 0 : i32
      %dma_wait3A_145 = arith.constant 0 : i32
      %dma_wait3A_146 = tpu.memref_slice %arg3[%dma_wait3A_144, %dma_wait3A_145] : memref<1000000x64xf32, #tpu.memory_space<hbm>> -> memref<1x64xf32, #tpu.memory_space<hbm>>
      tpu.wait_dma2 semaphore(%arg7 : memref<!tpu.dma_semaphore, #tpu.memory_space<semaphore_mem>>) src(%dma_wait3A_146 : memref<1x64xf32, #tpu.memory_space<hbm>>) dst(%dma_wait3A_143 : memref<1x64xf32, #tpu.memory_space<vmem_shared>>)
      %dma_wait3A_147 = arith.constant 0 : i32
      %dma_wait3A_148 = arith.constant 0 : i32
      %dma_wait3A_149 = tpu.memref_slice %arg6[%arg1, %dma_wait3A_147, %dma_wait3A_148] : memref<16x256x64xf32, #tpu.memory_space<vmem_shared>> -> memref<1x1x64xf32, #tpu.memory_space<vmem_shared>>
      %dma_wait3A_150 = tpu.memref_squeeze %dma_wait3A_149 : memref<1x1x64xf32, #tpu.memory_space<vmem_shared>> -> memref<1x64xf32, #tpu.memory_space<vmem_shared>>
      %dma_wait3A_151 = arith.constant 0 : i32
      %dma_wait3A_152 = arith.constant 0 : i32
      %dma_wait3A_153 = tpu.memref_slice %arg3[%dma_wait3A_151, %dma_wait3A_152] : memref<1000000x64xf32, #tpu.memory_space<hbm>> -> memref<1x64xf32, #tpu.memory_space<hbm>>
      tpu.wait_dma2 semaphore(%arg7 : memref<!tpu.dma_semaphore, #tpu.memory_space<semaphore_mem>>) src(%dma_wait3A_153 : memref<1x64xf32, #tpu.memory_space<hbm>>) dst(%dma_wait3A_150 : memref<1x64xf32, #tpu.memory_space<vmem_shared>>)
      %dma_wait3A_154 = arith.constant 0 : i32
      %dma_wait3A_155 = arith.constant 0 : i32
      %dma_wait3A_156 = tpu.memref_slice %arg6[%arg1, %dma_wait3A_154, %dma_wait3A_155] : memref<16x256x64xf32, #tpu.memory_space<vmem_shared>> -> memref<1x1x64xf32, #tpu.memory_space<vmem_shared>>
      %dma_wait3A_157 = tpu.memref_squeeze %dma_wait3A_156 : memref<1x1x64xf32, #tpu.memory_space<vmem_shared>> -> memref<1x64xf32, #tpu.memory_space<vmem_shared>>
      %dma_wait3A_158 = arith.constant 0 : i32
      %dma_wait3A_159 = arith.constant 0 : i32
      %dma_wait3A_160 = tpu.memref_slice %arg3[%dma_wait3A_158, %dma_wait3A_159] : memref<1000000x64xf32, #tpu.memory_space<hbm>> -> memref<1x64xf32, #tpu.memory_space<hbm>>
      tpu.wait_dma2 semaphore(%arg7 : memref<!tpu.dma_semaphore, #tpu.memory_space<semaphore_mem>>) src(%dma_wait3A_160 : memref<1x64xf32, #tpu.memory_space<hbm>>) dst(%dma_wait3A_157 : memref<1x64xf32, #tpu.memory_space<vmem_shared>>)
      %dma_wait3A_161 = arith.constant 0 : i32
      %dma_wait3A_162 = arith.constant 0 : i32
      %dma_wait3A_163 = tpu.memref_slice %arg6[%arg1, %dma_wait3A_161, %dma_wait3A_162] : memref<16x256x64xf32, #tpu.memory_space<vmem_shared>> -> memref<1x1x64xf32, #tpu.memory_space<vmem_shared>>
      %dma_wait3A_164 = tpu.memref_squeeze %dma_wait3A_163 : memref<1x1x64xf32, #tpu.memory_space<vmem_shared>> -> memref<1x64xf32, #tpu.memory_space<vmem_shared>>
      %dma_wait3A_165 = arith.constant 0 : i32
      %dma_wait3A_166 = arith.constant 0 : i32
      %dma_wait3A_167 = tpu.memref_slice %arg3[%dma_wait3A_165, %dma_wait3A_166] : memref<1000000x64xf32, #tpu.memory_space<hbm>> -> memref<1x64xf32, #tpu.memory_space<hbm>>
      tpu.wait_dma2 semaphore(%arg7 : memref<!tpu.dma_semaphore, #tpu.memory_space<semaphore_mem>>) src(%dma_wait3A_167 : memref<1x64xf32, #tpu.memory_space<hbm>>) dst(%dma_wait3A_164 : memref<1x64xf32, #tpu.memory_space<vmem_shared>>)
      %dma_wait3A_168 = arith.constant 0 : i32
      %dma_wait3A_169 = arith.constant 0 : i32
      %dma_wait3A_170 = tpu.memref_slice %arg6[%arg1, %dma_wait3A_168, %dma_wait3A_169] : memref<16x256x64xf32, #tpu.memory_space<vmem_shared>> -> memref<1x1x64xf32, #tpu.memory_space<vmem_shared>>
      %dma_wait3A_171 = tpu.memref_squeeze %dma_wait3A_170 : memref<1x1x64xf32, #tpu.memory_space<vmem_shared>> -> memref<1x64xf32, #tpu.memory_space<vmem_shared>>
      %dma_wait3A_172 = arith.constant 0 : i32
      %dma_wait3A_173 = arith.constant 0 : i32
      %dma_wait3A_174 = tpu.memref_slice %arg3[%dma_wait3A_172, %dma_wait3A_173] : memref<1000000x64xf32, #tpu.memory_space<hbm>> -> memref<1x64xf32, #tpu.memory_space<hbm>>
      tpu.wait_dma2 semaphore(%arg7 : memref<!tpu.dma_semaphore, #tpu.memory_space<semaphore_mem>>) src(%dma_wait3A_174 : memref<1x64xf32, #tpu.memory_space<hbm>>) dst(%dma_wait3A_171 : memref<1x64xf32, #tpu.memory_space<vmem_shared>>)
      %dma_wait3A_175 = arith.constant 0 : i32
      %dma_wait3A_176 = arith.constant 0 : i32
      %dma_wait3A_177 = tpu.memref_slice %arg6[%arg1, %dma_wait3A_175, %dma_wait3A_176] : memref<16x256x64xf32, #tpu.memory_space<vmem_shared>> -> memref<1x1x64xf32, #tpu.memory_space<vmem_shared>>
      %dma_wait3A_178 = tpu.memref_squeeze %dma_wait3A_177 : memref<1x1x64xf32, #tpu.memory_space<vmem_shared>> -> memref<1x64xf32, #tpu.memory_space<vmem_shared>>
      %dma_wait3A_179 = arith.constant 0 : i32
      %dma_wait3A_180 = arith.constant 0 : i32
      %dma_wait3A_181 = tpu.memref_slice %arg3[%dma_wait3A_179, %dma_wait3A_180] : memref<1000000x64xf32, #tpu.memory_space<hbm>> -> memref<1x64xf32, #tpu.memory_space<hbm>>
      tpu.wait_dma2 semaphore(%arg7 : memref<!tpu.dma_semaphore, #tpu.memory_space<semaphore_mem>>) src(%dma_wait3A_181 : memref<1x64xf32, #tpu.memory_space<hbm>>) dst(%dma_wait3A_178 : memref<1x64xf32, #tpu.memory_space<vmem_shared>>)
      %dma_wait3A_182 = arith.constant 0 : i32
      %dma_wait3A_183 = arith.constant 0 : i32
      %dma_wait3A_184 = tpu.memref_slice %arg6[%arg1, %dma_wait3A_182, %dma_wait3A_183] : memref<16x256x64xf32, #tpu.memory_space<vmem_shared>> -> memref<1x1x64xf32, #tpu.memory_space<vmem_shared>>
      %dma_wait3A_185 = tpu.memref_squeeze %dma_wait3A_184 : memref<1x1x64xf32, #tpu.memory_space<vmem_shared>> -> memref<1x64xf32, #tpu.memory_space<vmem_shared>>
      %dma_wait3A_186 = arith.constant 0 : i32
      %dma_wait3A_187 = arith.constant 0 : i32
      %dma_wait3A_188 = tpu.memref_slice %arg3[%dma_wait3A_186, %dma_wait3A_187] : memref<1000000x64xf32, #tpu.memory_space<hbm>> -> memref<1x64xf32, #tpu.memory_space<hbm>>
      tpu.wait_dma2 semaphore(%arg7 : memref<!tpu.dma_semaphore, #tpu.memory_space<semaphore_mem>>) src(%dma_wait3A_188 : memref<1x64xf32, #tpu.memory_space<hbm>>) dst(%dma_wait3A_185 : memref<1x64xf32, #tpu.memory_space<vmem_shared>>)
      %dma_wait3A_189 = arith.constant 0 : i32
      %dma_wait3A_190 = arith.constant 0 : i32
      %dma_wait3A_191 = tpu.memref_slice %arg6[%arg1, %dma_wait3A_189, %dma_wait3A_190] : memref<16x256x64xf32, #tpu.memory_space<vmem_shared>> -> memref<1x1x64xf32, #tpu.memory_space<vmem_shared>>
      %dma_wait3A_192 = tpu.memref_squeeze %dma_wait3A_191 : memref<1x1x64xf32, #tpu.memory_space<vmem_shared>> -> memref<1x64xf32, #tpu.memory_space<vmem_shared>>
      %dma_wait3A_193 = arith.constant 0 : i32
      %dma_wait3A_194 = arith.constant 0 : i32
      %dma_wait3A_195 = tpu.memref_slice %arg3[%dma_wait3A_193, %dma_wait3A_194] : memref<1000000x64xf32, #tpu.memory_space<hbm>> -> memref<1x64xf32, #tpu.memory_space<hbm>>
      tpu.wait_dma2 semaphore(%arg7 : memref<!tpu.dma_semaphore, #tpu.memory_space<semaphore_mem>>) src(%dma_wait3A_195 : memref<1x64xf32, #tpu.memory_space<hbm>>) dst(%dma_wait3A_192 : memref<1x64xf32, #tpu.memory_space<vmem_shared>>)
      %dma_wait3A_196 = arith.constant 0 : i32
      %dma_wait3A_197 = arith.constant 0 : i32
      %dma_wait3A_198 = tpu.memref_slice %arg6[%arg1, %dma_wait3A_196, %dma_wait3A_197] : memref<16x256x64xf32, #tpu.memory_space<vmem_shared>> -> memref<1x1x64xf32, #tpu.memory_space<vmem_shared>>
      %dma_wait3A_199 = tpu.memref_squeeze %dma_wait3A_198 : memref<1x1x64xf32, #tpu.memory_space<vmem_shared>> -> memref<1x64xf32, #tpu.memory_space<vmem_shared>>
      %dma_wait3A_200 = arith.constant 0 : i32
      %dma_wait3A_201 = arith.constant 0 : i32
      %dma_wait3A_202 = tpu.memref_slice %arg3[%dma_wait3A_200, %dma_wait3A_201] : memref<1000000x64xf32, #tpu.memory_space<hbm>> -> memref<1x64xf32, #tpu.memory_space<hbm>>
      tpu.wait_dma2 semaphore(%arg7 : memref<!tpu.dma_semaphore, #tpu.memory_space<semaphore_mem>>) src(%dma_wait3A_202 : memref<1x64xf32, #tpu.memory_space<hbm>>) dst(%dma_wait3A_199 : memref<1x64xf32, #tpu.memory_space<vmem_shared>>)
      %dma_wait3A_203 = arith.constant 0 : i32
      %dma_wait3A_204 = arith.constant 0 : i32
      %dma_wait3A_205 = tpu.memref_slice %arg6[%arg1, %dma_wait3A_203, %dma_wait3A_204] : memref<16x256x64xf32, #tpu.memory_space<vmem_shared>> -> memref<1x1x64xf32, #tpu.memory_space<vmem_shared>>
      %dma_wait3A_206 = tpu.memref_squeeze %dma_wait3A_205 : memref<1x1x64xf32, #tpu.memory_space<vmem_shared>> -> memref<1x64xf32, #tpu.memory_space<vmem_shared>>
      %dma_wait3A_207 = arith.constant 0 : i32
      %dma_wait3A_208 = arith.constant 0 : i32
      %dma_wait3A_209 = tpu.memref_slice %arg3[%dma_wait3A_207, %dma_wait3A_208] : memref<1000000x64xf32, #tpu.memory_space<hbm>> -> memref<1x64xf32, #tpu.memory_space<hbm>>
      tpu.wait_dma2 semaphore(%arg7 : memref<!tpu.dma_semaphore, #tpu.memory_space<semaphore_mem>>) src(%dma_wait3A_209 : memref<1x64xf32, #tpu.memory_space<hbm>>) dst(%dma_wait3A_206 : memref<1x64xf32, #tpu.memory_space<vmem_shared>>)
      %dma_wait3A_210 = arith.constant 0 : i32
      %dma_wait3A_211 = arith.constant 0 : i32
      %dma_wait3A_212 = tpu.memref_slice %arg6[%arg1, %dma_wait3A_210, %dma_wait3A_211] : memref<16x256x64xf32, #tpu.memory_space<vmem_shared>> -> memref<1x1x64xf32, #tpu.memory_space<vmem_shared>>
      %dma_wait3A_213 = tpu.memref_squeeze %dma_wait3A_212 : memref<1x1x64xf32, #tpu.memory_space<vmem_shared>> -> memref<1x64xf32, #tpu.memory_space<vmem_shared>>
      %dma_wait3A_214 = arith.constant 0 : i32
      %dma_wait3A_215 = arith.constant 0 : i32
      %dma_wait3A_216 = tpu.memref_slice %arg3[%dma_wait3A_214, %dma_wait3A_215] : memref<1000000x64xf32, #tpu.memory_space<hbm>> -> memref<1x64xf32, #tpu.memory_space<hbm>>
      tpu.wait_dma2 semaphore(%arg7 : memref<!tpu.dma_semaphore, #tpu.memory_space<semaphore_mem>>) src(%dma_wait3A_216 : memref<1x64xf32, #tpu.memory_space<hbm>>) dst(%dma_wait3A_213 : memref<1x64xf32, #tpu.memory_space<vmem_shared>>)
      %dma_wait3A_217 = arith.constant 0 : i32
      %dma_wait3A_218 = arith.constant 0 : i32
      %dma_wait3A_219 = tpu.memref_slice %arg6[%arg1, %dma_wait3A_217, %dma_wait3A_218] : memref<16x256x64xf32, #tpu.memory_space<vmem_shared>> -> memref<1x1x64xf32, #tpu.memory_space<vmem_shared>>
      %dma_wait3A_220 = tpu.memref_squeeze %dma_wait3A_219 : memref<1x1x64xf32, #tpu.memory_space<vmem_shared>> -> memref<1x64xf32, #tpu.memory_space<vmem_shared>>
      %dma_wait3A_221 = arith.constant 0 : i32
      %dma_wait3A_222 = arith.constant 0 : i32
      %dma_wait3A_223 = tpu.memref_slice %arg3[%dma_wait3A_221, %dma_wait3A_222] : memref<1000000x64xf32, #tpu.memory_space<hbm>> -> memref<1x64xf32, #tpu.memory_space<hbm>>
      tpu.wait_dma2 semaphore(%arg7 : memref<!tpu.dma_semaphore, #tpu.memory_space<semaphore_mem>>) src(%dma_wait3A_223 : memref<1x64xf32, #tpu.memory_space<hbm>>) dst(%dma_wait3A_220 : memref<1x64xf32, #tpu.memory_space<vmem_shared>>)
      %dma_wait3A_224 = arith.constant 0 : i32
      %dma_wait3A_225 = arith.constant 0 : i32
      %dma_wait3A_226 = tpu.memref_slice %arg6[%arg1, %dma_wait3A_224, %dma_wait3A_225] : memref<16x256x64xf32, #tpu.memory_space<vmem_shared>> -> memref<1x1x64xf32, #tpu.memory_space<vmem_shared>>
      %dma_wait3A_227 = tpu.memref_squeeze %dma_wait3A_226 : memref<1x1x64xf32, #tpu.memory_space<vmem_shared>> -> memref<1x64xf32, #tpu.memory_space<vmem_shared>>
      %dma_wait3A_228 = arith.constant 0 : i32
      %dma_wait3A_229 = arith.constant 0 : i32
      %dma_wait3A_230 = tpu.memref_slice %arg3[%dma_wait3A_228, %dma_wait3A_229] : memref<1000000x64xf32, #tpu.memory_space<hbm>> -> memref<1x64xf32, #tpu.memory_space<hbm>>
      tpu.wait_dma2 semaphore(%arg7 : memref<!tpu.dma_semaphore, #tpu.memory_space<semaphore_mem>>) src(%dma_wait3A_230 : memref<1x64xf32, #tpu.memory_space<hbm>>) dst(%dma_wait3A_227 : memref<1x64xf32, #tpu.memory_space<vmem_shared>>)
      %dma_wait3A_231 = arith.constant 0 : i32
      %dma_wait3A_232 = arith.constant 0 : i32
      %dma_wait3A_233 = tpu.memref_slice %arg6[%arg1, %dma_wait3A_231, %dma_wait3A_232] : memref<16x256x64xf32, #tpu.memory_space<vmem_shared>> -> memref<1x1x64xf32, #tpu.memory_space<vmem_shared>>
      %dma_wait3A_234 = tpu.memref_squeeze %dma_wait3A_233 : memref<1x1x64xf32, #tpu.memory_space<vmem_shared>> -> memref<1x64xf32, #tpu.memory_space<vmem_shared>>
      %dma_wait3A_235 = arith.constant 0 : i32
      %dma_wait3A_236 = arith.constant 0 : i32
      %dma_wait3A_237 = tpu.memref_slice %arg3[%dma_wait3A_235, %dma_wait3A_236] : memref<1000000x64xf32, #tpu.memory_space<hbm>> -> memref<1x64xf32, #tpu.memory_space<hbm>>
      tpu.wait_dma2 semaphore(%arg7 : memref<!tpu.dma_semaphore, #tpu.memory_space<semaphore_mem>>) src(%dma_wait3A_237 : memref<1x64xf32, #tpu.memory_space<hbm>>) dst(%dma_wait3A_234 : memref<1x64xf32, #tpu.memory_space<vmem_shared>>)
      %dma_wait3A_238 = arith.constant 0 : i32
      %dma_wait3A_239 = arith.constant 0 : i32
      %dma_wait3A_240 = tpu.memref_slice %arg6[%arg1, %dma_wait3A_238, %dma_wait3A_239] : memref<16x256x64xf32, #tpu.memory_space<vmem_shared>> -> memref<1x1x64xf32, #tpu.memory_space<vmem_shared>>
      %dma_wait3A_241 = tpu.memref_squeeze %dma_wait3A_240 : memref<1x1x64xf32, #tpu.memory_space<vmem_shared>> -> memref<1x64xf32, #tpu.memory_space<vmem_shared>>
      %dma_wait3A_242 = arith.constant 0 : i32
      %dma_wait3A_243 = arith.constant 0 : i32
      %dma_wait3A_244 = tpu.memref_slice %arg3[%dma_wait3A_242, %dma_wait3A_243] : memref<1000000x64xf32, #tpu.memory_space<hbm>> -> memref<1x64xf32, #tpu.memory_space<hbm>>
      tpu.wait_dma2 semaphore(%arg7 : memref<!tpu.dma_semaphore, #tpu.memory_space<semaphore_mem>>) src(%dma_wait3A_244 : memref<1x64xf32, #tpu.memory_space<hbm>>) dst(%dma_wait3A_241 : memref<1x64xf32, #tpu.memory_space<vmem_shared>>)
      %dma_wait3A_245 = arith.constant 0 : i32
      %dma_wait3A_246 = arith.constant 0 : i32
      %dma_wait3A_247 = tpu.memref_slice %arg6[%arg1, %dma_wait3A_245, %dma_wait3A_246] : memref<16x256x64xf32, #tpu.memory_space<vmem_shared>> -> memref<1x1x64xf32, #tpu.memory_space<vmem_shared>>
      %dma_wait3A_248 = tpu.memref_squeeze %dma_wait3A_247 : memref<1x1x64xf32, #tpu.memory_space<vmem_shared>> -> memref<1x64xf32, #tpu.memory_space<vmem_shared>>
      %dma_wait3A_249 = arith.constant 0 : i32
      %dma_wait3A_250 = arith.constant 0 : i32
      %dma_wait3A_251 = tpu.memref_slice %arg3[%dma_wait3A_249, %dma_wait3A_250] : memref<1000000x64xf32, #tpu.memory_space<hbm>> -> memref<1x64xf32, #tpu.memory_space<hbm>>
      tpu.wait_dma2 semaphore(%arg7 : memref<!tpu.dma_semaphore, #tpu.memory_space<semaphore_mem>>) src(%dma_wait3A_251 : memref<1x64xf32, #tpu.memory_space<hbm>>) dst(%dma_wait3A_248 : memref<1x64xf32, #tpu.memory_space<vmem_shared>>)
      %dma_wait3A_252 = arith.constant 0 : i32
      %dma_wait3A_253 = arith.constant 0 : i32
      %dma_wait3A_254 = tpu.memref_slice %arg6[%arg1, %dma_wait3A_252, %dma_wait3A_253] : memref<16x256x64xf32, #tpu.memory_space<vmem_shared>> -> memref<1x1x64xf32, #tpu.memory_space<vmem_shared>>
      %dma_wait3A_255 = tpu.memref_squeeze %dma_wait3A_254 : memref<1x1x64xf32, #tpu.memory_space<vmem_shared>> -> memref<1x64xf32, #tpu.memory_space<vmem_shared>>
      %dma_wait3A_256 = arith.constant 0 : i32
      %dma_wait3A_257 = arith.constant 0 : i32
      %dma_wait3A_258 = tpu.memref_slice %arg3[%dma_wait3A_256, %dma_wait3A_257] : memref<1000000x64xf32, #tpu.memory_space<hbm>> -> memref<1x64xf32, #tpu.memory_space<hbm>>
      tpu.wait_dma2 semaphore(%arg7 : memref<!tpu.dma_semaphore, #tpu.memory_space<semaphore_mem>>) src(%dma_wait3A_258 : memref<1x64xf32, #tpu.memory_space<hbm>>) dst(%dma_wait3A_255 : memref<1x64xf32, #tpu.memory_space<vmem_shared>>)
      %dma_wait3A_259 = arith.constant 0 : i32
      %dma_wait3A_260 = arith.constant 0 : i32
      %dma_wait3A_261 = tpu.memref_slice %arg6[%arg1, %dma_wait3A_259, %dma_wait3A_260] : memref<16x256x64xf32, #tpu.memory_space<vmem_shared>> -> memref<1x1x64xf32, #tpu.memory_space<vmem_shared>>
      %dma_wait3A_262 = tpu.memref_squeeze %dma_wait3A_261 : memref<1x1x64xf32, #tpu.memory_space<vmem_shared>> -> memref<1x64xf32, #tpu.memory_space<vmem_shared>>
      %dma_wait3A_263 = arith.constant 0 : i32
      %dma_wait3A_264 = arith.constant 0 : i32
      %dma_wait3A_265 = tpu.memref_slice %arg3[%dma_wait3A_263, %dma_wait3A_264] : memref<1000000x64xf32, #tpu.memory_space<hbm>> -> memref<1x64xf32, #tpu.memory_space<hbm>>
      tpu.wait_dma2 semaphore(%arg7 : memref<!tpu.dma_semaphore, #tpu.memory_space<semaphore_mem>>) src(%dma_wait3A_265 : memref<1x64xf32, #tpu.memory_space<hbm>>) dst(%dma_wait3A_262 : memref<1x64xf32, #tpu.memory_space<vmem_shared>>)
      %dma_wait3A_266 = arith.constant 0 : i32
      %dma_wait3A_267 = arith.constant 0 : i32
      %dma_wait3A_268 = tpu.memref_slice %arg6[%arg1, %dma_wait3A_266, %dma_wait3A_267] : memref<16x256x64xf32, #tpu.memory_space<vmem_shared>> -> memref<1x1x64xf32, #tpu.memory_space<vmem_shared>>
      %dma_wait3A_269 = tpu.memref_squeeze %dma_wait3A_268 : memref<1x1x64xf32, #tpu.memory_space<vmem_shared>> -> memref<1x64xf32, #tpu.memory_space<vmem_shared>>
      %dma_wait3A_270 = arith.constant 0 : i32
      %dma_wait3A_271 = arith.constant 0 : i32
      %dma_wait3A_272 = tpu.memref_slice %arg3[%dma_wait3A_270, %dma_wait3A_271] : memref<1000000x64xf32, #tpu.memory_space<hbm>> -> memref<1x64xf32, #tpu.memory_space<hbm>>
      tpu.wait_dma2 semaphore(%arg7 : memref<!tpu.dma_semaphore, #tpu.memory_space<semaphore_mem>>) src(%dma_wait3A_272 : memref<1x64xf32, #tpu.memory_space<hbm>>) dst(%dma_wait3A_269 : memref<1x64xf32, #tpu.memory_space<vmem_shared>>)
      %dma_wait3A_273 = arith.constant 0 : i32
      %dma_wait3A_274 = arith.constant 0 : i32
      %dma_wait3A_275 = tpu.memref_slice %arg6[%arg1, %dma_wait3A_273, %dma_wait3A_274] : memref<16x256x64xf32, #tpu.memory_space<vmem_shared>> -> memref<1x1x64xf32, #tpu.memory_space<vmem_shared>>
      %dma_wait3A_276 = tpu.memref_squeeze %dma_wait3A_275 : memref<1x1x64xf32, #tpu.memory_space<vmem_shared>> -> memref<1x64xf32, #tpu.memory_space<vmem_shared>>
      %dma_wait3A_277 = arith.constant 0 : i32
      %dma_wait3A_278 = arith.constant 0 : i32
      %dma_wait3A_279 = tpu.memref_slice %arg3[%dma_wait3A_277, %dma_wait3A_278] : memref<1000000x64xf32, #tpu.memory_space<hbm>> -> memref<1x64xf32, #tpu.memory_space<hbm>>
      tpu.wait_dma2 semaphore(%arg7 : memref<!tpu.dma_semaphore, #tpu.memory_space<semaphore_mem>>) src(%dma_wait3A_279 : memref<1x64xf32, #tpu.memory_space<hbm>>) dst(%dma_wait3A_276 : memref<1x64xf32, #tpu.memory_space<vmem_shared>>)
      %dma_wait3A_280 = arith.constant 0 : i32
      %dma_wait3A_281 = arith.constant 0 : i32
      %dma_wait3A_282 = tpu.memref_slice %arg6[%arg1, %dma_wait3A_280, %dma_wait3A_281] : memref<16x256x64xf32, #tpu.memory_space<vmem_shared>> -> memref<1x1x64xf32, #tpu.memory_space<vmem_shared>>
      %dma_wait3A_283 = tpu.memref_squeeze %dma_wait3A_282 : memref<1x1x64xf32, #tpu.memory_space<vmem_shared>> -> memref<1x64xf32, #tpu.memory_space<vmem_shared>>
      %dma_wait3A_284 = arith.constant 0 : i32
      %dma_wait3A_285 = arith.constant 0 : i32
      %dma_wait3A_286 = tpu.memref_slice %arg3[%dma_wait3A_284, %dma_wait3A_285] : memref<1000000x64xf32, #tpu.memory_space<hbm>> -> memref<1x64xf32, #tpu.memory_space<hbm>>
      tpu.wait_dma2 semaphore(%arg7 : memref<!tpu.dma_semaphore, #tpu.memory_space<semaphore_mem>>) src(%dma_wait3A_286 : memref<1x64xf32, #tpu.memory_space<hbm>>) dst(%dma_wait3A_283 : memref<1x64xf32, #tpu.memory_space<vmem_shared>>)
      %dma_wait3A_287 = arith.constant 0 : i32
      %dma_wait3A_288 = arith.constant 0 : i32
      %dma_wait3A_289 = tpu.memref_slice %arg6[%arg1, %dma_wait3A_287, %dma_wait3A_288] : memref<16x256x64xf32, #tpu.memory_space<vmem_shared>> -> memref<1x1x64xf32, #tpu.memory_space<vmem_shared>>
      %dma_wait3A_290 = tpu.memref_squeeze %dma_wait3A_289 : memref<1x1x64xf32, #tpu.memory_space<vmem_shared>> -> memref<1x64xf32, #tpu.memory_space<vmem_shared>>
      %dma_wait3A_291 = arith.constant 0 : i32
      %dma_wait3A_292 = arith.constant 0 : i32
      %dma_wait3A_293 = tpu.memref_slice %arg3[%dma_wait3A_291, %dma_wait3A_292] : memref<1000000x64xf32, #tpu.memory_space<hbm>> -> memref<1x64xf32, #tpu.memory_space<hbm>>
      tpu.wait_dma2 semaphore(%arg7 : memref<!tpu.dma_semaphore, #tpu.memory_space<semaphore_mem>>) src(%dma_wait3A_293 : memref<1x64xf32, #tpu.memory_space<hbm>>) dst(%dma_wait3A_290 : memref<1x64xf32, #tpu.memory_space<vmem_shared>>)
      %dma_wait3A_294 = arith.constant 0 : i32
      %dma_wait3A_295 = arith.constant 0 : i32
      %dma_wait3A_296 = tpu.memref_slice %arg6[%arg1, %dma_wait3A_294, %dma_wait3A_295] : memref<16x256x64xf32, #tpu.memory_space<vmem_shared>> -> memref<1x1x64xf32, #tpu.memory_space<vmem_shared>>
      %dma_wait3A_297 = tpu.memref_squeeze %dma_wait3A_296 : memref<1x1x64xf32, #tpu.memory_space<vmem_shared>> -> memref<1x64xf32, #tpu.memory_space<vmem_shared>>
      %dma_wait3A_298 = arith.constant 0 : i32
      %dma_wait3A_299 = arith.constant 0 : i32
      %dma_wait3A_300 = tpu.memref_slice %arg3[%dma_wait3A_298, %dma_wait3A_299] : memref<1000000x64xf32, #tpu.memory_space<hbm>> -> memref<1x64xf32, #tpu.memory_space<hbm>>
      tpu.wait_dma2 semaphore(%arg7 : memref<!tpu.dma_semaphore, #tpu.memory_space<semaphore_mem>>) src(%dma_wait3A_300 : memref<1x64xf32, #tpu.memory_space<hbm>>) dst(%dma_wait3A_297 : memref<1x64xf32, #tpu.memory_space<vmem_shared>>)
      %dma_wait3A_301 = arith.constant 0 : i32
      %dma_wait3A_302 = arith.constant 0 : i32
      %dma_wait3A_303 = tpu.memref_slice %arg6[%arg1, %dma_wait3A_301, %dma_wait3A_302] : memref<16x256x64xf32, #tpu.memory_space<vmem_shared>> -> memref<1x1x64xf32, #tpu.memory_space<vmem_shared>>
      %dma_wait3A_304 = tpu.memref_squeeze %dma_wait3A_303 : memref<1x1x64xf32, #tpu.memory_space<vmem_shared>> -> memref<1x64xf32, #tpu.memory_space<vmem_shared>>
      %dma_wait3A_305 = arith.constant 0 : i32
      %dma_wait3A_306 = arith.constant 0 : i32
      %dma_wait3A_307 = tpu.memref_slice %arg3[%dma_wait3A_305, %dma_wait3A_306] : memref<1000000x64xf32, #tpu.memory_space<hbm>> -> memref<1x64xf32, #tpu.memory_space<hbm>>
      tpu.wait_dma2 semaphore(%arg7 : memref<!tpu.dma_semaphore, #tpu.memory_space<semaphore_mem>>) src(%dma_wait3A_307 : memref<1x64xf32, #tpu.memory_space<hbm>>) dst(%dma_wait3A_304 : memref<1x64xf32, #tpu.memory_space<vmem_shared>>)
      %dma_wait3A_308 = arith.constant 0 : i32
      %dma_wait3A_309 = arith.constant 0 : i32
      %dma_wait3A_310 = tpu.memref_slice %arg6[%arg1, %dma_wait3A_308, %dma_wait3A_309] : memref<16x256x64xf32, #tpu.memory_space<vmem_shared>> -> memref<1x1x64xf32, #tpu.memory_space<vmem_shared>>
      %dma_wait3A_311 = tpu.memref_squeeze %dma_wait3A_310 : memref<1x1x64xf32, #tpu.memory_space<vmem_shared>> -> memref<1x64xf32, #tpu.memory_space<vmem_shared>>
      %dma_wait3A_312 = arith.constant 0 : i32
      %dma_wait3A_313 = arith.constant 0 : i32
      %dma_wait3A_314 = tpu.memref_slice %arg3[%dma_wait3A_312, %dma_wait3A_313] : memref<1000000x64xf32, #tpu.memory_space<hbm>> -> memref<1x64xf32, #tpu.memory_space<hbm>>
      tpu.wait_dma2 semaphore(%arg7 : memref<!tpu.dma_semaphore, #tpu.memory_space<semaphore_mem>>) src(%dma_wait3A_314 : memref<1x64xf32, #tpu.memory_space<hbm>>) dst(%dma_wait3A_311 : memref<1x64xf32, #tpu.memory_space<vmem_shared>>)
      %dma_wait3A_315 = arith.constant 0 : i32
      %dma_wait3A_316 = arith.constant 0 : i32
      %dma_wait3A_317 = tpu.memref_slice %arg6[%arg1, %dma_wait3A_315, %dma_wait3A_316] : memref<16x256x64xf32, #tpu.memory_space<vmem_shared>> -> memref<1x1x64xf32, #tpu.memory_space<vmem_shared>>
      %dma_wait3A_318 = tpu.memref_squeeze %dma_wait3A_317 : memref<1x1x64xf32, #tpu.memory_space<vmem_shared>> -> memref<1x64xf32, #tpu.memory_space<vmem_shared>>
      %dma_wait3A_319 = arith.constant 0 : i32
      %dma_wait3A_320 = arith.constant 0 : i32
      %dma_wait3A_321 = tpu.memref_slice %arg3[%dma_wait3A_319, %dma_wait3A_320] : memref<1000000x64xf32, #tpu.memory_space<hbm>> -> memref<1x64xf32, #tpu.memory_space<hbm>>
      tpu.wait_dma2 semaphore(%arg7 : memref<!tpu.dma_semaphore, #tpu.memory_space<semaphore_mem>>) src(%dma_wait3A_321 : memref<1x64xf32, #tpu.memory_space<hbm>>) dst(%dma_wait3A_318 : memref<1x64xf32, #tpu.memory_space<vmem_shared>>)
      %dma_wait3A_322 = arith.constant 0 : i32
      %dma_wait3A_323 = arith.constant 0 : i32
      %dma_wait3A_324 = tpu.memref_slice %arg6[%arg1, %dma_wait3A_322, %dma_wait3A_323] : memref<16x256x64xf32, #tpu.memory_space<vmem_shared>> -> memref<1x1x64xf32, #tpu.memory_space<vmem_shared>>
      %dma_wait3A_325 = tpu.memref_squeeze %dma_wait3A_324 : memref<1x1x64xf32, #tpu.memory_space<vmem_shared>> -> memref<1x64xf32, #tpu.memory_space<vmem_shared>>
      %dma_wait3A_326 = arith.constant 0 : i32
      %dma_wait3A_327 = arith.constant 0 : i32
      %dma_wait3A_328 = tpu.memref_slice %arg3[%dma_wait3A_326, %dma_wait3A_327] : memref<1000000x64xf32, #tpu.memory_space<hbm>> -> memref<1x64xf32, #tpu.memory_space<hbm>>
      tpu.wait_dma2 semaphore(%arg7 : memref<!tpu.dma_semaphore, #tpu.memory_space<semaphore_mem>>) src(%dma_wait3A_328 : memref<1x64xf32, #tpu.memory_space<hbm>>) dst(%dma_wait3A_325 : memref<1x64xf32, #tpu.memory_space<vmem_shared>>)
      %dma_wait3A_329 = arith.constant 0 : i32
      %dma_wait3A_330 = arith.constant 0 : i32
      %dma_wait3A_331 = tpu.memref_slice %arg6[%arg1, %dma_wait3A_329, %dma_wait3A_330] : memref<16x256x64xf32, #tpu.memory_space<vmem_shared>> -> memref<1x1x64xf32, #tpu.memory_space<vmem_shared>>
      %dma_wait3A_332 = tpu.memref_squeeze %dma_wait3A_331 : memref<1x1x64xf32, #tpu.memory_space<vmem_shared>> -> memref<1x64xf32, #tpu.memory_space<vmem_shared>>
      %dma_wait3A_333 = arith.constant 0 : i32
      %dma_wait3A_334 = arith.constant 0 : i32
      %dma_wait3A_335 = tpu.memref_slice %arg3[%dma_wait3A_333, %dma_wait3A_334] : memref<1000000x64xf32, #tpu.memory_space<hbm>> -> memref<1x64xf32, #tpu.memory_space<hbm>>
      tpu.wait_dma2 semaphore(%arg7 : memref<!tpu.dma_semaphore, #tpu.memory_space<semaphore_mem>>) src(%dma_wait3A_335 : memref<1x64xf32, #tpu.memory_space<hbm>>) dst(%dma_wait3A_332 : memref<1x64xf32, #tpu.memory_space<vmem_shared>>)
      %dma_wait3A_336 = arith.constant 0 : i32
      %dma_wait3A_337 = arith.constant 0 : i32
      %dma_wait3A_338 = tpu.memref_slice %arg6[%arg1, %dma_wait3A_336, %dma_wait3A_337] : memref<16x256x64xf32, #tpu.memory_space<vmem_shared>> -> memref<1x1x64xf32, #tpu.memory_space<vmem_shared>>
      %dma_wait3A_339 = tpu.memref_squeeze %dma_wait3A_338 : memref<1x1x64xf32, #tpu.memory_space<vmem_shared>> -> memref<1x64xf32, #tpu.memory_space<vmem_shared>>
      %dma_wait3A_340 = arith.constant 0 : i32
      %dma_wait3A_341 = arith.constant 0 : i32
      %dma_wait3A_342 = tpu.memref_slice %arg3[%dma_wait3A_340, %dma_wait3A_341] : memref<1000000x64xf32, #tpu.memory_space<hbm>> -> memref<1x64xf32, #tpu.memory_space<hbm>>
      tpu.wait_dma2 semaphore(%arg7 : memref<!tpu.dma_semaphore, #tpu.memory_space<semaphore_mem>>) src(%dma_wait3A_342 : memref<1x64xf32, #tpu.memory_space<hbm>>) dst(%dma_wait3A_339 : memref<1x64xf32, #tpu.memory_space<vmem_shared>>)
      %dma_wait3A_343 = arith.constant 0 : i32
      %dma_wait3A_344 = arith.constant 0 : i32
      %dma_wait3A_345 = tpu.memref_slice %arg6[%arg1, %dma_wait3A_343, %dma_wait3A_344] : memref<16x256x64xf32, #tpu.memory_space<vmem_shared>> -> memref<1x1x64xf32, #tpu.memory_space<vmem_shared>>
      %dma_wait3A_346 = tpu.memref_squeeze %dma_wait3A_345 : memref<1x1x64xf32, #tpu.memory_space<vmem_shared>> -> memref<1x64xf32, #tpu.memory_space<vmem_shared>>
      %dma_wait3A_347 = arith.constant 0 : i32
      %dma_wait3A_348 = arith.constant 0 : i32
      %dma_wait3A_349 = tpu.memref_slice %arg3[%dma_wait3A_347, %dma_wait3A_348] : memref<1000000x64xf32, #tpu.memory_space<hbm>> -> memref<1x64xf32, #tpu.memory_space<hbm>>
      tpu.wait_dma2 semaphore(%arg7 : memref<!tpu.dma_semaphore, #tpu.memory_space<semaphore_mem>>) src(%dma_wait3A_349 : memref<1x64xf32, #tpu.memory_space<hbm>>) dst(%dma_wait3A_346 : memref<1x64xf32, #tpu.memory_space<vmem_shared>>)
      %dma_wait3A_350 = arith.constant 0 : i32
      %dma_wait3A_351 = arith.constant 0 : i32
      %dma_wait3A_352 = tpu.memref_slice %arg6[%arg1, %dma_wait3A_350, %dma_wait3A_351] : memref<16x256x64xf32, #tpu.memory_space<vmem_shared>> -> memref<1x1x64xf32, #tpu.memory_space<vmem_shared>>
      %dma_wait3A_353 = tpu.memref_squeeze %dma_wait3A_352 : memref<1x1x64xf32, #tpu.memory_space<vmem_shared>> -> memref<1x64xf32, #tpu.memory_space<vmem_shared>>
      %dma_wait3A_354 = arith.constant 0 : i32
      %dma_wait3A_355 = arith.constant 0 : i32
      %dma_wait3A_356 = tpu.memref_slice %arg3[%dma_wait3A_354, %dma_wait3A_355] : memref<1000000x64xf32, #tpu.memory_space<hbm>> -> memref<1x64xf32, #tpu.memory_space<hbm>>
      tpu.wait_dma2 semaphore(%arg7 : memref<!tpu.dma_semaphore, #tpu.memory_space<semaphore_mem>>) src(%dma_wait3A_356 : memref<1x64xf32, #tpu.memory_space<hbm>>) dst(%dma_wait3A_353 : memref<1x64xf32, #tpu.memory_space<vmem_shared>>)
      %dma_wait3A_357 = arith.constant 0 : i32
      %dma_wait3A_358 = arith.constant 0 : i32
      %dma_wait3A_359 = tpu.memref_slice %arg6[%arg1, %dma_wait3A_357, %dma_wait3A_358] : memref<16x256x64xf32, #tpu.memory_space<vmem_shared>> -> memref<1x1x64xf32, #tpu.memory_space<vmem_shared>>
      %dma_wait3A_360 = tpu.memref_squeeze %dma_wait3A_359 : memref<1x1x64xf32, #tpu.memory_space<vmem_shared>> -> memref<1x64xf32, #tpu.memory_space<vmem_shared>>
      %dma_wait3A_361 = arith.constant 0 : i32
      %dma_wait3A_362 = arith.constant 0 : i32
      %dma_wait3A_363 = tpu.memref_slice %arg3[%dma_wait3A_361, %dma_wait3A_362] : memref<1000000x64xf32, #tpu.memory_space<hbm>> -> memref<1x64xf32, #tpu.memory_space<hbm>>
      tpu.wait_dma2 semaphore(%arg7 : memref<!tpu.dma_semaphore, #tpu.memory_space<semaphore_mem>>) src(%dma_wait3A_363 : memref<1x64xf32, #tpu.memory_space<hbm>>) dst(%dma_wait3A_360 : memref<1x64xf32, #tpu.memory_space<vmem_shared>>)
      %dma_wait3A_364 = arith.constant 0 : i32
      %dma_wait3A_365 = arith.constant 0 : i32
      %dma_wait3A_366 = tpu.memref_slice %arg6[%arg1, %dma_wait3A_364, %dma_wait3A_365] : memref<16x256x64xf32, #tpu.memory_space<vmem_shared>> -> memref<1x1x64xf32, #tpu.memory_space<vmem_shared>>
      %dma_wait3A_367 = tpu.memref_squeeze %dma_wait3A_366 : memref<1x1x64xf32, #tpu.memory_space<vmem_shared>> -> memref<1x64xf32, #tpu.memory_space<vmem_shared>>
      %dma_wait3A_368 = arith.constant 0 : i32
      %dma_wait3A_369 = arith.constant 0 : i32
      %dma_wait3A_370 = tpu.memref_slice %arg3[%dma_wait3A_368, %dma_wait3A_369] : memref<1000000x64xf32, #tpu.memory_space<hbm>> -> memref<1x64xf32, #tpu.memory_space<hbm>>
      tpu.wait_dma2 semaphore(%arg7 : memref<!tpu.dma_semaphore, #tpu.memory_space<semaphore_mem>>) src(%dma_wait3A_370 : memref<1x64xf32, #tpu.memory_space<hbm>>) dst(%dma_wait3A_367 : memref<1x64xf32, #tpu.memory_space<vmem_shared>>)
      %dma_wait3A_371 = arith.constant 0 : i32
      %dma_wait3A_372 = arith.constant 0 : i32
      %dma_wait3A_373 = tpu.memref_slice %arg6[%arg1, %dma_wait3A_371, %dma_wait3A_372] : memref<16x256x64xf32, #tpu.memory_space<vmem_shared>> -> memref<1x1x64xf32, #tpu.memory_space<vmem_shared>>
      %dma_wait3A_374 = tpu.memref_squeeze %dma_wait3A_373 : memref<1x1x64xf32, #tpu.memory_space<vmem_shared>> -> memref<1x64xf32, #tpu.memory_space<vmem_shared>>
      %dma_wait3A_375 = arith.constant 0 : i32
      %dma_wait3A_376 = arith.constant 0 : i32
      %dma_wait3A_377 = tpu.memref_slice %arg3[%dma_wait3A_375, %dma_wait3A_376] : memref<1000000x64xf32, #tpu.memory_space<hbm>> -> memref<1x64xf32, #tpu.memory_space<hbm>>
      tpu.wait_dma2 semaphore(%arg7 : memref<!tpu.dma_semaphore, #tpu.memory_space<semaphore_mem>>) src(%dma_wait3A_377 : memref<1x64xf32, #tpu.memory_space<hbm>>) dst(%dma_wait3A_374 : memref<1x64xf32, #tpu.memory_space<vmem_shared>>)
      %dma_wait3A_378 = arith.constant 0 : i32
      %dma_wait3A_379 = arith.constant 0 : i32
      %dma_wait3A_380 = tpu.memref_slice %arg6[%arg1, %dma_wait3A_378, %dma_wait3A_379] : memref<16x256x64xf32, #tpu.memory_space<vmem_shared>> -> memref<1x1x64xf32, #tpu.memory_space<vmem_shared>>
      %dma_wait3A_381 = tpu.memref_squeeze %dma_wait3A_380 : memref<1x1x64xf32, #tpu.memory_space<vmem_shared>> -> memref<1x64xf32, #tpu.memory_space<vmem_shared>>
      %dma_wait3A_382 = arith.constant 0 : i32
      %dma_wait3A_383 = arith.constant 0 : i32
      %dma_wait3A_384 = tpu.memref_slice %arg3[%dma_wait3A_382, %dma_wait3A_383] : memref<1000000x64xf32, #tpu.memory_space<hbm>> -> memref<1x64xf32, #tpu.memory_space<hbm>>
      tpu.wait_dma2 semaphore(%arg7 : memref<!tpu.dma_semaphore, #tpu.memory_space<semaphore_mem>>) src(%dma_wait3A_384 : memref<1x64xf32, #tpu.memory_space<hbm>>) dst(%dma_wait3A_381 : memref<1x64xf32, #tpu.memory_space<vmem_shared>>)
      %dma_wait3A_385 = arith.constant 0 : i32
      %dma_wait3A_386 = arith.constant 0 : i32
      %dma_wait3A_387 = tpu.memref_slice %arg6[%arg1, %dma_wait3A_385, %dma_wait3A_386] : memref<16x256x64xf32, #tpu.memory_space<vmem_shared>> -> memref<1x1x64xf32, #tpu.memory_space<vmem_shared>>
      %dma_wait3A_388 = tpu.memref_squeeze %dma_wait3A_387 : memref<1x1x64xf32, #tpu.memory_space<vmem_shared>> -> memref<1x64xf32, #tpu.memory_space<vmem_shared>>
      %dma_wait3A_389 = arith.constant 0 : i32
      %dma_wait3A_390 = arith.constant 0 : i32
      %dma_wait3A_391 = tpu.memref_slice %arg3[%dma_wait3A_389, %dma_wait3A_390] : memref<1000000x64xf32, #tpu.memory_space<hbm>> -> memref<1x64xf32, #tpu.memory_space<hbm>>
      tpu.wait_dma2 semaphore(%arg7 : memref<!tpu.dma_semaphore, #tpu.memory_space<semaphore_mem>>) src(%dma_wait3A_391 : memref<1x64xf32, #tpu.memory_space<hbm>>) dst(%dma_wait3A_388 : memref<1x64xf32, #tpu.memory_space<vmem_shared>>)
      %dma_wait3A_392 = arith.constant 0 : i32
      %dma_wait3A_393 = arith.constant 0 : i32
      %dma_wait3A_394 = tpu.memref_slice %arg6[%arg1, %dma_wait3A_392, %dma_wait3A_393] : memref<16x256x64xf32, #tpu.memory_space<vmem_shared>> -> memref<1x1x64xf32, #tpu.memory_space<vmem_shared>>
      %dma_wait3A_395 = tpu.memref_squeeze %dma_wait3A_394 : memref<1x1x64xf32, #tpu.memory_space<vmem_shared>> -> memref<1x64xf32, #tpu.memory_space<vmem_shared>>
      %dma_wait3A_396 = arith.constant 0 : i32
      %dma_wait3A_397 = arith.constant 0 : i32
      %dma_wait3A_398 = tpu.memref_slice %arg3[%dma_wait3A_396, %dma_wait3A_397] : memref<1000000x64xf32, #tpu.memory_space<hbm>> -> memref<1x64xf32, #tpu.memory_space<hbm>>
      tpu.wait_dma2 semaphore(%arg7 : memref<!tpu.dma_semaphore, #tpu.memory_space<semaphore_mem>>) src(%dma_wait3A_398 : memref<1x64xf32, #tpu.memory_space<hbm>>) dst(%dma_wait3A_395 : memref<1x64xf32, #tpu.memory_space<vmem_shared>>)
      %dma_wait3A_399 = arith.constant 0 : i32
      %dma_wait3A_400 = arith.constant 0 : i32
      %dma_wait3A_401 = tpu.memref_slice %arg6[%arg1, %dma_wait3A_399, %dma_wait3A_400] : memref<16x256x64xf32, #tpu.memory_space<vmem_shared>> -> memref<1x1x64xf32, #tpu.memory_space<vmem_shared>>
      %dma_wait3A_402 = tpu.memref_squeeze %dma_wait3A_401 : memref<1x1x64xf32, #tpu.memory_space<vmem_shared>> -> memref<1x64xf32, #tpu.memory_space<vmem_shared>>
      %dma_wait3A_403 = arith.constant 0 : i32
      %dma_wait3A_404 = arith.constant 0 : i32
      %dma_wait3A_405 = tpu.memref_slice %arg3[%dma_wait3A_403, %dma_wait3A_404] : memref<1000000x64xf32, #tpu.memory_space<hbm>> -> memref<1x64xf32, #tpu.memory_space<hbm>>
      tpu.wait_dma2 semaphore(%arg7 : memref<!tpu.dma_semaphore, #tpu.memory_space<semaphore_mem>>) src(%dma_wait3A_405 : memref<1x64xf32, #tpu.memory_space<hbm>>) dst(%dma_wait3A_402 : memref<1x64xf32, #tpu.memory_space<vmem_shared>>)
      %dma_wait3A_406 = arith.constant 0 : i32
      %dma_wait3A_407 = arith.constant 0 : i32
      %dma_wait3A_408 = tpu.memref_slice %arg6[%arg1, %dma_wait3A_406, %dma_wait3A_407] : memref<16x256x64xf32, #tpu.memory_space<vmem_shared>> -> memref<1x1x64xf32, #tpu.memory_space<vmem_shared>>
      %dma_wait3A_409 = tpu.memref_squeeze %dma_wait3A_408 : memref<1x1x64xf32, #tpu.memory_space<vmem_shared>> -> memref<1x64xf32, #tpu.memory_space<vmem_shared>>
      %dma_wait3A_410 = arith.constant 0 : i32
      %dma_wait3A_411 = arith.constant 0 : i32
      %dma_wait3A_412 = tpu.memref_slice %arg3[%dma_wait3A_410, %dma_wait3A_411] : memref<1000000x64xf32, #tpu.memory_space<hbm>> -> memref<1x64xf32, #tpu.memory_space<hbm>>
      tpu.wait_dma2 semaphore(%arg7 : memref<!tpu.dma_semaphore, #tpu.memory_space<semaphore_mem>>) src(%dma_wait3A_412 : memref<1x64xf32, #tpu.memory_space<hbm>>) dst(%dma_wait3A_409 : memref<1x64xf32, #tpu.memory_space<vmem_shared>>)
      %dma_wait3A_413 = arith.constant 0 : i32
      %dma_wait3A_414 = arith.constant 0 : i32
      %dma_wait3A_415 = tpu.memref_slice %arg6[%arg1, %dma_wait3A_413, %dma_wait3A_414] : memref<16x256x64xf32, #tpu.memory_space<vmem_shared>> -> memref<1x1x64xf32, #tpu.memory_space<vmem_shared>>
      %dma_wait3A_416 = tpu.memref_squeeze %dma_wait3A_415 : memref<1x1x64xf32, #tpu.memory_space<vmem_shared>> -> memref<1x64xf32, #tpu.memory_space<vmem_shared>>
      %dma_wait3A_417 = arith.constant 0 : i32
      %dma_wait3A_418 = arith.constant 0 : i32
      %dma_wait3A_419 = tpu.memref_slice %arg3[%dma_wait3A_417, %dma_wait3A_418] : memref<1000000x64xf32, #tpu.memory_space<hbm>> -> memref<1x64xf32, #tpu.memory_space<hbm>>
      tpu.wait_dma2 semaphore(%arg7 : memref<!tpu.dma_semaphore, #tpu.memory_space<semaphore_mem>>) src(%dma_wait3A_419 : memref<1x64xf32, #tpu.memory_space<hbm>>) dst(%dma_wait3A_416 : memref<1x64xf32, #tpu.memory_space<vmem_shared>>)
      %dma_wait3A_420 = arith.constant 0 : i32
      %dma_wait3A_421 = arith.constant 0 : i32
      %dma_wait3A_422 = tpu.memref_slice %arg6[%arg1, %dma_wait3A_420, %dma_wait3A_421] : memref<16x256x64xf32, #tpu.memory_space<vmem_shared>> -> memref<1x1x64xf32, #tpu.memory_space<vmem_shared>>
      %dma_wait3A_423 = tpu.memref_squeeze %dma_wait3A_422 : memref<1x1x64xf32, #tpu.memory_space<vmem_shared>> -> memref<1x64xf32, #tpu.memory_space<vmem_shared>>
      %dma_wait3A_424 = arith.constant 0 : i32
      %dma_wait3A_425 = arith.constant 0 : i32
      %dma_wait3A_426 = tpu.memref_slice %arg3[%dma_wait3A_424, %dma_wait3A_425] : memref<1000000x64xf32, #tpu.memory_space<hbm>> -> memref<1x64xf32, #tpu.memory_space<hbm>>
      tpu.wait_dma2 semaphore(%arg7 : memref<!tpu.dma_semaphore, #tpu.memory_space<semaphore_mem>>) src(%dma_wait3A_426 : memref<1x64xf32, #tpu.memory_space<hbm>>) dst(%dma_wait3A_423 : memref<1x64xf32, #tpu.memory_space<vmem_shared>>)
      %dma_wait3A_427 = arith.constant 0 : i32
      %dma_wait3A_428 = arith.constant 0 : i32
      %dma_wait3A_429 = tpu.memref_slice %arg6[%arg1, %dma_wait3A_427, %dma_wait3A_428] : memref<16x256x64xf32, #tpu.memory_space<vmem_shared>> -> memref<1x1x64xf32, #tpu.memory_space<vmem_shared>>
      %dma_wait3A_430 = tpu.memref_squeeze %dma_wait3A_429 : memref<1x1x64xf32, #tpu.memory_space<vmem_shared>> -> memref<1x64xf32, #tpu.memory_space<vmem_shared>>
      %dma_wait3A_431 = arith.constant 0 : i32
      %dma_wait3A_432 = arith.constant 0 : i32
      %dma_wait3A_433 = tpu.memref_slice %arg3[%dma_wait3A_431, %dma_wait3A_432] : memref<1000000x64xf32, #tpu.memory_space<hbm>> -> memref<1x64xf32, #tpu.memory_space<hbm>>
      tpu.wait_dma2 semaphore(%arg7 : memref<!tpu.dma_semaphore, #tpu.memory_space<semaphore_mem>>) src(%dma_wait3A_433 : memref<1x64xf32, #tpu.memory_space<hbm>>) dst(%dma_wait3A_430 : memref<1x64xf32, #tpu.memory_space<vmem_shared>>)
      %dma_wait3A_434 = arith.constant 0 : i32
      %dma_wait3A_435 = arith.constant 0 : i32
      %dma_wait3A_436 = tpu.memref_slice %arg6[%arg1, %dma_wait3A_434, %dma_wait3A_435] : memref<16x256x64xf32, #tpu.memory_space<vmem_shared>> -> memref<1x1x64xf32, #tpu.memory_space<vmem_shared>>
      %dma_wait3A_437 = tpu.memref_squeeze %dma_wait3A_436 : memref<1x1x64xf32, #tpu.memory_space<vmem_shared>> -> memref<1x64xf32, #tpu.memory_space<vmem_shared>>
      %dma_wait3A_438 = arith.constant 0 : i32
      %dma_wait3A_439 = arith.constant 0 : i32
      %dma_wait3A_440 = tpu.memref_slice %arg3[%dma_wait3A_438, %dma_wait3A_439] : memref<1000000x64xf32, #tpu.memory_space<hbm>> -> memref<1x64xf32, #tpu.memory_space<hbm>>
      tpu.wait_dma2 semaphore(%arg7 : memref<!tpu.dma_semaphore, #tpu.memory_space<semaphore_mem>>) src(%dma_wait3A_440 : memref<1x64xf32, #tpu.memory_space<hbm>>) dst(%dma_wait3A_437 : memref<1x64xf32, #tpu.memory_space<vmem_shared>>)
      %dma_wait3A_441 = arith.constant 0 : i32
      %dma_wait3A_442 = arith.constant 0 : i32
      %dma_wait3A_443 = tpu.memref_slice %arg6[%arg1, %dma_wait3A_441, %dma_wait3A_442] : memref<16x256x64xf32, #tpu.memory_space<vmem_shared>> -> memref<1x1x64xf32, #tpu.memory_space<vmem_shared>>
      %dma_wait3A_444 = tpu.memref_squeeze %dma_wait3A_443 : memref<1x1x64xf32, #tpu.memory_space<vmem_shared>> -> memref<1x64xf32, #tpu.memory_space<vmem_shared>>
      %dma_wait3A_445 = arith.constant 0 : i32
      %dma_wait3A_446 = arith.constant 0 : i32
      %dma_wait3A_447 = tpu.memref_slice %arg3[%dma_wait3A_445, %dma_wait3A_446] : memref<1000000x64xf32, #tpu.memory_space<hbm>> -> memref<1x64xf32, #tpu.memory_space<hbm>>
      tpu.wait_dma2 semaphore(%arg7 : memref<!tpu.dma_semaphore, #tpu.memory_space<semaphore_mem>>) src(%dma_wait3A_447 : memref<1x64xf32, #tpu.memory_space<hbm>>) dst(%dma_wait3A_444 : memref<1x64xf32, #tpu.memory_space<vmem_shared>>)
      %dma_wait3A_448 = arith.constant 0 : i32
      %dma_wait3A_449 = arith.constant 0 : i32
      %dma_wait3A_450 = tpu.memref_slice %arg6[%arg1, %dma_wait3A_448, %dma_wait3A_449] : memref<16x256x64xf32, #tpu.memory_space<vmem_shared>> -> memref<1x1x64xf32, #tpu.memory_space<vmem_shared>>
      %dma_wait3A_451 = tpu.memref_squeeze %dma_wait3A_450 : memref<1x1x64xf32, #tpu.memory_space<vmem_shared>> -> memref<1x64xf32, #tpu.memory_space<vmem_shared>>
      %dma_wait3A_452 = arith.constant 0 : i32
      %dma_wait3A_453 = arith.constant 0 : i32
      %dma_wait3A_454 = tpu.memref_slice %arg3[%dma_wait3A_452, %dma_wait3A_453] : memref<1000000x64xf32, #tpu.memory_space<hbm>> -> memref<1x64xf32, #tpu.memory_space<hbm>>
      tpu.wait_dma2 semaphore(%arg7 : memref<!tpu.dma_semaphore, #tpu.memory_space<semaphore_mem>>) src(%dma_wait3A_454 : memref<1x64xf32, #tpu.memory_space<hbm>>) dst(%dma_wait3A_451 : memref<1x64xf32, #tpu.memory_space<vmem_shared>>)
      %dma_wait3A_455 = arith.constant 0 : i32
      %dma_wait3A_456 = arith.constant 0 : i32
      %dma_wait3A_457 = tpu.memref_slice %arg6[%arg1, %dma_wait3A_455, %dma_wait3A_456] : memref<16x256x64xf32, #tpu.memory_space<vmem_shared>> -> memref<1x1x64xf32, #tpu.memory_space<vmem_shared>>
      %dma_wait3A_458 = tpu.memref_squeeze %dma_wait3A_457 : memref<1x1x64xf32, #tpu.memory_space<vmem_shared>> -> memref<1x64xf32, #tpu.memory_space<vmem_shared>>
      %dma_wait3A_459 = arith.constant 0 : i32
      %dma_wait3A_460 = arith.constant 0 : i32
      %dma_wait3A_461 = tpu.memref_slice %arg3[%dma_wait3A_459, %dma_wait3A_460] : memref<1000000x64xf32, #tpu.memory_space<hbm>> -> memref<1x64xf32, #tpu.memory_space<hbm>>
      tpu.wait_dma2 semaphore(%arg7 : memref<!tpu.dma_semaphore, #tpu.memory_space<semaphore_mem>>) src(%dma_wait3A_461 : memref<1x64xf32, #tpu.memory_space<hbm>>) dst(%dma_wait3A_458 : memref<1x64xf32, #tpu.memory_space<vmem_shared>>)
      %dma_wait3A_462 = arith.constant 0 : i32
      %dma_wait3A_463 = arith.constant 0 : i32
      %dma_wait3A_464 = tpu.memref_slice %arg6[%arg1, %dma_wait3A_462, %dma_wait3A_463] : memref<16x256x64xf32, #tpu.memory_space<vmem_shared>> -> memref<1x1x64xf32, #tpu.memory_space<vmem_shared>>
      %dma_wait3A_465 = tpu.memref_squeeze %dma_wait3A_464 : memref<1x1x64xf32, #tpu.memory_space<vmem_shared>> -> memref<1x64xf32, #tpu.memory_space<vmem_shared>>
      %dma_wait3A_466 = arith.constant 0 : i32
      %dma_wait3A_467 = arith.constant 0 : i32
      %dma_wait3A_468 = tpu.memref_slice %arg3[%dma_wait3A_466, %dma_wait3A_467] : memref<1000000x64xf32, #tpu.memory_space<hbm>> -> memref<1x64xf32, #tpu.memory_space<hbm>>
      tpu.wait_dma2 semaphore(%arg7 : memref<!tpu.dma_semaphore, #tpu.memory_space<semaphore_mem>>) src(%dma_wait3A_468 : memref<1x64xf32, #tpu.memory_space<hbm>>) dst(%dma_wait3A_465 : memref<1x64xf32, #tpu.memory_space<vmem_shared>>)
      %dma_wait3A_469 = arith.constant 0 : i32
      %dma_wait3A_470 = arith.constant 0 : i32
      %dma_wait3A_471 = tpu.memref_slice %arg6[%arg1, %dma_wait3A_469, %dma_wait3A_470] : memref<16x256x64xf32, #tpu.memory_space<vmem_shared>> -> memref<1x1x64xf32, #tpu.memory_space<vmem_shared>>
      %dma_wait3A_472 = tpu.memref_squeeze %dma_wait3A_471 : memref<1x1x64xf32, #tpu.memory_space<vmem_shared>> -> memref<1x64xf32, #tpu.memory_space<vmem_shared>>
      %dma_wait3A_473 = arith.constant 0 : i32
      %dma_wait3A_474 = arith.constant 0 : i32
      %dma_wait3A_475 = tpu.memref_slice %arg3[%dma_wait3A_473, %dma_wait3A_474] : memref<1000000x64xf32, #tpu.memory_space<hbm>> -> memref<1x64xf32, #tpu.memory_space<hbm>>
      tpu.wait_dma2 semaphore(%arg7 : memref<!tpu.dma_semaphore, #tpu.memory_space<semaphore_mem>>) src(%dma_wait3A_475 : memref<1x64xf32, #tpu.memory_space<hbm>>) dst(%dma_wait3A_472 : memref<1x64xf32, #tpu.memory_space<vmem_shared>>)
      %dma_wait3A_476 = arith.constant 0 : i32
      %dma_wait3A_477 = arith.constant 0 : i32
      %dma_wait3A_478 = tpu.memref_slice %arg6[%arg1, %dma_wait3A_476, %dma_wait3A_477] : memref<16x256x64xf32, #tpu.memory_space<vmem_shared>> -> memref<1x1x64xf32, #tpu.memory_space<vmem_shared>>
      %dma_wait3A_479 = tpu.memref_squeeze %dma_wait3A_478 : memref<1x1x64xf32, #tpu.memory_space<vmem_shared>> -> memref<1x64xf32, #tpu.memory_space<vmem_shared>>
      %dma_wait3A_480 = arith.constant 0 : i32
      %dma_wait3A_481 = arith.constant 0 : i32
      %dma_wait3A_482 = tpu.memref_slice %arg3[%dma_wait3A_480, %dma_wait3A_481] : memref<1000000x64xf32, #tpu.memory_space<hbm>> -> memref<1x64xf32, #tpu.memory_space<hbm>>
      tpu.wait_dma2 semaphore(%arg7 : memref<!tpu.dma_semaphore, #tpu.memory_space<semaphore_mem>>) src(%dma_wait3A_482 : memref<1x64xf32, #tpu.memory_space<hbm>>) dst(%dma_wait3A_479 : memref<1x64xf32, #tpu.memory_space<vmem_shared>>)
      %dma_wait3A_483 = arith.constant 0 : i32
      %dma_wait3A_484 = arith.constant 0 : i32
      %dma_wait3A_485 = tpu.memref_slice %arg6[%arg1, %dma_wait3A_483, %dma_wait3A_484] : memref<16x256x64xf32, #tpu.memory_space<vmem_shared>> -> memref<1x1x64xf32, #tpu.memory_space<vmem_shared>>
      %dma_wait3A_486 = tpu.memref_squeeze %dma_wait3A_485 : memref<1x1x64xf32, #tpu.memory_space<vmem_shared>> -> memref<1x64xf32, #tpu.memory_space<vmem_shared>>
      %dma_wait3A_487 = arith.constant 0 : i32
      %dma_wait3A_488 = arith.constant 0 : i32
      %dma_wait3A_489 = tpu.memref_slice %arg3[%dma_wait3A_487, %dma_wait3A_488] : memref<1000000x64xf32, #tpu.memory_space<hbm>> -> memref<1x64xf32, #tpu.memory_space<hbm>>
      tpu.wait_dma2 semaphore(%arg7 : memref<!tpu.dma_semaphore, #tpu.memory_space<semaphore_mem>>) src(%dma_wait3A_489 : memref<1x64xf32, #tpu.memory_space<hbm>>) dst(%dma_wait3A_486 : memref<1x64xf32, #tpu.memory_space<vmem_shared>>)
      %dma_wait3A_490 = arith.constant 0 : i32
      %dma_wait3A_491 = arith.constant 0 : i32
      %dma_wait3A_492 = tpu.memref_slice %arg6[%arg1, %dma_wait3A_490, %dma_wait3A_491] : memref<16x256x64xf32, #tpu.memory_space<vmem_shared>> -> memref<1x1x64xf32, #tpu.memory_space<vmem_shared>>
      %dma_wait3A_493 = tpu.memref_squeeze %dma_wait3A_492 : memref<1x1x64xf32, #tpu.memory_space<vmem_shared>> -> memref<1x64xf32, #tpu.memory_space<vmem_shared>>
      %dma_wait3A_494 = arith.constant 0 : i32
      %dma_wait3A_495 = arith.constant 0 : i32
      %dma_wait3A_496 = tpu.memref_slice %arg3[%dma_wait3A_494, %dma_wait3A_495] : memref<1000000x64xf32, #tpu.memory_space<hbm>> -> memref<1x64xf32, #tpu.memory_space<hbm>>
      tpu.wait_dma2 semaphore(%arg7 : memref<!tpu.dma_semaphore, #tpu.memory_space<semaphore_mem>>) src(%dma_wait3A_496 : memref<1x64xf32, #tpu.memory_space<hbm>>) dst(%dma_wait3A_493 : memref<1x64xf32, #tpu.memory_space<vmem_shared>>)
      %dma_wait3A_497 = arith.constant 0 : i32
      %dma_wait3A_498 = arith.constant 0 : i32
      %dma_wait3A_499 = tpu.memref_slice %arg6[%arg1, %dma_wait3A_497, %dma_wait3A_498] : memref<16x256x64xf32, #tpu.memory_space<vmem_shared>> -> memref<1x1x64xf32, #tpu.memory_space<vmem_shared>>
      %dma_wait3A_500 = tpu.memref_squeeze %dma_wait3A_499 : memref<1x1x64xf32, #tpu.memory_space<vmem_shared>> -> memref<1x64xf32, #tpu.memory_space<vmem_shared>>
      %dma_wait3A_501 = arith.constant 0 : i32
      %dma_wait3A_502 = arith.constant 0 : i32
      %dma_wait3A_503 = tpu.memref_slice %arg3[%dma_wait3A_501, %dma_wait3A_502] : memref<1000000x64xf32, #tpu.memory_space<hbm>> -> memref<1x64xf32, #tpu.memory_space<hbm>>
      tpu.wait_dma2 semaphore(%arg7 : memref<!tpu.dma_semaphore, #tpu.memory_space<semaphore_mem>>) src(%dma_wait3A_503 : memref<1x64xf32, #tpu.memory_space<hbm>>) dst(%dma_wait3A_500 : memref<1x64xf32, #tpu.memory_space<vmem_shared>>)
      %dma_wait3A_504 = arith.constant 0 : i32
      %dma_wait3A_505 = arith.constant 0 : i32
      %dma_wait3A_506 = tpu.memref_slice %arg6[%arg1, %dma_wait3A_504, %dma_wait3A_505] : memref<16x256x64xf32, #tpu.memory_space<vmem_shared>> -> memref<1x1x64xf32, #tpu.memory_space<vmem_shared>>
      %dma_wait3A_507 = tpu.memref_squeeze %dma_wait3A_506 : memref<1x1x64xf32, #tpu.memory_space<vmem_shared>> -> memref<1x64xf32, #tpu.memory_space<vmem_shared>>
      %dma_wait3A_508 = arith.constant 0 : i32
      %dma_wait3A_509 = arith.constant 0 : i32
      %dma_wait3A_510 = tpu.memref_slice %arg3[%dma_wait3A_508, %dma_wait3A_509] : memref<1000000x64xf32, #tpu.memory_space<hbm>> -> memref<1x64xf32, #tpu.memory_space<hbm>>
      tpu.wait_dma2 semaphore(%arg7 : memref<!tpu.dma_semaphore, #tpu.memory_space<semaphore_mem>>) src(%dma_wait3A_510 : memref<1x64xf32, #tpu.memory_space<hbm>>) dst(%dma_wait3A_507 : memref<1x64xf32, #tpu.memory_space<vmem_shared>>)
      %dma_wait3A_511 = arith.constant 0 : i32
      %dma_wait3A_512 = arith.constant 0 : i32
      %dma_wait3A_513 = tpu.memref_slice %arg6[%arg1, %dma_wait3A_511, %dma_wait3A_512] : memref<16x256x64xf32, #tpu.memory_space<vmem_shared>> -> memref<1x1x64xf32, #tpu.memory_space<vmem_shared>>
      %dma_wait3A_514 = tpu.memref_squeeze %dma_wait3A_513 : memref<1x1x64xf32, #tpu.memory_space<vmem_shared>> -> memref<1x64xf32, #tpu.memory_space<vmem_shared>>
      %dma_wait3A_515 = arith.constant 0 : i32
      %dma_wait3A_516 = arith.constant 0 : i32
      %dma_wait3A_517 = tpu.memref_slice %arg3[%dma_wait3A_515, %dma_wait3A_516] : memref<1000000x64xf32, #tpu.memory_space<hbm>> -> memref<1x64xf32, #tpu.memory_space<hbm>>
      tpu.wait_dma2 semaphore(%arg7 : memref<!tpu.dma_semaphore, #tpu.memory_space<semaphore_mem>>) src(%dma_wait3A_517 : memref<1x64xf32, #tpu.memory_space<hbm>>) dst(%dma_wait3A_514 : memref<1x64xf32, #tpu.memory_space<vmem_shared>>)
      %dma_wait3A_518 = arith.constant 0 : i32
      %dma_wait3A_519 = arith.constant 0 : i32
      %dma_wait3A_520 = tpu.memref_slice %arg6[%arg1, %dma_wait3A_518, %dma_wait3A_519] : memref<16x256x64xf32, #tpu.memory_space<vmem_shared>> -> memref<1x1x64xf32, #tpu.memory_space<vmem_shared>>
      %dma_wait3A_521 = tpu.memref_squeeze %dma_wait3A_520 : memref<1x1x64xf32, #tpu.memory_space<vmem_shared>> -> memref<1x64xf32, #tpu.memory_space<vmem_shared>>
      %dma_wait3A_522 = arith.constant 0 : i32
      %dma_wait3A_523 = arith.constant 0 : i32
      %dma_wait3A_524 = tpu.memref_slice %arg3[%dma_wait3A_522, %dma_wait3A_523] : memref<1000000x64xf32, #tpu.memory_space<hbm>> -> memref<1x64xf32, #tpu.memory_space<hbm>>
      tpu.wait_dma2 semaphore(%arg7 : memref<!tpu.dma_semaphore, #tpu.memory_space<semaphore_mem>>) src(%dma_wait3A_524 : memref<1x64xf32, #tpu.memory_space<hbm>>) dst(%dma_wait3A_521 : memref<1x64xf32, #tpu.memory_space<vmem_shared>>)
      %dma_wait3A_525 = arith.constant 0 : i32
      %dma_wait3A_526 = arith.constant 0 : i32
      %dma_wait3A_527 = tpu.memref_slice %arg6[%arg1, %dma_wait3A_525, %dma_wait3A_526] : memref<16x256x64xf32, #tpu.memory_space<vmem_shared>> -> memref<1x1x64xf32, #tpu.memory_space<vmem_shared>>
      %dma_wait3A_528 = tpu.memref_squeeze %dma_wait3A_527 : memref<1x1x64xf32, #tpu.memory_space<vmem_shared>> -> memref<1x64xf32, #tpu.memory_space<vmem_shared>>
      %dma_wait3A_529 = arith.constant 0 : i32
      %dma_wait3A_530 = arith.constant 0 : i32
      %dma_wait3A_531 = tpu.memref_slice %arg3[%dma_wait3A_529, %dma_wait3A_530] : memref<1000000x64xf32, #tpu.memory_space<hbm>> -> memref<1x64xf32, #tpu.memory_space<hbm>>
      tpu.wait_dma2 semaphore(%arg7 : memref<!tpu.dma_semaphore, #tpu.memory_space<semaphore_mem>>) src(%dma_wait3A_531 : memref<1x64xf32, #tpu.memory_space<hbm>>) dst(%dma_wait3A_528 : memref<1x64xf32, #tpu.memory_space<vmem_shared>>)
      %dma_wait3A_532 = arith.constant 0 : i32
      %dma_wait3A_533 = arith.constant 0 : i32
      %dma_wait3A_534 = tpu.memref_slice %arg6[%arg1, %dma_wait3A_532, %dma_wait3A_533] : memref<16x256x64xf32, #tpu.memory_space<vmem_shared>> -> memref<1x1x64xf32, #tpu.memory_space<vmem_shared>>
      %dma_wait3A_535 = tpu.memref_squeeze %dma_wait3A_534 : memref<1x1x64xf32, #tpu.memory_space<vmem_shared>> -> memref<1x64xf32, #tpu.memory_space<vmem_shared>>
      %dma_wait3A_536 = arith.constant 0 : i32
      %dma_wait3A_537 = arith.constant 0 : i32
      %dma_wait3A_538 = tpu.memref_slice %arg3[%dma_wait3A_536, %dma_wait3A_537] : memref<1000000x64xf32, #tpu.memory_space<hbm>> -> memref<1x64xf32, #tpu.memory_space<hbm>>
      tpu.wait_dma2 semaphore(%arg7 : memref<!tpu.dma_semaphore, #tpu.memory_space<semaphore_mem>>) src(%dma_wait3A_538 : memref<1x64xf32, #tpu.memory_space<hbm>>) dst(%dma_wait3A_535 : memref<1x64xf32, #tpu.memory_space<vmem_shared>>)
      %dma_wait3A_539 = arith.constant 0 : i32
      %dma_wait3A_540 = arith.constant 0 : i32
      %dma_wait3A_541 = tpu.memref_slice %arg6[%arg1, %dma_wait3A_539, %dma_wait3A_540] : memref<16x256x64xf32, #tpu.memory_space<vmem_shared>> -> memref<1x1x64xf32, #tpu.memory_space<vmem_shared>>
      %dma_wait3A_542 = tpu.memref_squeeze %dma_wait3A_541 : memref<1x1x64xf32, #tpu.memory_space<vmem_shared>> -> memref<1x64xf32, #tpu.memory_space<vmem_shared>>
      %dma_wait3A_543 = arith.constant 0 : i32
      %dma_wait3A_544 = arith.constant 0 : i32
      %dma_wait3A_545 = tpu.memref_slice %arg3[%dma_wait3A_543, %dma_wait3A_544] : memref<1000000x64xf32, #tpu.memory_space<hbm>> -> memref<1x64xf32, #tpu.memory_space<hbm>>
      tpu.wait_dma2 semaphore(%arg7 : memref<!tpu.dma_semaphore, #tpu.memory_space<semaphore_mem>>) src(%dma_wait3A_545 : memref<1x64xf32, #tpu.memory_space<hbm>>) dst(%dma_wait3A_542 : memref<1x64xf32, #tpu.memory_space<vmem_shared>>)
      %dma_wait3A_546 = arith.constant 0 : i32
      %dma_wait3A_547 = arith.constant 0 : i32
      %dma_wait3A_548 = tpu.memref_slice %arg6[%arg1, %dma_wait3A_546, %dma_wait3A_547] : memref<16x256x64xf32, #tpu.memory_space<vmem_shared>> -> memref<1x1x64xf32, #tpu.memory_space<vmem_shared>>
      %dma_wait3A_549 = tpu.memref_squeeze %dma_wait3A_548 : memref<1x1x64xf32, #tpu.memory_space<vmem_shared>> -> memref<1x64xf32, #tpu.memory_space<vmem_shared>>
      %dma_wait3A_550 = arith.constant 0 : i32
      %dma_wait3A_551 = arith.constant 0 : i32
      %dma_wait3A_552 = tpu.memref_slice %arg3[%dma_wait3A_550, %dma_wait3A_551] : memref<1000000x64xf32, #tpu.memory_space<hbm>> -> memref<1x64xf32, #tpu.memory_space<hbm>>
      tpu.wait_dma2 semaphore(%arg7 : memref<!tpu.dma_semaphore, #tpu.memory_space<semaphore_mem>>) src(%dma_wait3A_552 : memref<1x64xf32, #tpu.memory_space<hbm>>) dst(%dma_wait3A_549 : memref<1x64xf32, #tpu.memory_space<vmem_shared>>)
      %dma_wait3A_553 = arith.constant 0 : i32
      %dma_wait3A_554 = arith.constant 0 : i32
      %dma_wait3A_555 = tpu.memref_slice %arg6[%arg1, %dma_wait3A_553, %dma_wait3A_554] : memref<16x256x64xf32, #tpu.memory_space<vmem_shared>> -> memref<1x1x64xf32, #tpu.memory_space<vmem_shared>>
      %dma_wait3A_556 = tpu.memref_squeeze %dma_wait3A_555 : memref<1x1x64xf32, #tpu.memory_space<vmem_shared>> -> memref<1x64xf32, #tpu.memory_space<vmem_shared>>
      %dma_wait3A_557 = arith.constant 0 : i32
      %dma_wait3A_558 = arith.constant 0 : i32
      %dma_wait3A_559 = tpu.memref_slice %arg3[%dma_wait3A_557, %dma_wait3A_558] : memref<1000000x64xf32, #tpu.memory_space<hbm>> -> memref<1x64xf32, #tpu.memory_space<hbm>>
      tpu.wait_dma2 semaphore(%arg7 : memref<!tpu.dma_semaphore, #tpu.memory_space<semaphore_mem>>) src(%dma_wait3A_559 : memref<1x64xf32, #tpu.memory_space<hbm>>) dst(%dma_wait3A_556 : memref<1x64xf32, #tpu.memory_space<vmem_shared>>)
      %dma_wait3A_560 = arith.constant 0 : i32
      %dma_wait3A_561 = arith.constant 0 : i32
      %dma_wait3A_562 = tpu.memref_slice %arg6[%arg1, %dma_wait3A_560, %dma_wait3A_561] : memref<16x256x64xf32, #tpu.memory_space<vmem_shared>> -> memref<1x1x64xf32, #tpu.memory_space<vmem_shared>>
      %dma_wait3A_563 = tpu.memref_squeeze %dma_wait3A_562 : memref<1x1x64xf32, #tpu.memory_space<vmem_shared>> -> memref<1x64xf32, #tpu.memory_space<vmem_shared>>
      %dma_wait3A_564 = arith.constant 0 : i32
      %dma_wait3A_565 = arith.constant 0 : i32
      %dma_wait3A_566 = tpu.memref_slice %arg3[%dma_wait3A_564, %dma_wait3A_565] : memref<1000000x64xf32, #tpu.memory_space<hbm>> -> memref<1x64xf32, #tpu.memory_space<hbm>>
      tpu.wait_dma2 semaphore(%arg7 : memref<!tpu.dma_semaphore, #tpu.memory_space<semaphore_mem>>) src(%dma_wait3A_566 : memref<1x64xf32, #tpu.memory_space<hbm>>) dst(%dma_wait3A_563 : memref<1x64xf32, #tpu.memory_space<vmem_shared>>)
      %dma_wait3A_567 = arith.constant 0 : i32
      %dma_wait3A_568 = arith.constant 0 : i32
      %dma_wait3A_569 = tpu.memref_slice %arg6[%arg1, %dma_wait3A_567, %dma_wait3A_568] : memref<16x256x64xf32, #tpu.memory_space<vmem_shared>> -> memref<1x1x64xf32, #tpu.memory_space<vmem_shared>>
      %dma_wait3A_570 = tpu.memref_squeeze %dma_wait3A_569 : memref<1x1x64xf32, #tpu.memory_space<vmem_shared>> -> memref<1x64xf32, #tpu.memory_space<vmem_shared>>
      %dma_wait3A_571 = arith.constant 0 : i32
      %dma_wait3A_572 = arith.constant 0 : i32
      %dma_wait3A_573 = tpu.memref_slice %arg3[%dma_wait3A_571, %dma_wait3A_572] : memref<1000000x64xf32, #tpu.memory_space<hbm>> -> memref<1x64xf32, #tpu.memory_space<hbm>>
      tpu.wait_dma2 semaphore(%arg7 : memref<!tpu.dma_semaphore, #tpu.memory_space<semaphore_mem>>) src(%dma_wait3A_573 : memref<1x64xf32, #tpu.memory_space<hbm>>) dst(%dma_wait3A_570 : memref<1x64xf32, #tpu.memory_space<vmem_shared>>)
      %dma_wait3A_574 = arith.constant 0 : i32
      %dma_wait3A_575 = arith.constant 0 : i32
      %dma_wait3A_576 = tpu.memref_slice %arg6[%arg1, %dma_wait3A_574, %dma_wait3A_575] : memref<16x256x64xf32, #tpu.memory_space<vmem_shared>> -> memref<1x1x64xf32, #tpu.memory_space<vmem_shared>>
      %dma_wait3A_577 = tpu.memref_squeeze %dma_wait3A_576 : memref<1x1x64xf32, #tpu.memory_space<vmem_shared>> -> memref<1x64xf32, #tpu.memory_space<vmem_shared>>
      %dma_wait3A_578 = arith.constant 0 : i32
      %dma_wait3A_579 = arith.constant 0 : i32
      %dma_wait3A_580 = tpu.memref_slice %arg3[%dma_wait3A_578, %dma_wait3A_579] : memref<1000000x64xf32, #tpu.memory_space<hbm>> -> memref<1x64xf32, #tpu.memory_space<hbm>>
      tpu.wait_dma2 semaphore(%arg7 : memref<!tpu.dma_semaphore, #tpu.memory_space<semaphore_mem>>) src(%dma_wait3A_580 : memref<1x64xf32, #tpu.memory_space<hbm>>) dst(%dma_wait3A_577 : memref<1x64xf32, #tpu.memory_space<vmem_shared>>)
      %dma_wait3A_581 = arith.constant 0 : i32
      %dma_wait3A_582 = arith.constant 0 : i32
      %dma_wait3A_583 = tpu.memref_slice %arg6[%arg1, %dma_wait3A_581, %dma_wait3A_582] : memref<16x256x64xf32, #tpu.memory_space<vmem_shared>> -> memref<1x1x64xf32, #tpu.memory_space<vmem_shared>>
      %dma_wait3A_584 = tpu.memref_squeeze %dma_wait3A_583 : memref<1x1x64xf32, #tpu.memory_space<vmem_shared>> -> memref<1x64xf32, #tpu.memory_space<vmem_shared>>
      %dma_wait3A_585 = arith.constant 0 : i32
      %dma_wait3A_586 = arith.constant 0 : i32
      %dma_wait3A_587 = tpu.memref_slice %arg3[%dma_wait3A_585, %dma_wait3A_586] : memref<1000000x64xf32, #tpu.memory_space<hbm>> -> memref<1x64xf32, #tpu.memory_space<hbm>>
      tpu.wait_dma2 semaphore(%arg7 : memref<!tpu.dma_semaphore, #tpu.memory_space<semaphore_mem>>) src(%dma_wait3A_587 : memref<1x64xf32, #tpu.memory_space<hbm>>) dst(%dma_wait3A_584 : memref<1x64xf32, #tpu.memory_space<vmem_shared>>)
      %dma_wait3A_588 = arith.constant 0 : i32
      %dma_wait3A_589 = arith.constant 0 : i32
      %dma_wait3A_590 = tpu.memref_slice %arg6[%arg1, %dma_wait3A_588, %dma_wait3A_589] : memref<16x256x64xf32, #tpu.memory_space<vmem_shared>> -> memref<1x1x64xf32, #tpu.memory_space<vmem_shared>>
      %dma_wait3A_591 = tpu.memref_squeeze %dma_wait3A_590 : memref<1x1x64xf32, #tpu.memory_space<vmem_shared>> -> memref<1x64xf32, #tpu.memory_space<vmem_shared>>
      %dma_wait3A_592 = arith.constant 0 : i32
      %dma_wait3A_593 = arith.constant 0 : i32
      %dma_wait3A_594 = tpu.memref_slice %arg3[%dma_wait3A_592, %dma_wait3A_593] : memref<1000000x64xf32, #tpu.memory_space<hbm>> -> memref<1x64xf32, #tpu.memory_space<hbm>>
      tpu.wait_dma2 semaphore(%arg7 : memref<!tpu.dma_semaphore, #tpu.memory_space<semaphore_mem>>) src(%dma_wait3A_594 : memref<1x64xf32, #tpu.memory_space<hbm>>) dst(%dma_wait3A_591 : memref<1x64xf32, #tpu.memory_space<vmem_shared>>)
      %dma_wait3A_595 = arith.constant 0 : i32
      %dma_wait3A_596 = arith.constant 0 : i32
      %dma_wait3A_597 = tpu.memref_slice %arg6[%arg1, %dma_wait3A_595, %dma_wait3A_596] : memref<16x256x64xf32, #tpu.memory_space<vmem_shared>> -> memref<1x1x64xf32, #tpu.memory_space<vmem_shared>>
      %dma_wait3A_598 = tpu.memref_squeeze %dma_wait3A_597 : memref<1x1x64xf32, #tpu.memory_space<vmem_shared>> -> memref<1x64xf32, #tpu.memory_space<vmem_shared>>
      %dma_wait3A_599 = arith.constant 0 : i32
      %dma_wait3A_600 = arith.constant 0 : i32
      %dma_wait3A_601 = tpu.memref_slice %arg3[%dma_wait3A_599, %dma_wait3A_600] : memref<1000000x64xf32, #tpu.memory_space<hbm>> -> memref<1x64xf32, #tpu.memory_space<hbm>>
      tpu.wait_dma2 semaphore(%arg7 : memref<!tpu.dma_semaphore, #tpu.memory_space<semaphore_mem>>) src(%dma_wait3A_601 : memref<1x64xf32, #tpu.memory_space<hbm>>) dst(%dma_wait3A_598 : memref<1x64xf32, #tpu.memory_space<vmem_shared>>)
      %dma_wait3A_602 = arith.constant 0 : i32
      %dma_wait3A_603 = arith.constant 0 : i32
      %dma_wait3A_604 = tpu.memref_slice %arg6[%arg1, %dma_wait3A_602, %dma_wait3A_603] : memref<16x256x64xf32, #tpu.memory_space<vmem_shared>> -> memref<1x1x64xf32, #tpu.memory_space<vmem_shared>>
      %dma_wait3A_605 = tpu.memref_squeeze %dma_wait3A_604 : memref<1x1x64xf32, #tpu.memory_space<vmem_shared>> -> memref<1x64xf32, #tpu.memory_space<vmem_shared>>
      %dma_wait3A_606 = arith.constant 0 : i32
      %dma_wait3A_607 = arith.constant 0 : i32
      %dma_wait3A_608 = tpu.memref_slice %arg3[%dma_wait3A_606, %dma_wait3A_607] : memref<1000000x64xf32, #tpu.memory_space<hbm>> -> memref<1x64xf32, #tpu.memory_space<hbm>>
      tpu.wait_dma2 semaphore(%arg7 : memref<!tpu.dma_semaphore, #tpu.memory_space<semaphore_mem>>) src(%dma_wait3A_608 : memref<1x64xf32, #tpu.memory_space<hbm>>) dst(%dma_wait3A_605 : memref<1x64xf32, #tpu.memory_space<vmem_shared>>)
      %dma_wait3A_609 = arith.constant 0 : i32
      %dma_wait3A_610 = arith.constant 0 : i32
      %dma_wait3A_611 = tpu.memref_slice %arg6[%arg1, %dma_wait3A_609, %dma_wait3A_610] : memref<16x256x64xf32, #tpu.memory_space<vmem_shared>> -> memref<1x1x64xf32, #tpu.memory_space<vmem_shared>>
      %dma_wait3A_612 = tpu.memref_squeeze %dma_wait3A_611 : memref<1x1x64xf32, #tpu.memory_space<vmem_shared>> -> memref<1x64xf32, #tpu.memory_space<vmem_shared>>
      %dma_wait3A_613 = arith.constant 0 : i32
      %dma_wait3A_614 = arith.constant 0 : i32
      %dma_wait3A_615 = tpu.memref_slice %arg3[%dma_wait3A_613, %dma_wait3A_614] : memref<1000000x64xf32, #tpu.memory_space<hbm>> -> memref<1x64xf32, #tpu.memory_space<hbm>>
      tpu.wait_dma2 semaphore(%arg7 : memref<!tpu.dma_semaphore, #tpu.memory_space<semaphore_mem>>) src(%dma_wait3A_615 : memref<1x64xf32, #tpu.memory_space<hbm>>) dst(%dma_wait3A_612 : memref<1x64xf32, #tpu.memory_space<vmem_shared>>)
      %dma_wait3A_616 = arith.constant 0 : i32
      %dma_wait3A_617 = arith.constant 0 : i32
      %dma_wait3A_618 = tpu.memref_slice %arg6[%arg1, %dma_wait3A_616, %dma_wait3A_617] : memref<16x256x64xf32, #tpu.memory_space<vmem_shared>> -> memref<1x1x64xf32, #tpu.memory_space<vmem_shared>>
      %dma_wait3A_619 = tpu.memref_squeeze %dma_wait3A_618 : memref<1x1x64xf32, #tpu.memory_space<vmem_shared>> -> memref<1x64xf32, #tpu.memory_space<vmem_shared>>
      %dma_wait3A_620 = arith.constant 0 : i32
      %dma_wait3A_621 = arith.constant 0 : i32
      %dma_wait3A_622 = tpu.memref_slice %arg3[%dma_wait3A_620, %dma_wait3A_621] : memref<1000000x64xf32, #tpu.memory_space<hbm>> -> memref<1x64xf32, #tpu.memory_space<hbm>>
      tpu.wait_dma2 semaphore(%arg7 : memref<!tpu.dma_semaphore, #tpu.memory_space<semaphore_mem>>) src(%dma_wait3A_622 : memref<1x64xf32, #tpu.memory_space<hbm>>) dst(%dma_wait3A_619 : memref<1x64xf32, #tpu.memory_space<vmem_shared>>)
      %dma_wait3A_623 = arith.constant 0 : i32
      %dma_wait3A_624 = arith.constant 0 : i32
      %dma_wait3A_625 = tpu.memref_slice %arg6[%arg1, %dma_wait3A_623, %dma_wait3A_624] : memref<16x256x64xf32, #tpu.memory_space<vmem_shared>> -> memref<1x1x64xf32, #tpu.memory_space<vmem_shared>>
      %dma_wait3A_626 = tpu.memref_squeeze %dma_wait3A_625 : memref<1x1x64xf32, #tpu.memory_space<vmem_shared>> -> memref<1x64xf32, #tpu.memory_space<vmem_shared>>
      %dma_wait3A_627 = arith.constant 0 : i32
      %dma_wait3A_628 = arith.constant 0 : i32
      %dma_wait3A_629 = tpu.memref_slice %arg3[%dma_wait3A_627, %dma_wait3A_628] : memref<1000000x64xf32, #tpu.memory_space<hbm>> -> memref<1x64xf32, #tpu.memory_space<hbm>>
      tpu.wait_dma2 semaphore(%arg7 : memref<!tpu.dma_semaphore, #tpu.memory_space<semaphore_mem>>) src(%dma_wait3A_629 : memref<1x64xf32, #tpu.memory_space<hbm>>) dst(%dma_wait3A_626 : memref<1x64xf32, #tpu.memory_space<vmem_shared>>)
      %dma_wait3A_630 = arith.constant 0 : i32
      %dma_wait3A_631 = arith.constant 0 : i32
      %dma_wait3A_632 = tpu.memref_slice %arg6[%arg1, %dma_wait3A_630, %dma_wait3A_631] : memref<16x256x64xf32, #tpu.memory_space<vmem_shared>> -> memref<1x1x64xf32, #tpu.memory_space<vmem_shared>>
      %dma_wait3A_633 = tpu.memref_squeeze %dma_wait3A_632 : memref<1x1x64xf32, #tpu.memory_space<vmem_shared>> -> memref<1x64xf32, #tpu.memory_space<vmem_shared>>
      %dma_wait3A_634 = arith.constant 0 : i32
      %dma_wait3A_635 = arith.constant 0 : i32
      %dma_wait3A_636 = tpu.memref_slice %arg3[%dma_wait3A_634, %dma_wait3A_635] : memref<1000000x64xf32, #tpu.memory_space<hbm>> -> memref<1x64xf32, #tpu.memory_space<hbm>>
      tpu.wait_dma2 semaphore(%arg7 : memref<!tpu.dma_semaphore, #tpu.memory_space<semaphore_mem>>) src(%dma_wait3A_636 : memref<1x64xf32, #tpu.memory_space<hbm>>) dst(%dma_wait3A_633 : memref<1x64xf32, #tpu.memory_space<vmem_shared>>)
      %dma_wait3A_637 = arith.constant 0 : i32
      %dma_wait3A_638 = arith.constant 0 : i32
      %dma_wait3A_639 = tpu.memref_slice %arg6[%arg1, %dma_wait3A_637, %dma_wait3A_638] : memref<16x256x64xf32, #tpu.memory_space<vmem_shared>> -> memref<1x1x64xf32, #tpu.memory_space<vmem_shared>>
      %dma_wait3A_640 = tpu.memref_squeeze %dma_wait3A_639 : memref<1x1x64xf32, #tpu.memory_space<vmem_shared>> -> memref<1x64xf32, #tpu.memory_space<vmem_shared>>
      %dma_wait3A_641 = arith.constant 0 : i32
      %dma_wait3A_642 = arith.constant 0 : i32
      %dma_wait3A_643 = tpu.memref_slice %arg3[%dma_wait3A_641, %dma_wait3A_642] : memref<1000000x64xf32, #tpu.memory_space<hbm>> -> memref<1x64xf32, #tpu.memory_space<hbm>>
      tpu.wait_dma2 semaphore(%arg7 : memref<!tpu.dma_semaphore, #tpu.memory_space<semaphore_mem>>) src(%dma_wait3A_643 : memref<1x64xf32, #tpu.memory_space<hbm>>) dst(%dma_wait3A_640 : memref<1x64xf32, #tpu.memory_space<vmem_shared>>)
      %dma_wait3A_644 = arith.constant 0 : i32
      %dma_wait3A_645 = arith.constant 0 : i32
      %dma_wait3A_646 = tpu.memref_slice %arg6[%arg1, %dma_wait3A_644, %dma_wait3A_645] : memref<16x256x64xf32, #tpu.memory_space<vmem_shared>> -> memref<1x1x64xf32, #tpu.memory_space<vmem_shared>>
      %dma_wait3A_647 = tpu.memref_squeeze %dma_wait3A_646 : memref<1x1x64xf32, #tpu.memory_space<vmem_shared>> -> memref<1x64xf32, #tpu.memory_space<vmem_shared>>
      %dma_wait3A_648 = arith.constant 0 : i32
      %dma_wait3A_649 = arith.constant 0 : i32
      %dma_wait3A_650 = tpu.memref_slice %arg3[%dma_wait3A_648, %dma_wait3A_649] : memref<1000000x64xf32, #tpu.memory_space<hbm>> -> memref<1x64xf32, #tpu.memory_space<hbm>>
      tpu.wait_dma2 semaphore(%arg7 : memref<!tpu.dma_semaphore, #tpu.memory_space<semaphore_mem>>) src(%dma_wait3A_650 : memref<1x64xf32, #tpu.memory_space<hbm>>) dst(%dma_wait3A_647 : memref<1x64xf32, #tpu.memory_space<vmem_shared>>)
      %dma_wait3A_651 = arith.constant 0 : i32
      %dma_wait3A_652 = arith.constant 0 : i32
      %dma_wait3A_653 = tpu.memref_slice %arg6[%arg1, %dma_wait3A_651, %dma_wait3A_652] : memref<16x256x64xf32, #tpu.memory_space<vmem_shared>> -> memref<1x1x64xf32, #tpu.memory_space<vmem_shared>>
      %dma_wait3A_654 = tpu.memref_squeeze %dma_wait3A_653 : memref<1x1x64xf32, #tpu.memory_space<vmem_shared>> -> memref<1x64xf32, #tpu.memory_space<vmem_shared>>
      %dma_wait3A_655 = arith.constant 0 : i32
      %dma_wait3A_656 = arith.constant 0 : i32
      %dma_wait3A_657 = tpu.memref_slice %arg3[%dma_wait3A_655, %dma_wait3A_656] : memref<1000000x64xf32, #tpu.memory_space<hbm>> -> memref<1x64xf32, #tpu.memory_space<hbm>>
      tpu.wait_dma2 semaphore(%arg7 : memref<!tpu.dma_semaphore, #tpu.memory_space<semaphore_mem>>) src(%dma_wait3A_657 : memref<1x64xf32, #tpu.memory_space<hbm>>) dst(%dma_wait3A_654 : memref<1x64xf32, #tpu.memory_space<vmem_shared>>)
      %dma_wait3A_658 = arith.constant 0 : i32
      %dma_wait3A_659 = arith.constant 0 : i32
      %dma_wait3A_660 = tpu.memref_slice %arg6[%arg1, %dma_wait3A_658, %dma_wait3A_659] : memref<16x256x64xf32, #tpu.memory_space<vmem_shared>> -> memref<1x1x64xf32, #tpu.memory_space<vmem_shared>>
      %dma_wait3A_661 = tpu.memref_squeeze %dma_wait3A_660 : memref<1x1x64xf32, #tpu.memory_space<vmem_shared>> -> memref<1x64xf32, #tpu.memory_space<vmem_shared>>
      %dma_wait3A_662 = arith.constant 0 : i32
      %dma_wait3A_663 = arith.constant 0 : i32
      %dma_wait3A_664 = tpu.memref_slice %arg3[%dma_wait3A_662, %dma_wait3A_663] : memref<1000000x64xf32, #tpu.memory_space<hbm>> -> memref<1x64xf32, #tpu.memory_space<hbm>>
      tpu.wait_dma2 semaphore(%arg7 : memref<!tpu.dma_semaphore, #tpu.memory_space<semaphore_mem>>) src(%dma_wait3A_664 : memref<1x64xf32, #tpu.memory_space<hbm>>) dst(%dma_wait3A_661 : memref<1x64xf32, #tpu.memory_space<vmem_shared>>)
      %dma_wait3A_665 = arith.constant 0 : i32
      %dma_wait3A_666 = arith.constant 0 : i32
      %dma_wait3A_667 = tpu.memref_slice %arg6[%arg1, %dma_wait3A_665, %dma_wait3A_666] : memref<16x256x64xf32, #tpu.memory_space<vmem_shared>> -> memref<1x1x64xf32, #tpu.memory_space<vmem_shared>>
      %dma_wait3A_668 = tpu.memref_squeeze %dma_wait3A_667 : memref<1x1x64xf32, #tpu.memory_space<vmem_shared>> -> memref<1x64xf32, #tpu.memory_space<vmem_shared>>
      %dma_wait3A_669 = arith.constant 0 : i32
      %dma_wait3A_670 = arith.constant 0 : i32
      %dma_wait3A_671 = tpu.memref_slice %arg3[%dma_wait3A_669, %dma_wait3A_670] : memref<1000000x64xf32, #tpu.memory_space<hbm>> -> memref<1x64xf32, #tpu.memory_space<hbm>>
      tpu.wait_dma2 semaphore(%arg7 : memref<!tpu.dma_semaphore, #tpu.memory_space<semaphore_mem>>) src(%dma_wait3A_671 : memref<1x64xf32, #tpu.memory_space<hbm>>) dst(%dma_wait3A_668 : memref<1x64xf32, #tpu.memory_space<vmem_shared>>)
      %dma_wait3A_672 = arith.constant 0 : i32
      %dma_wait3A_673 = arith.constant 0 : i32
      %dma_wait3A_674 = tpu.memref_slice %arg6[%arg1, %dma_wait3A_672, %dma_wait3A_673] : memref<16x256x64xf32, #tpu.memory_space<vmem_shared>> -> memref<1x1x64xf32, #tpu.memory_space<vmem_shared>>
      %dma_wait3A_675 = tpu.memref_squeeze %dma_wait3A_674 : memref<1x1x64xf32, #tpu.memory_space<vmem_shared>> -> memref<1x64xf32, #tpu.memory_space<vmem_shared>>
      %dma_wait3A_676 = arith.constant 0 : i32
      %dma_wait3A_677 = arith.constant 0 : i32
      %dma_wait3A_678 = tpu.memref_slice %arg3[%dma_wait3A_676, %dma_wait3A_677] : memref<1000000x64xf32, #tpu.memory_space<hbm>> -> memref<1x64xf32, #tpu.memory_space<hbm>>
      tpu.wait_dma2 semaphore(%arg7 : memref<!tpu.dma_semaphore, #tpu.memory_space<semaphore_mem>>) src(%dma_wait3A_678 : memref<1x64xf32, #tpu.memory_space<hbm>>) dst(%dma_wait3A_675 : memref<1x64xf32, #tpu.memory_space<vmem_shared>>)
      %dma_wait3A_679 = arith.constant 0 : i32
      %dma_wait3A_680 = arith.constant 0 : i32
      %dma_wait3A_681 = tpu.memref_slice %arg6[%arg1, %dma_wait3A_679, %dma_wait3A_680] : memref<16x256x64xf32, #tpu.memory_space<vmem_shared>> -> memref<1x1x64xf32, #tpu.memory_space<vmem_shared>>
      %dma_wait3A_682 = tpu.memref_squeeze %dma_wait3A_681 : memref<1x1x64xf32, #tpu.memory_space<vmem_shared>> -> memref<1x64xf32, #tpu.memory_space<vmem_shared>>
      %dma_wait3A_683 = arith.constant 0 : i32
      %dma_wait3A_684 = arith.constant 0 : i32
      %dma_wait3A_685 = tpu.memref_slice %arg3[%dma_wait3A_683, %dma_wait3A_684] : memref<1000000x64xf32, #tpu.memory_space<hbm>> -> memref<1x64xf32, #tpu.memory_space<hbm>>
      tpu.wait_dma2 semaphore(%arg7 : memref<!tpu.dma_semaphore, #tpu.memory_space<semaphore_mem>>) src(%dma_wait3A_685 : memref<1x64xf32, #tpu.memory_space<hbm>>) dst(%dma_wait3A_682 : memref<1x64xf32, #tpu.memory_space<vmem_shared>>)
      %dma_wait3A_686 = arith.constant 0 : i32
      %dma_wait3A_687 = arith.constant 0 : i32
      %dma_wait3A_688 = tpu.memref_slice %arg6[%arg1, %dma_wait3A_686, %dma_wait3A_687] : memref<16x256x64xf32, #tpu.memory_space<vmem_shared>> -> memref<1x1x64xf32, #tpu.memory_space<vmem_shared>>
      %dma_wait3A_689 = tpu.memref_squeeze %dma_wait3A_688 : memref<1x1x64xf32, #tpu.memory_space<vmem_shared>> -> memref<1x64xf32, #tpu.memory_space<vmem_shared>>
      %dma_wait3A_690 = arith.constant 0 : i32
      %dma_wait3A_691 = arith.constant 0 : i32
      %dma_wait3A_692 = tpu.memref_slice %arg3[%dma_wait3A_690, %dma_wait3A_691] : memref<1000000x64xf32, #tpu.memory_space<hbm>> -> memref<1x64xf32, #tpu.memory_space<hbm>>
      tpu.wait_dma2 semaphore(%arg7 : memref<!tpu.dma_semaphore, #tpu.memory_space<semaphore_mem>>) src(%dma_wait3A_692 : memref<1x64xf32, #tpu.memory_space<hbm>>) dst(%dma_wait3A_689 : memref<1x64xf32, #tpu.memory_space<vmem_shared>>)
      %dma_wait3A_693 = arith.constant 0 : i32
      %dma_wait3A_694 = arith.constant 0 : i32
      %dma_wait3A_695 = tpu.memref_slice %arg6[%arg1, %dma_wait3A_693, %dma_wait3A_694] : memref<16x256x64xf32, #tpu.memory_space<vmem_shared>> -> memref<1x1x64xf32, #tpu.memory_space<vmem_shared>>
      %dma_wait3A_696 = tpu.memref_squeeze %dma_wait3A_695 : memref<1x1x64xf32, #tpu.memory_space<vmem_shared>> -> memref<1x64xf32, #tpu.memory_space<vmem_shared>>
      %dma_wait3A_697 = arith.constant 0 : i32
      %dma_wait3A_698 = arith.constant 0 : i32
      %dma_wait3A_699 = tpu.memref_slice %arg3[%dma_wait3A_697, %dma_wait3A_698] : memref<1000000x64xf32, #tpu.memory_space<hbm>> -> memref<1x64xf32, #tpu.memory_space<hbm>>
      tpu.wait_dma2 semaphore(%arg7 : memref<!tpu.dma_semaphore, #tpu.memory_space<semaphore_mem>>) src(%dma_wait3A_699 : memref<1x64xf32, #tpu.memory_space<hbm>>) dst(%dma_wait3A_696 : memref<1x64xf32, #tpu.memory_space<vmem_shared>>)
      %dma_wait3A_700 = arith.constant 0 : i32
      %dma_wait3A_701 = arith.constant 0 : i32
      %dma_wait3A_702 = tpu.memref_slice %arg6[%arg1, %dma_wait3A_700, %dma_wait3A_701] : memref<16x256x64xf32, #tpu.memory_space<vmem_shared>> -> memref<1x1x64xf32, #tpu.memory_space<vmem_shared>>
      %dma_wait3A_703 = tpu.memref_squeeze %dma_wait3A_702 : memref<1x1x64xf32, #tpu.memory_space<vmem_shared>> -> memref<1x64xf32, #tpu.memory_space<vmem_shared>>
      %dma_wait3A_704 = arith.constant 0 : i32
      %dma_wait3A_705 = arith.constant 0 : i32
      %dma_wait3A_706 = tpu.memref_slice %arg3[%dma_wait3A_704, %dma_wait3A_705] : memref<1000000x64xf32, #tpu.memory_space<hbm>> -> memref<1x64xf32, #tpu.memory_space<hbm>>
      tpu.wait_dma2 semaphore(%arg7 : memref<!tpu.dma_semaphore, #tpu.memory_space<semaphore_mem>>) src(%dma_wait3A_706 : memref<1x64xf32, #tpu.memory_space<hbm>>) dst(%dma_wait3A_703 : memref<1x64xf32, #tpu.memory_space<vmem_shared>>)
      %dma_wait3A_707 = arith.constant 0 : i32
      %dma_wait3A_708 = arith.constant 0 : i32
      %dma_wait3A_709 = tpu.memref_slice %arg6[%arg1, %dma_wait3A_707, %dma_wait3A_708] : memref<16x256x64xf32, #tpu.memory_space<vmem_shared>> -> memref<1x1x64xf32, #tpu.memory_space<vmem_shared>>
      %dma_wait3A_710 = tpu.memref_squeeze %dma_wait3A_709 : memref<1x1x64xf32, #tpu.memory_space<vmem_shared>> -> memref<1x64xf32, #tpu.memory_space<vmem_shared>>
      %dma_wait3A_711 = arith.constant 0 : i32
      %dma_wait3A_712 = arith.constant 0 : i32
      %dma_wait3A_713 = tpu.memref_slice %arg3[%dma_wait3A_711, %dma_wait3A_712] : memref<1000000x64xf32, #tpu.memory_space<hbm>> -> memref<1x64xf32, #tpu.memory_space<hbm>>
      tpu.wait_dma2 semaphore(%arg7 : memref<!tpu.dma_semaphore, #tpu.memory_space<semaphore_mem>>) src(%dma_wait3A_713 : memref<1x64xf32, #tpu.memory_space<hbm>>) dst(%dma_wait3A_710 : memref<1x64xf32, #tpu.memory_space<vmem_shared>>)
      %dma_wait3A_714 = arith.constant 0 : i32
      %dma_wait3A_715 = arith.constant 0 : i32
      %dma_wait3A_716 = tpu.memref_slice %arg6[%arg1, %dma_wait3A_714, %dma_wait3A_715] : memref<16x256x64xf32, #tpu.memory_space<vmem_shared>> -> memref<1x1x64xf32, #tpu.memory_space<vmem_shared>>
      %dma_wait3A_717 = tpu.memref_squeeze %dma_wait3A_716 : memref<1x1x64xf32, #tpu.memory_space<vmem_shared>> -> memref<1x64xf32, #tpu.memory_space<vmem_shared>>
      %dma_wait3A_718 = arith.constant 0 : i32
      %dma_wait3A_719 = arith.constant 0 : i32
      %dma_wait3A_720 = tpu.memref_slice %arg3[%dma_wait3A_718, %dma_wait3A_719] : memref<1000000x64xf32, #tpu.memory_space<hbm>> -> memref<1x64xf32, #tpu.memory_space<hbm>>
      tpu.wait_dma2 semaphore(%arg7 : memref<!tpu.dma_semaphore, #tpu.memory_space<semaphore_mem>>) src(%dma_wait3A_720 : memref<1x64xf32, #tpu.memory_space<hbm>>) dst(%dma_wait3A_717 : memref<1x64xf32, #tpu.memory_space<vmem_shared>>)
      %dma_wait3A_721 = arith.constant 0 : i32
      %dma_wait3A_722 = arith.constant 0 : i32
      %dma_wait3A_723 = tpu.memref_slice %arg6[%arg1, %dma_wait3A_721, %dma_wait3A_722] : memref<16x256x64xf32, #tpu.memory_space<vmem_shared>> -> memref<1x1x64xf32, #tpu.memory_space<vmem_shared>>
      %dma_wait3A_724 = tpu.memref_squeeze %dma_wait3A_723 : memref<1x1x64xf32, #tpu.memory_space<vmem_shared>> -> memref<1x64xf32, #tpu.memory_space<vmem_shared>>
      %dma_wait3A_725 = arith.constant 0 : i32
      %dma_wait3A_726 = arith.constant 0 : i32
      %dma_wait3A_727 = tpu.memref_slice %arg3[%dma_wait3A_725, %dma_wait3A_726] : memref<1000000x64xf32, #tpu.memory_space<hbm>> -> memref<1x64xf32, #tpu.memory_space<hbm>>
      tpu.wait_dma2 semaphore(%arg7 : memref<!tpu.dma_semaphore, #tpu.memory_space<semaphore_mem>>) src(%dma_wait3A_727 : memref<1x64xf32, #tpu.memory_space<hbm>>) dst(%dma_wait3A_724 : memref<1x64xf32, #tpu.memory_space<vmem_shared>>)
      %dma_wait3A_728 = arith.constant 0 : i32
      %dma_wait3A_729 = arith.constant 0 : i32
      %dma_wait3A_730 = tpu.memref_slice %arg6[%arg1, %dma_wait3A_728, %dma_wait3A_729] : memref<16x256x64xf32, #tpu.memory_space<vmem_shared>> -> memref<1x1x64xf32, #tpu.memory_space<vmem_shared>>
      %dma_wait3A_731 = tpu.memref_squeeze %dma_wait3A_730 : memref<1x1x64xf32, #tpu.memory_space<vmem_shared>> -> memref<1x64xf32, #tpu.memory_space<vmem_shared>>
      %dma_wait3A_732 = arith.constant 0 : i32
      %dma_wait3A_733 = arith.constant 0 : i32
      %dma_wait3A_734 = tpu.memref_slice %arg3[%dma_wait3A_732, %dma_wait3A_733] : memref<1000000x64xf32, #tpu.memory_space<hbm>> -> memref<1x64xf32, #tpu.memory_space<hbm>>
      tpu.wait_dma2 semaphore(%arg7 : memref<!tpu.dma_semaphore, #tpu.memory_space<semaphore_mem>>) src(%dma_wait3A_734 : memref<1x64xf32, #tpu.memory_space<hbm>>) dst(%dma_wait3A_731 : memref<1x64xf32, #tpu.memory_space<vmem_shared>>)
      %dma_wait3A_735 = arith.constant 0 : i32
      %dma_wait3A_736 = arith.constant 0 : i32
      %dma_wait3A_737 = tpu.memref_slice %arg6[%arg1, %dma_wait3A_735, %dma_wait3A_736] : memref<16x256x64xf32, #tpu.memory_space<vmem_shared>> -> memref<1x1x64xf32, #tpu.memory_space<vmem_shared>>
      %dma_wait3A_738 = tpu.memref_squeeze %dma_wait3A_737 : memref<1x1x64xf32, #tpu.memory_space<vmem_shared>> -> memref<1x64xf32, #tpu.memory_space<vmem_shared>>
      %dma_wait3A_739 = arith.constant 0 : i32
      %dma_wait3A_740 = arith.constant 0 : i32
      %dma_wait3A_741 = tpu.memref_slice %arg3[%dma_wait3A_739, %dma_wait3A_740] : memref<1000000x64xf32, #tpu.memory_space<hbm>> -> memref<1x64xf32, #tpu.memory_space<hbm>>
      tpu.wait_dma2 semaphore(%arg7 : memref<!tpu.dma_semaphore, #tpu.memory_space<semaphore_mem>>) src(%dma_wait3A_741 : memref<1x64xf32, #tpu.memory_space<hbm>>) dst(%dma_wait3A_738 : memref<1x64xf32, #tpu.memory_space<vmem_shared>>)
      %dma_wait3A_742 = arith.constant 0 : i32
      %dma_wait3A_743 = arith.constant 0 : i32
      %dma_wait3A_744 = tpu.memref_slice %arg6[%arg1, %dma_wait3A_742, %dma_wait3A_743] : memref<16x256x64xf32, #tpu.memory_space<vmem_shared>> -> memref<1x1x64xf32, #tpu.memory_space<vmem_shared>>
      %dma_wait3A_745 = tpu.memref_squeeze %dma_wait3A_744 : memref<1x1x64xf32, #tpu.memory_space<vmem_shared>> -> memref<1x64xf32, #tpu.memory_space<vmem_shared>>
      %dma_wait3A_746 = arith.constant 0 : i32
      %dma_wait3A_747 = arith.constant 0 : i32
      %dma_wait3A_748 = tpu.memref_slice %arg3[%dma_wait3A_746, %dma_wait3A_747] : memref<1000000x64xf32, #tpu.memory_space<hbm>> -> memref<1x64xf32, #tpu.memory_space<hbm>>
      tpu.wait_dma2 semaphore(%arg7 : memref<!tpu.dma_semaphore, #tpu.memory_space<semaphore_mem>>) src(%dma_wait3A_748 : memref<1x64xf32, #tpu.memory_space<hbm>>) dst(%dma_wait3A_745 : memref<1x64xf32, #tpu.memory_space<vmem_shared>>)
      %dma_wait3A_749 = arith.constant 0 : i32
      %dma_wait3A_750 = arith.constant 0 : i32
      %dma_wait3A_751 = tpu.memref_slice %arg6[%arg1, %dma_wait3A_749, %dma_wait3A_750] : memref<16x256x64xf32, #tpu.memory_space<vmem_shared>> -> memref<1x1x64xf32, #tpu.memory_space<vmem_shared>>
      %dma_wait3A_752 = tpu.memref_squeeze %dma_wait3A_751 : memref<1x1x64xf32, #tpu.memory_space<vmem_shared>> -> memref<1x64xf32, #tpu.memory_space<vmem_shared>>
      %dma_wait3A_753 = arith.constant 0 : i32
      %dma_wait3A_754 = arith.constant 0 : i32
      %dma_wait3A_755 = tpu.memref_slice %arg3[%dma_wait3A_753, %dma_wait3A_754] : memref<1000000x64xf32, #tpu.memory_space<hbm>> -> memref<1x64xf32, #tpu.memory_space<hbm>>
      tpu.wait_dma2 semaphore(%arg7 : memref<!tpu.dma_semaphore, #tpu.memory_space<semaphore_mem>>) src(%dma_wait3A_755 : memref<1x64xf32, #tpu.memory_space<hbm>>) dst(%dma_wait3A_752 : memref<1x64xf32, #tpu.memory_space<vmem_shared>>)
      %dma_wait3A_756 = arith.constant 0 : i32
      %dma_wait3A_757 = arith.constant 0 : i32
      %dma_wait3A_758 = tpu.memref_slice %arg6[%arg1, %dma_wait3A_756, %dma_wait3A_757] : memref<16x256x64xf32, #tpu.memory_space<vmem_shared>> -> memref<1x1x64xf32, #tpu.memory_space<vmem_shared>>
      %dma_wait3A_759 = tpu.memref_squeeze %dma_wait3A_758 : memref<1x1x64xf32, #tpu.memory_space<vmem_shared>> -> memref<1x64xf32, #tpu.memory_space<vmem_shared>>
      %dma_wait3A_760 = arith.constant 0 : i32
      %dma_wait3A_761 = arith.constant 0 : i32
      %dma_wait3A_762 = tpu.memref_slice %arg3[%dma_wait3A_760, %dma_wait3A_761] : memref<1000000x64xf32, #tpu.memory_space<hbm>> -> memref<1x64xf32, #tpu.memory_space<hbm>>
      tpu.wait_dma2 semaphore(%arg7 : memref<!tpu.dma_semaphore, #tpu.memory_space<semaphore_mem>>) src(%dma_wait3A_762 : memref<1x64xf32, #tpu.memory_space<hbm>>) dst(%dma_wait3A_759 : memref<1x64xf32, #tpu.memory_space<vmem_shared>>)
      %dma_wait3A_763 = arith.constant 0 : i32
      %dma_wait3A_764 = arith.constant 0 : i32
      %dma_wait3A_765 = tpu.memref_slice %arg6[%arg1, %dma_wait3A_763, %dma_wait3A_764] : memref<16x256x64xf32, #tpu.memory_space<vmem_shared>> -> memref<1x1x64xf32, #tpu.memory_space<vmem_shared>>
      %dma_wait3A_766 = tpu.memref_squeeze %dma_wait3A_765 : memref<1x1x64xf32, #tpu.memory_space<vmem_shared>> -> memref<1x64xf32, #tpu.memory_space<vmem_shared>>
      %dma_wait3A_767 = arith.constant 0 : i32
      %dma_wait3A_768 = arith.constant 0 : i32
      %dma_wait3A_769 = tpu.memref_slice %arg3[%dma_wait3A_767, %dma_wait3A_768] : memref<1000000x64xf32, #tpu.memory_space<hbm>> -> memref<1x64xf32, #tpu.memory_space<hbm>>
      tpu.wait_dma2 semaphore(%arg7 : memref<!tpu.dma_semaphore, #tpu.memory_space<semaphore_mem>>) src(%dma_wait3A_769 : memref<1x64xf32, #tpu.memory_space<hbm>>) dst(%dma_wait3A_766 : memref<1x64xf32, #tpu.memory_space<vmem_shared>>)
      %dma_wait3A_770 = arith.constant 0 : i32
      %dma_wait3A_771 = arith.constant 0 : i32
      %dma_wait3A_772 = tpu.memref_slice %arg6[%arg1, %dma_wait3A_770, %dma_wait3A_771] : memref<16x256x64xf32, #tpu.memory_space<vmem_shared>> -> memref<1x1x64xf32, #tpu.memory_space<vmem_shared>>
      %dma_wait3A_773 = tpu.memref_squeeze %dma_wait3A_772 : memref<1x1x64xf32, #tpu.memory_space<vmem_shared>> -> memref<1x64xf32, #tpu.memory_space<vmem_shared>>
      %dma_wait3A_774 = arith.constant 0 : i32
      %dma_wait3A_775 = arith.constant 0 : i32
      %dma_wait3A_776 = tpu.memref_slice %arg3[%dma_wait3A_774, %dma_wait3A_775] : memref<1000000x64xf32, #tpu.memory_space<hbm>> -> memref<1x64xf32, #tpu.memory_space<hbm>>
      tpu.wait_dma2 semaphore(%arg7 : memref<!tpu.dma_semaphore, #tpu.memory_space<semaphore_mem>>) src(%dma_wait3A_776 : memref<1x64xf32, #tpu.memory_space<hbm>>) dst(%dma_wait3A_773 : memref<1x64xf32, #tpu.memory_space<vmem_shared>>)
      %dma_wait3A_777 = arith.constant 0 : i32
      %dma_wait3A_778 = arith.constant 0 : i32
      %dma_wait3A_779 = tpu.memref_slice %arg6[%arg1, %dma_wait3A_777, %dma_wait3A_778] : memref<16x256x64xf32, #tpu.memory_space<vmem_shared>> -> memref<1x1x64xf32, #tpu.memory_space<vmem_shared>>
      %dma_wait3A_780 = tpu.memref_squeeze %dma_wait3A_779 : memref<1x1x64xf32, #tpu.memory_space<vmem_shared>> -> memref<1x64xf32, #tpu.memory_space<vmem_shared>>
      %dma_wait3A_781 = arith.constant 0 : i32
      %dma_wait3A_782 = arith.constant 0 : i32
      %dma_wait3A_783 = tpu.memref_slice %arg3[%dma_wait3A_781, %dma_wait3A_782] : memref<1000000x64xf32, #tpu.memory_space<hbm>> -> memref<1x64xf32, #tpu.memory_space<hbm>>
      tpu.wait_dma2 semaphore(%arg7 : memref<!tpu.dma_semaphore, #tpu.memory_space<semaphore_mem>>) src(%dma_wait3A_783 : memref<1x64xf32, #tpu.memory_space<hbm>>) dst(%dma_wait3A_780 : memref<1x64xf32, #tpu.memory_space<vmem_shared>>)
      %dma_wait3A_784 = arith.constant 0 : i32
      %dma_wait3A_785 = arith.constant 0 : i32
      %dma_wait3A_786 = tpu.memref_slice %arg6[%arg1, %dma_wait3A_784, %dma_wait3A_785] : memref<16x256x64xf32, #tpu.memory_space<vmem_shared>> -> memref<1x1x64xf32, #tpu.memory_space<vmem_shared>>
      %dma_wait3A_787 = tpu.memref_squeeze %dma_wait3A_786 : memref<1x1x64xf32, #tpu.memory_space<vmem_shared>> -> memref<1x64xf32, #tpu.memory_space<vmem_shared>>
      %dma_wait3A_788 = arith.constant 0 : i32
      %dma_wait3A_789 = arith.constant 0 : i32
      %dma_wait3A_790 = tpu.memref_slice %arg3[%dma_wait3A_788, %dma_wait3A_789] : memref<1000000x64xf32, #tpu.memory_space<hbm>> -> memref<1x64xf32, #tpu.memory_space<hbm>>
      tpu.wait_dma2 semaphore(%arg7 : memref<!tpu.dma_semaphore, #tpu.memory_space<semaphore_mem>>) src(%dma_wait3A_790 : memref<1x64xf32, #tpu.memory_space<hbm>>) dst(%dma_wait3A_787 : memref<1x64xf32, #tpu.memory_space<vmem_shared>>)
      %dma_wait3A_791 = arith.constant 0 : i32
      %dma_wait3A_792 = arith.constant 0 : i32
      %dma_wait3A_793 = tpu.memref_slice %arg6[%arg1, %dma_wait3A_791, %dma_wait3A_792] : memref<16x256x64xf32, #tpu.memory_space<vmem_shared>> -> memref<1x1x64xf32, #tpu.memory_space<vmem_shared>>
      %dma_wait3A_794 = tpu.memref_squeeze %dma_wait3A_793 : memref<1x1x64xf32, #tpu.memory_space<vmem_shared>> -> memref<1x64xf32, #tpu.memory_space<vmem_shared>>
      %dma_wait3A_795 = arith.constant 0 : i32
      %dma_wait3A_796 = arith.constant 0 : i32
      %dma_wait3A_797 = tpu.memref_slice %arg3[%dma_wait3A_795, %dma_wait3A_796] : memref<1000000x64xf32, #tpu.memory_space<hbm>> -> memref<1x64xf32, #tpu.memory_space<hbm>>
      tpu.wait_dma2 semaphore(%arg7 : memref<!tpu.dma_semaphore, #tpu.memory_space<semaphore_mem>>) src(%dma_wait3A_797 : memref<1x64xf32, #tpu.memory_space<hbm>>) dst(%dma_wait3A_794 : memref<1x64xf32, #tpu.memory_space<vmem_shared>>)
      %dma_wait3A_798 = arith.constant 0 : i32
      %dma_wait3A_799 = arith.constant 0 : i32
      %dma_wait3A_800 = tpu.memref_slice %arg6[%arg1, %dma_wait3A_798, %dma_wait3A_799] : memref<16x256x64xf32, #tpu.memory_space<vmem_shared>> -> memref<1x1x64xf32, #tpu.memory_space<vmem_shared>>
      %dma_wait3A_801 = tpu.memref_squeeze %dma_wait3A_800 : memref<1x1x64xf32, #tpu.memory_space<vmem_shared>> -> memref<1x64xf32, #tpu.memory_space<vmem_shared>>
      %dma_wait3A_802 = arith.constant 0 : i32
      %dma_wait3A_803 = arith.constant 0 : i32
      %dma_wait3A_804 = tpu.memref_slice %arg3[%dma_wait3A_802, %dma_wait3A_803] : memref<1000000x64xf32, #tpu.memory_space<hbm>> -> memref<1x64xf32, #tpu.memory_space<hbm>>
      tpu.wait_dma2 semaphore(%arg7 : memref<!tpu.dma_semaphore, #tpu.memory_space<semaphore_mem>>) src(%dma_wait3A_804 : memref<1x64xf32, #tpu.memory_space<hbm>>) dst(%dma_wait3A_801 : memref<1x64xf32, #tpu.memory_space<vmem_shared>>)
      %dma_wait3A_805 = arith.constant 0 : i32
      %dma_wait3A_806 = arith.constant 0 : i32
      %dma_wait3A_807 = tpu.memref_slice %arg6[%arg1, %dma_wait3A_805, %dma_wait3A_806] : memref<16x256x64xf32, #tpu.memory_space<vmem_shared>> -> memref<1x1x64xf32, #tpu.memory_space<vmem_shared>>
      %dma_wait3A_808 = tpu.memref_squeeze %dma_wait3A_807 : memref<1x1x64xf32, #tpu.memory_space<vmem_shared>> -> memref<1x64xf32, #tpu.memory_space<vmem_shared>>
      %dma_wait3A_809 = arith.constant 0 : i32
      %dma_wait3A_810 = arith.constant 0 : i32
      %dma_wait3A_811 = tpu.memref_slice %arg3[%dma_wait3A_809, %dma_wait3A_810] : memref<1000000x64xf32, #tpu.memory_space<hbm>> -> memref<1x64xf32, #tpu.memory_space<hbm>>
      tpu.wait_dma2 semaphore(%arg7 : memref<!tpu.dma_semaphore, #tpu.memory_space<semaphore_mem>>) src(%dma_wait3A_811 : memref<1x64xf32, #tpu.memory_space<hbm>>) dst(%dma_wait3A_808 : memref<1x64xf32, #tpu.memory_space<vmem_shared>>)
      %dma_wait3A_812 = arith.constant 0 : i32
      %dma_wait3A_813 = arith.constant 0 : i32
      %dma_wait3A_814 = tpu.memref_slice %arg6[%arg1, %dma_wait3A_812, %dma_wait3A_813] : memref<16x256x64xf32, #tpu.memory_space<vmem_shared>> -> memref<1x1x64xf32, #tpu.memory_space<vmem_shared>>
      %dma_wait3A_815 = tpu.memref_squeeze %dma_wait3A_814 : memref<1x1x64xf32, #tpu.memory_space<vmem_shared>> -> memref<1x64xf32, #tpu.memory_space<vmem_shared>>
      %dma_wait3A_816 = arith.constant 0 : i32
      %dma_wait3A_817 = arith.constant 0 : i32
      %dma_wait3A_818 = tpu.memref_slice %arg3[%dma_wait3A_816, %dma_wait3A_817] : memref<1000000x64xf32, #tpu.memory_space<hbm>> -> memref<1x64xf32, #tpu.memory_space<hbm>>
      tpu.wait_dma2 semaphore(%arg7 : memref<!tpu.dma_semaphore, #tpu.memory_space<semaphore_mem>>) src(%dma_wait3A_818 : memref<1x64xf32, #tpu.memory_space<hbm>>) dst(%dma_wait3A_815 : memref<1x64xf32, #tpu.memory_space<vmem_shared>>)
      %dma_wait3A_819 = arith.constant 0 : i32
      %dma_wait3A_820 = arith.constant 0 : i32
      %dma_wait3A_821 = tpu.memref_slice %arg6[%arg1, %dma_wait3A_819, %dma_wait3A_820] : memref<16x256x64xf32, #tpu.memory_space<vmem_shared>> -> memref<1x1x64xf32, #tpu.memory_space<vmem_shared>>
      %dma_wait3A_822 = tpu.memref_squeeze %dma_wait3A_821 : memref<1x1x64xf32, #tpu.memory_space<vmem_shared>> -> memref<1x64xf32, #tpu.memory_space<vmem_shared>>
      %dma_wait3A_823 = arith.constant 0 : i32
      %dma_wait3A_824 = arith.constant 0 : i32
      %dma_wait3A_825 = tpu.memref_slice %arg3[%dma_wait3A_823, %dma_wait3A_824] : memref<1000000x64xf32, #tpu.memory_space<hbm>> -> memref<1x64xf32, #tpu.memory_space<hbm>>
      tpu.wait_dma2 semaphore(%arg7 : memref<!tpu.dma_semaphore, #tpu.memory_space<semaphore_mem>>) src(%dma_wait3A_825 : memref<1x64xf32, #tpu.memory_space<hbm>>) dst(%dma_wait3A_822 : memref<1x64xf32, #tpu.memory_space<vmem_shared>>)
      %dma_wait3A_826 = arith.constant 0 : i32
      %dma_wait3A_827 = arith.constant 0 : i32
      %dma_wait3A_828 = tpu.memref_slice %arg6[%arg1, %dma_wait3A_826, %dma_wait3A_827] : memref<16x256x64xf32, #tpu.memory_space<vmem_shared>> -> memref<1x1x64xf32, #tpu.memory_space<vmem_shared>>
      %dma_wait3A_829 = tpu.memref_squeeze %dma_wait3A_828 : memref<1x1x64xf32, #tpu.memory_space<vmem_shared>> -> memref<1x64xf32, #tpu.memory_space<vmem_shared>>
      %dma_wait3A_830 = arith.constant 0 : i32
      %dma_wait3A_831 = arith.constant 0 : i32
      %dma_wait3A_832 = tpu.memref_slice %arg3[%dma_wait3A_830, %dma_wait3A_831] : memref<1000000x64xf32, #tpu.memory_space<hbm>> -> memref<1x64xf32, #tpu.memory_space<hbm>>
      tpu.wait_dma2 semaphore(%arg7 : memref<!tpu.dma_semaphore, #tpu.memory_space<semaphore_mem>>) src(%dma_wait3A_832 : memref<1x64xf32, #tpu.memory_space<hbm>>) dst(%dma_wait3A_829 : memref<1x64xf32, #tpu.memory_space<vmem_shared>>)
      %dma_wait3A_833 = arith.constant 0 : i32
      %dma_wait3A_834 = arith.constant 0 : i32
      %dma_wait3A_835 = tpu.memref_slice %arg6[%arg1, %dma_wait3A_833, %dma_wait3A_834] : memref<16x256x64xf32, #tpu.memory_space<vmem_shared>> -> memref<1x1x64xf32, #tpu.memory_space<vmem_shared>>
      %dma_wait3A_836 = tpu.memref_squeeze %dma_wait3A_835 : memref<1x1x64xf32, #tpu.memory_space<vmem_shared>> -> memref<1x64xf32, #tpu.memory_space<vmem_shared>>
      %dma_wait3A_837 = arith.constant 0 : i32
      %dma_wait3A_838 = arith.constant 0 : i32
      %dma_wait3A_839 = tpu.memref_slice %arg3[%dma_wait3A_837, %dma_wait3A_838] : memref<1000000x64xf32, #tpu.memory_space<hbm>> -> memref<1x64xf32, #tpu.memory_space<hbm>>
      tpu.wait_dma2 semaphore(%arg7 : memref<!tpu.dma_semaphore, #tpu.memory_space<semaphore_mem>>) src(%dma_wait3A_839 : memref<1x64xf32, #tpu.memory_space<hbm>>) dst(%dma_wait3A_836 : memref<1x64xf32, #tpu.memory_space<vmem_shared>>)
      %dma_wait3A_840 = arith.constant 0 : i32
      %dma_wait3A_841 = arith.constant 0 : i32
      %dma_wait3A_842 = tpu.memref_slice %arg6[%arg1, %dma_wait3A_840, %dma_wait3A_841] : memref<16x256x64xf32, #tpu.memory_space<vmem_shared>> -> memref<1x1x64xf32, #tpu.memory_space<vmem_shared>>
      %dma_wait3A_843 = tpu.memref_squeeze %dma_wait3A_842 : memref<1x1x64xf32, #tpu.memory_space<vmem_shared>> -> memref<1x64xf32, #tpu.memory_space<vmem_shared>>
      %dma_wait3A_844 = arith.constant 0 : i32
      %dma_wait3A_845 = arith.constant 0 : i32
      %dma_wait3A_846 = tpu.memref_slice %arg3[%dma_wait3A_844, %dma_wait3A_845] : memref<1000000x64xf32, #tpu.memory_space<hbm>> -> memref<1x64xf32, #tpu.memory_space<hbm>>
      tpu.wait_dma2 semaphore(%arg7 : memref<!tpu.dma_semaphore, #tpu.memory_space<semaphore_mem>>) src(%dma_wait3A_846 : memref<1x64xf32, #tpu.memory_space<hbm>>) dst(%dma_wait3A_843 : memref<1x64xf32, #tpu.memory_space<vmem_shared>>)
      %dma_wait3A_847 = arith.constant 0 : i32
      %dma_wait3A_848 = arith.constant 0 : i32
      %dma_wait3A_849 = tpu.memref_slice %arg6[%arg1, %dma_wait3A_847, %dma_wait3A_848] : memref<16x256x64xf32, #tpu.memory_space<vmem_shared>> -> memref<1x1x64xf32, #tpu.memory_space<vmem_shared>>
      %dma_wait3A_850 = tpu.memref_squeeze %dma_wait3A_849 : memref<1x1x64xf32, #tpu.memory_space<vmem_shared>> -> memref<1x64xf32, #tpu.memory_space<vmem_shared>>
      %dma_wait3A_851 = arith.constant 0 : i32
      %dma_wait3A_852 = arith.constant 0 : i32
      %dma_wait3A_853 = tpu.memref_slice %arg3[%dma_wait3A_851, %dma_wait3A_852] : memref<1000000x64xf32, #tpu.memory_space<hbm>> -> memref<1x64xf32, #tpu.memory_space<hbm>>
      tpu.wait_dma2 semaphore(%arg7 : memref<!tpu.dma_semaphore, #tpu.memory_space<semaphore_mem>>) src(%dma_wait3A_853 : memref<1x64xf32, #tpu.memory_space<hbm>>) dst(%dma_wait3A_850 : memref<1x64xf32, #tpu.memory_space<vmem_shared>>)
      %dma_wait3A_854 = arith.constant 0 : i32
      %dma_wait3A_855 = arith.constant 0 : i32
      %dma_wait3A_856 = tpu.memref_slice %arg6[%arg1, %dma_wait3A_854, %dma_wait3A_855] : memref<16x256x64xf32, #tpu.memory_space<vmem_shared>> -> memref<1x1x64xf32, #tpu.memory_space<vmem_shared>>
      %dma_wait3A_857 = tpu.memref_squeeze %dma_wait3A_856 : memref<1x1x64xf32, #tpu.memory_space<vmem_shared>> -> memref<1x64xf32, #tpu.memory_space<vmem_shared>>
      %dma_wait3A_858 = arith.constant 0 : i32
      %dma_wait3A_859 = arith.constant 0 : i32
      %dma_wait3A_860 = tpu.memref_slice %arg3[%dma_wait3A_858, %dma_wait3A_859] : memref<1000000x64xf32, #tpu.memory_space<hbm>> -> memref<1x64xf32, #tpu.memory_space<hbm>>
      tpu.wait_dma2 semaphore(%arg7 : memref<!tpu.dma_semaphore, #tpu.memory_space<semaphore_mem>>) src(%dma_wait3A_860 : memref<1x64xf32, #tpu.memory_space<hbm>>) dst(%dma_wait3A_857 : memref<1x64xf32, #tpu.memory_space<vmem_shared>>)
      %dma_wait3A_861 = arith.constant 0 : i32
      %dma_wait3A_862 = arith.constant 0 : i32
      %dma_wait3A_863 = tpu.memref_slice %arg6[%arg1, %dma_wait3A_861, %dma_wait3A_862] : memref<16x256x64xf32, #tpu.memory_space<vmem_shared>> -> memref<1x1x64xf32, #tpu.memory_space<vmem_shared>>
      %dma_wait3A_864 = tpu.memref_squeeze %dma_wait3A_863 : memref<1x1x64xf32, #tpu.memory_space<vmem_shared>> -> memref<1x64xf32, #tpu.memory_space<vmem_shared>>
      %dma_wait3A_865 = arith.constant 0 : i32
      %dma_wait3A_866 = arith.constant 0 : i32
      %dma_wait3A_867 = tpu.memref_slice %arg3[%dma_wait3A_865, %dma_wait3A_866] : memref<1000000x64xf32, #tpu.memory_space<hbm>> -> memref<1x64xf32, #tpu.memory_space<hbm>>
      tpu.wait_dma2 semaphore(%arg7 : memref<!tpu.dma_semaphore, #tpu.memory_space<semaphore_mem>>) src(%dma_wait3A_867 : memref<1x64xf32, #tpu.memory_space<hbm>>) dst(%dma_wait3A_864 : memref<1x64xf32, #tpu.memory_space<vmem_shared>>)
      %dma_wait3A_868 = arith.constant 0 : i32
      %dma_wait3A_869 = arith.constant 0 : i32
      %dma_wait3A_870 = tpu.memref_slice %arg6[%arg1, %dma_wait3A_868, %dma_wait3A_869] : memref<16x256x64xf32, #tpu.memory_space<vmem_shared>> -> memref<1x1x64xf32, #tpu.memory_space<vmem_shared>>
      %dma_wait3A_871 = tpu.memref_squeeze %dma_wait3A_870 : memref<1x1x64xf32, #tpu.memory_space<vmem_shared>> -> memref<1x64xf32, #tpu.memory_space<vmem_shared>>
      %dma_wait3A_872 = arith.constant 0 : i32
      %dma_wait3A_873 = arith.constant 0 : i32
      %dma_wait3A_874 = tpu.memref_slice %arg3[%dma_wait3A_872, %dma_wait3A_873] : memref<1000000x64xf32, #tpu.memory_space<hbm>> -> memref<1x64xf32, #tpu.memory_space<hbm>>
      tpu.wait_dma2 semaphore(%arg7 : memref<!tpu.dma_semaphore, #tpu.memory_space<semaphore_mem>>) src(%dma_wait3A_874 : memref<1x64xf32, #tpu.memory_space<hbm>>) dst(%dma_wait3A_871 : memref<1x64xf32, #tpu.memory_space<vmem_shared>>)
      %dma_wait3A_875 = arith.constant 0 : i32
      %dma_wait3A_876 = arith.constant 0 : i32
      %dma_wait3A_877 = tpu.memref_slice %arg6[%arg1, %dma_wait3A_875, %dma_wait3A_876] : memref<16x256x64xf32, #tpu.memory_space<vmem_shared>> -> memref<1x1x64xf32, #tpu.memory_space<vmem_shared>>
      %dma_wait3A_878 = tpu.memref_squeeze %dma_wait3A_877 : memref<1x1x64xf32, #tpu.memory_space<vmem_shared>> -> memref<1x64xf32, #tpu.memory_space<vmem_shared>>
      %dma_wait3A_879 = arith.constant 0 : i32
      %dma_wait3A_880 = arith.constant 0 : i32
      %dma_wait3A_881 = tpu.memref_slice %arg3[%dma_wait3A_879, %dma_wait3A_880] : memref<1000000x64xf32, #tpu.memory_space<hbm>> -> memref<1x64xf32, #tpu.memory_space<hbm>>
      tpu.wait_dma2 semaphore(%arg7 : memref<!tpu.dma_semaphore, #tpu.memory_space<semaphore_mem>>) src(%dma_wait3A_881 : memref<1x64xf32, #tpu.memory_space<hbm>>) dst(%dma_wait3A_878 : memref<1x64xf32, #tpu.memory_space<vmem_shared>>)
      %dma_wait3A_882 = arith.constant 0 : i32
      %dma_wait3A_883 = arith.constant 0 : i32
      %dma_wait3A_884 = tpu.memref_slice %arg6[%arg1, %dma_wait3A_882, %dma_wait3A_883] : memref<16x256x64xf32, #tpu.memory_space<vmem_shared>> -> memref<1x1x64xf32, #tpu.memory_space<vmem_shared>>
      %dma_wait3A_885 = tpu.memref_squeeze %dma_wait3A_884 : memref<1x1x64xf32, #tpu.memory_space<vmem_shared>> -> memref<1x64xf32, #tpu.memory_space<vmem_shared>>
      %dma_wait3A_886 = arith.constant 0 : i32
      %dma_wait3A_887 = arith.constant 0 : i32
      %dma_wait3A_888 = tpu.memref_slice %arg3[%dma_wait3A_886, %dma_wait3A_887] : memref<1000000x64xf32, #tpu.memory_space<hbm>> -> memref<1x64xf32, #tpu.memory_space<hbm>>
      tpu.wait_dma2 semaphore(%arg7 : memref<!tpu.dma_semaphore, #tpu.memory_space<semaphore_mem>>) src(%dma_wait3A_888 : memref<1x64xf32, #tpu.memory_space<hbm>>) dst(%dma_wait3A_885 : memref<1x64xf32, #tpu.memory_space<vmem_shared>>)
      %dma_wait3A_889 = arith.constant 0 : i32
      %dma_wait3A_890 = arith.constant 0 : i32
      %dma_wait3A_891 = tpu.memref_slice %arg6[%arg1, %dma_wait3A_889, %dma_wait3A_890] : memref<16x256x64xf32, #tpu.memory_space<vmem_shared>> -> memref<1x1x64xf32, #tpu.memory_space<vmem_shared>>
      %dma_wait3A_892 = tpu.memref_squeeze %dma_wait3A_891 : memref<1x1x64xf32, #tpu.memory_space<vmem_shared>> -> memref<1x64xf32, #tpu.memory_space<vmem_shared>>
      %dma_wait3A_893 = arith.constant 0 : i32
      %dma_wait3A_894 = arith.constant 0 : i32
      %dma_wait3A_895 = tpu.memref_slice %arg3[%dma_wait3A_893, %dma_wait3A_894] : memref<1000000x64xf32, #tpu.memory_space<hbm>> -> memref<1x64xf32, #tpu.memory_space<hbm>>
      tpu.wait_dma2 semaphore(%arg7 : memref<!tpu.dma_semaphore, #tpu.memory_space<semaphore_mem>>) src(%dma_wait3A_895 : memref<1x64xf32, #tpu.memory_space<hbm>>) dst(%dma_wait3A_892 : memref<1x64xf32, #tpu.memory_space<vmem_shared>>)
      %dma_wait3A_896 = arith.constant 0 : i32
      %dma_wait3A_897 = arith.constant 0 : i32
      %dma_wait3A_898 = tpu.memref_slice %arg6[%arg1, %dma_wait3A_896, %dma_wait3A_897] : memref<16x256x64xf32, #tpu.memory_space<vmem_shared>> -> memref<1x1x64xf32, #tpu.memory_space<vmem_shared>>
      %dma_wait3A_899 = tpu.memref_squeeze %dma_wait3A_898 : memref<1x1x64xf32, #tpu.memory_space<vmem_shared>> -> memref<1x64xf32, #tpu.memory_space<vmem_shared>>
      %dma_wait3A_900 = arith.constant 0 : i32
      %dma_wait3A_901 = arith.constant 0 : i32
      %dma_wait3A_902 = tpu.memref_slice %arg3[%dma_wait3A_900, %dma_wait3A_901] : memref<1000000x64xf32, #tpu.memory_space<hbm>> -> memref<1x64xf32, #tpu.memory_space<hbm>>
      tpu.wait_dma2 semaphore(%arg7 : memref<!tpu.dma_semaphore, #tpu.memory_space<semaphore_mem>>) src(%dma_wait3A_902 : memref<1x64xf32, #tpu.memory_space<hbm>>) dst(%dma_wait3A_899 : memref<1x64xf32, #tpu.memory_space<vmem_shared>>)
      %dma_wait3A_903 = arith.constant 0 : i32
      %dma_wait3A_904 = arith.constant 0 : i32
      %dma_wait3A_905 = tpu.memref_slice %arg6[%arg1, %dma_wait3A_903, %dma_wait3A_904] : memref<16x256x64xf32, #tpu.memory_space<vmem_shared>> -> memref<1x1x64xf32, #tpu.memory_space<vmem_shared>>
      %dma_wait3A_906 = tpu.memref_squeeze %dma_wait3A_905 : memref<1x1x64xf32, #tpu.memory_space<vmem_shared>> -> memref<1x64xf32, #tpu.memory_space<vmem_shared>>
      %dma_wait3A_907 = arith.constant 0 : i32
      %dma_wait3A_908 = arith.constant 0 : i32
      %dma_wait3A_909 = tpu.memref_slice %arg3[%dma_wait3A_907, %dma_wait3A_908] : memref<1000000x64xf32, #tpu.memory_space<hbm>> -> memref<1x64xf32, #tpu.memory_space<hbm>>
      tpu.wait_dma2 semaphore(%arg7 : memref<!tpu.dma_semaphore, #tpu.memory_space<semaphore_mem>>) src(%dma_wait3A_909 : memref<1x64xf32, #tpu.memory_space<hbm>>) dst(%dma_wait3A_906 : memref<1x64xf32, #tpu.memory_space<vmem_shared>>)
      %dma_wait3A_910 = arith.constant 0 : i32
      %dma_wait3A_911 = arith.constant 0 : i32
      %dma_wait3A_912 = tpu.memref_slice %arg6[%arg1, %dma_wait3A_910, %dma_wait3A_911] : memref<16x256x64xf32, #tpu.memory_space<vmem_shared>> -> memref<1x1x64xf32, #tpu.memory_space<vmem_shared>>
      %dma_wait3A_913 = tpu.memref_squeeze %dma_wait3A_912 : memref<1x1x64xf32, #tpu.memory_space<vmem_shared>> -> memref<1x64xf32, #tpu.memory_space<vmem_shared>>
      %dma_wait3A_914 = arith.constant 0 : i32
      %dma_wait3A_915 = arith.constant 0 : i32
      %dma_wait3A_916 = tpu.memref_slice %arg3[%dma_wait3A_914, %dma_wait3A_915] : memref<1000000x64xf32, #tpu.memory_space<hbm>> -> memref<1x64xf32, #tpu.memory_space<hbm>>
      tpu.wait_dma2 semaphore(%arg7 : memref<!tpu.dma_semaphore, #tpu.memory_space<semaphore_mem>>) src(%dma_wait3A_916 : memref<1x64xf32, #tpu.memory_space<hbm>>) dst(%dma_wait3A_913 : memref<1x64xf32, #tpu.memory_space<vmem_shared>>)
      %dma_wait3A_917 = arith.constant 0 : i32
      %dma_wait3A_918 = arith.constant 0 : i32
      %dma_wait3A_919 = tpu.memref_slice %arg6[%arg1, %dma_wait3A_917, %dma_wait3A_918] : memref<16x256x64xf32, #tpu.memory_space<vmem_shared>> -> memref<1x1x64xf32, #tpu.memory_space<vmem_shared>>
      %dma_wait3A_920 = tpu.memref_squeeze %dma_wait3A_919 : memref<1x1x64xf32, #tpu.memory_space<vmem_shared>> -> memref<1x64xf32, #tpu.memory_space<vmem_shared>>
      %dma_wait3A_921 = arith.constant 0 : i32
      %dma_wait3A_922 = arith.constant 0 : i32
      %dma_wait3A_923 = tpu.memref_slice %arg3[%dma_wait3A_921, %dma_wait3A_922] : memref<1000000x64xf32, #tpu.memory_space<hbm>> -> memref<1x64xf32, #tpu.memory_space<hbm>>
      tpu.wait_dma2 semaphore(%arg7 : memref<!tpu.dma_semaphore, #tpu.memory_space<semaphore_mem>>) src(%dma_wait3A_923 : memref<1x64xf32, #tpu.memory_space<hbm>>) dst(%dma_wait3A_920 : memref<1x64xf32, #tpu.memory_space<vmem_shared>>)
      %dma_wait3A_924 = arith.constant 0 : i32
      %dma_wait3A_925 = arith.constant 0 : i32
      %dma_wait3A_926 = tpu.memref_slice %arg6[%arg1, %dma_wait3A_924, %dma_wait3A_925] : memref<16x256x64xf32, #tpu.memory_space<vmem_shared>> -> memref<1x1x64xf32, #tpu.memory_space<vmem_shared>>
      %dma_wait3A_927 = tpu.memref_squeeze %dma_wait3A_926 : memref<1x1x64xf32, #tpu.memory_space<vmem_shared>> -> memref<1x64xf32, #tpu.memory_space<vmem_shared>>
      %dma_wait3A_928 = arith.constant 0 : i32
      %dma_wait3A_929 = arith.constant 0 : i32
      %dma_wait3A_930 = tpu.memref_slice %arg3[%dma_wait3A_928, %dma_wait3A_929] : memref<1000000x64xf32, #tpu.memory_space<hbm>> -> memref<1x64xf32, #tpu.memory_space<hbm>>
      tpu.wait_dma2 semaphore(%arg7 : memref<!tpu.dma_semaphore, #tpu.memory_space<semaphore_mem>>) src(%dma_wait3A_930 : memref<1x64xf32, #tpu.memory_space<hbm>>) dst(%dma_wait3A_927 : memref<1x64xf32, #tpu.memory_space<vmem_shared>>)
      %dma_wait3A_931 = arith.constant 0 : i32
      %dma_wait3A_932 = arith.constant 0 : i32
      %dma_wait3A_933 = tpu.memref_slice %arg6[%arg1, %dma_wait3A_931, %dma_wait3A_932] : memref<16x256x64xf32, #tpu.memory_space<vmem_shared>> -> memref<1x1x64xf32, #tpu.memory_space<vmem_shared>>
      %dma_wait3A_934 = tpu.memref_squeeze %dma_wait3A_933 : memref<1x1x64xf32, #tpu.memory_space<vmem_shared>> -> memref<1x64xf32, #tpu.memory_space<vmem_shared>>
      %dma_wait3A_935 = arith.constant 0 : i32
      %dma_wait3A_936 = arith.constant 0 : i32
      %dma_wait3A_937 = tpu.memref_slice %arg3[%dma_wait3A_935, %dma_wait3A_936] : memref<1000000x64xf32, #tpu.memory_space<hbm>> -> memref<1x64xf32, #tpu.memory_space<hbm>>
      tpu.wait_dma2 semaphore(%arg7 : memref<!tpu.dma_semaphore, #tpu.memory_space<semaphore_mem>>) src(%dma_wait3A_937 : memref<1x64xf32, #tpu.memory_space<hbm>>) dst(%dma_wait3A_934 : memref<1x64xf32, #tpu.memory_space<vmem_shared>>)
      %dma_wait3A_938 = arith.constant 0 : i32
      %dma_wait3A_939 = arith.constant 0 : i32
      %dma_wait3A_940 = tpu.memref_slice %arg6[%arg1, %dma_wait3A_938, %dma_wait3A_939] : memref<16x256x64xf32, #tpu.memory_space<vmem_shared>> -> memref<1x1x64xf32, #tpu.memory_space<vmem_shared>>
      %dma_wait3A_941 = tpu.memref_squeeze %dma_wait3A_940 : memref<1x1x64xf32, #tpu.memory_space<vmem_shared>> -> memref<1x64xf32, #tpu.memory_space<vmem_shared>>
      %dma_wait3A_942 = arith.constant 0 : i32
      %dma_wait3A_943 = arith.constant 0 : i32
      %dma_wait3A_944 = tpu.memref_slice %arg3[%dma_wait3A_942, %dma_wait3A_943] : memref<1000000x64xf32, #tpu.memory_space<hbm>> -> memref<1x64xf32, #tpu.memory_space<hbm>>
      tpu.wait_dma2 semaphore(%arg7 : memref<!tpu.dma_semaphore, #tpu.memory_space<semaphore_mem>>) src(%dma_wait3A_944 : memref<1x64xf32, #tpu.memory_space<hbm>>) dst(%dma_wait3A_941 : memref<1x64xf32, #tpu.memory_space<vmem_shared>>)
      %dma_wait3A_945 = arith.constant 0 : i32
      %dma_wait3A_946 = arith.constant 0 : i32
      %dma_wait3A_947 = tpu.memref_slice %arg6[%arg1, %dma_wait3A_945, %dma_wait3A_946] : memref<16x256x64xf32, #tpu.memory_space<vmem_shared>> -> memref<1x1x64xf32, #tpu.memory_space<vmem_shared>>
      %dma_wait3A_948 = tpu.memref_squeeze %dma_wait3A_947 : memref<1x1x64xf32, #tpu.memory_space<vmem_shared>> -> memref<1x64xf32, #tpu.memory_space<vmem_shared>>
      %dma_wait3A_949 = arith.constant 0 : i32
      %dma_wait3A_950 = arith.constant 0 : i32
      %dma_wait3A_951 = tpu.memref_slice %arg3[%dma_wait3A_949, %dma_wait3A_950] : memref<1000000x64xf32, #tpu.memory_space<hbm>> -> memref<1x64xf32, #tpu.memory_space<hbm>>
      tpu.wait_dma2 semaphore(%arg7 : memref<!tpu.dma_semaphore, #tpu.memory_space<semaphore_mem>>) src(%dma_wait3A_951 : memref<1x64xf32, #tpu.memory_space<hbm>>) dst(%dma_wait3A_948 : memref<1x64xf32, #tpu.memory_space<vmem_shared>>)
      %dma_wait3A_952 = arith.constant 0 : i32
      %dma_wait3A_953 = arith.constant 0 : i32
      %dma_wait3A_954 = tpu.memref_slice %arg6[%arg1, %dma_wait3A_952, %dma_wait3A_953] : memref<16x256x64xf32, #tpu.memory_space<vmem_shared>> -> memref<1x1x64xf32, #tpu.memory_space<vmem_shared>>
      %dma_wait3A_955 = tpu.memref_squeeze %dma_wait3A_954 : memref<1x1x64xf32, #tpu.memory_space<vmem_shared>> -> memref<1x64xf32, #tpu.memory_space<vmem_shared>>
      %dma_wait3A_956 = arith.constant 0 : i32
      %dma_wait3A_957 = arith.constant 0 : i32
      %dma_wait3A_958 = tpu.memref_slice %arg3[%dma_wait3A_956, %dma_wait3A_957] : memref<1000000x64xf32, #tpu.memory_space<hbm>> -> memref<1x64xf32, #tpu.memory_space<hbm>>
      tpu.wait_dma2 semaphore(%arg7 : memref<!tpu.dma_semaphore, #tpu.memory_space<semaphore_mem>>) src(%dma_wait3A_958 : memref<1x64xf32, #tpu.memory_space<hbm>>) dst(%dma_wait3A_955 : memref<1x64xf32, #tpu.memory_space<vmem_shared>>)
      %dma_wait3A_959 = arith.constant 0 : i32
      %dma_wait3A_960 = arith.constant 0 : i32
      %dma_wait3A_961 = tpu.memref_slice %arg6[%arg1, %dma_wait3A_959, %dma_wait3A_960] : memref<16x256x64xf32, #tpu.memory_space<vmem_shared>> -> memref<1x1x64xf32, #tpu.memory_space<vmem_shared>>
      %dma_wait3A_962 = tpu.memref_squeeze %dma_wait3A_961 : memref<1x1x64xf32, #tpu.memory_space<vmem_shared>> -> memref<1x64xf32, #tpu.memory_space<vmem_shared>>
      %dma_wait3A_963 = arith.constant 0 : i32
      %dma_wait3A_964 = arith.constant 0 : i32
      %dma_wait3A_965 = tpu.memref_slice %arg3[%dma_wait3A_963, %dma_wait3A_964] : memref<1000000x64xf32, #tpu.memory_space<hbm>> -> memref<1x64xf32, #tpu.memory_space<hbm>>
      tpu.wait_dma2 semaphore(%arg7 : memref<!tpu.dma_semaphore, #tpu.memory_space<semaphore_mem>>) src(%dma_wait3A_965 : memref<1x64xf32, #tpu.memory_space<hbm>>) dst(%dma_wait3A_962 : memref<1x64xf32, #tpu.memory_space<vmem_shared>>)
      %dma_wait3A_966 = arith.constant 0 : i32
      %dma_wait3A_967 = arith.constant 0 : i32
      %dma_wait3A_968 = tpu.memref_slice %arg6[%arg1, %dma_wait3A_966, %dma_wait3A_967] : memref<16x256x64xf32, #tpu.memory_space<vmem_shared>> -> memref<1x1x64xf32, #tpu.memory_space<vmem_shared>>
      %dma_wait3A_969 = tpu.memref_squeeze %dma_wait3A_968 : memref<1x1x64xf32, #tpu.memory_space<vmem_shared>> -> memref<1x64xf32, #tpu.memory_space<vmem_shared>>
      %dma_wait3A_970 = arith.constant 0 : i32
      %dma_wait3A_971 = arith.constant 0 : i32
      %dma_wait3A_972 = tpu.memref_slice %arg3[%dma_wait3A_970, %dma_wait3A_971] : memref<1000000x64xf32, #tpu.memory_space<hbm>> -> memref<1x64xf32, #tpu.memory_space<hbm>>
      tpu.wait_dma2 semaphore(%arg7 : memref<!tpu.dma_semaphore, #tpu.memory_space<semaphore_mem>>) src(%dma_wait3A_972 : memref<1x64xf32, #tpu.memory_space<hbm>>) dst(%dma_wait3A_969 : memref<1x64xf32, #tpu.memory_space<vmem_shared>>)
      %dma_wait3A_973 = arith.constant 0 : i32
      %dma_wait3A_974 = arith.constant 0 : i32
      %dma_wait3A_975 = tpu.memref_slice %arg6[%arg1, %dma_wait3A_973, %dma_wait3A_974] : memref<16x256x64xf32, #tpu.memory_space<vmem_shared>> -> memref<1x1x64xf32, #tpu.memory_space<vmem_shared>>
      %dma_wait3A_976 = tpu.memref_squeeze %dma_wait3A_975 : memref<1x1x64xf32, #tpu.memory_space<vmem_shared>> -> memref<1x64xf32, #tpu.memory_space<vmem_shared>>
      %dma_wait3A_977 = arith.constant 0 : i32
      %dma_wait3A_978 = arith.constant 0 : i32
      %dma_wait3A_979 = tpu.memref_slice %arg3[%dma_wait3A_977, %dma_wait3A_978] : memref<1000000x64xf32, #tpu.memory_space<hbm>> -> memref<1x64xf32, #tpu.memory_space<hbm>>
      tpu.wait_dma2 semaphore(%arg7 : memref<!tpu.dma_semaphore, #tpu.memory_space<semaphore_mem>>) src(%dma_wait3A_979 : memref<1x64xf32, #tpu.memory_space<hbm>>) dst(%dma_wait3A_976 : memref<1x64xf32, #tpu.memory_space<vmem_shared>>)
      %dma_wait3A_980 = arith.constant 0 : i32
      %dma_wait3A_981 = arith.constant 0 : i32
      %dma_wait3A_982 = tpu.memref_slice %arg6[%arg1, %dma_wait3A_980, %dma_wait3A_981] : memref<16x256x64xf32, #tpu.memory_space<vmem_shared>> -> memref<1x1x64xf32, #tpu.memory_space<vmem_shared>>
      %dma_wait3A_983 = tpu.memref_squeeze %dma_wait3A_982 : memref<1x1x64xf32, #tpu.memory_space<vmem_shared>> -> memref<1x64xf32, #tpu.memory_space<vmem_shared>>
      %dma_wait3A_984 = arith.constant 0 : i32
      %dma_wait3A_985 = arith.constant 0 : i32
      %dma_wait3A_986 = tpu.memref_slice %arg3[%dma_wait3A_984, %dma_wait3A_985] : memref<1000000x64xf32, #tpu.memory_space<hbm>> -> memref<1x64xf32, #tpu.memory_space<hbm>>
      tpu.wait_dma2 semaphore(%arg7 : memref<!tpu.dma_semaphore, #tpu.memory_space<semaphore_mem>>) src(%dma_wait3A_986 : memref<1x64xf32, #tpu.memory_space<hbm>>) dst(%dma_wait3A_983 : memref<1x64xf32, #tpu.memory_space<vmem_shared>>)
      %dma_wait3A_987 = arith.constant 0 : i32
      %dma_wait3A_988 = arith.constant 0 : i32
      %dma_wait3A_989 = tpu.memref_slice %arg6[%arg1, %dma_wait3A_987, %dma_wait3A_988] : memref<16x256x64xf32, #tpu.memory_space<vmem_shared>> -> memref<1x1x64xf32, #tpu.memory_space<vmem_shared>>
      %dma_wait3A_990 = tpu.memref_squeeze %dma_wait3A_989 : memref<1x1x64xf32, #tpu.memory_space<vmem_shared>> -> memref<1x64xf32, #tpu.memory_space<vmem_shared>>
      %dma_wait3A_991 = arith.constant 0 : i32
      %dma_wait3A_992 = arith.constant 0 : i32
      %dma_wait3A_993 = tpu.memref_slice %arg3[%dma_wait3A_991, %dma_wait3A_992] : memref<1000000x64xf32, #tpu.memory_space<hbm>> -> memref<1x64xf32, #tpu.memory_space<hbm>>
      tpu.wait_dma2 semaphore(%arg7 : memref<!tpu.dma_semaphore, #tpu.memory_space<semaphore_mem>>) src(%dma_wait3A_993 : memref<1x64xf32, #tpu.memory_space<hbm>>) dst(%dma_wait3A_990 : memref<1x64xf32, #tpu.memory_space<vmem_shared>>)
      %dma_wait3A_994 = arith.constant 0 : i32
      %dma_wait3A_995 = arith.constant 0 : i32
      %dma_wait3A_996 = tpu.memref_slice %arg6[%arg1, %dma_wait3A_994, %dma_wait3A_995] : memref<16x256x64xf32, #tpu.memory_space<vmem_shared>> -> memref<1x1x64xf32, #tpu.memory_space<vmem_shared>>
      %dma_wait3A_997 = tpu.memref_squeeze %dma_wait3A_996 : memref<1x1x64xf32, #tpu.memory_space<vmem_shared>> -> memref<1x64xf32, #tpu.memory_space<vmem_shared>>
      %dma_wait3A_998 = arith.constant 0 : i32
      %dma_wait3A_999 = arith.constant 0 : i32
      %dma_wait3A_1000 = tpu.memref_slice %arg3[%dma_wait3A_998, %dma_wait3A_999] : memref<1000000x64xf32, #tpu.memory_space<hbm>> -> memref<1x64xf32, #tpu.memory_space<hbm>>
      tpu.wait_dma2 semaphore(%arg7 : memref<!tpu.dma_semaphore, #tpu.memory_space<semaphore_mem>>) src(%dma_wait3A_1000 : memref<1x64xf32, #tpu.memory_space<hbm>>) dst(%dma_wait3A_997 : memref<1x64xf32, #tpu.memory_space<vmem_shared>>)
      %dma_wait3A_1001 = arith.constant 0 : i32
      %dma_wait3A_1002 = arith.constant 0 : i32
      %dma_wait3A_1003 = tpu.memref_slice %arg6[%arg1, %dma_wait3A_1001, %dma_wait3A_1002] : memref<16x256x64xf32, #tpu.memory_space<vmem_shared>> -> memref<1x1x64xf32, #tpu.memory_space<vmem_shared>>
      %dma_wait3A_1004 = tpu.memref_squeeze %dma_wait3A_1003 : memref<1x1x64xf32, #tpu.memory_space<vmem_shared>> -> memref<1x64xf32, #tpu.memory_space<vmem_shared>>
      %dma_wait3A_1005 = arith.constant 0 : i32
      %dma_wait3A_1006 = arith.constant 0 : i32
      %dma_wait3A_1007 = tpu.memref_slice %arg3[%dma_wait3A_1005, %dma_wait3A_1006] : memref<1000000x64xf32, #tpu.memory_space<hbm>> -> memref<1x64xf32, #tpu.memory_space<hbm>>
      tpu.wait_dma2 semaphore(%arg7 : memref<!tpu.dma_semaphore, #tpu.memory_space<semaphore_mem>>) src(%dma_wait3A_1007 : memref<1x64xf32, #tpu.memory_space<hbm>>) dst(%dma_wait3A_1004 : memref<1x64xf32, #tpu.memory_space<vmem_shared>>)
      %dma_wait3A_1008 = arith.constant 0 : i32
      %dma_wait3A_1009 = arith.constant 0 : i32
      %dma_wait3A_1010 = tpu.memref_slice %arg6[%arg1, %dma_wait3A_1008, %dma_wait3A_1009] : memref<16x256x64xf32, #tpu.memory_space<vmem_shared>> -> memref<1x1x64xf32, #tpu.memory_space<vmem_shared>>
      %dma_wait3A_1011 = tpu.memref_squeeze %dma_wait3A_1010 : memref<1x1x64xf32, #tpu.memory_space<vmem_shared>> -> memref<1x64xf32, #tpu.memory_space<vmem_shared>>
      %dma_wait3A_1012 = arith.constant 0 : i32
      %dma_wait3A_1013 = arith.constant 0 : i32
      %dma_wait3A_1014 = tpu.memref_slice %arg3[%dma_wait3A_1012, %dma_wait3A_1013] : memref<1000000x64xf32, #tpu.memory_space<hbm>> -> memref<1x64xf32, #tpu.memory_space<hbm>>
      tpu.wait_dma2 semaphore(%arg7 : memref<!tpu.dma_semaphore, #tpu.memory_space<semaphore_mem>>) src(%dma_wait3A_1014 : memref<1x64xf32, #tpu.memory_space<hbm>>) dst(%dma_wait3A_1011 : memref<1x64xf32, #tpu.memory_space<vmem_shared>>)
      %dma_wait3A_1015 = arith.constant 0 : i32
      %dma_wait3A_1016 = arith.constant 0 : i32
      %dma_wait3A_1017 = tpu.memref_slice %arg6[%arg1, %dma_wait3A_1015, %dma_wait3A_1016] : memref<16x256x64xf32, #tpu.memory_space<vmem_shared>> -> memref<1x1x64xf32, #tpu.memory_space<vmem_shared>>
      %dma_wait3A_1018 = tpu.memref_squeeze %dma_wait3A_1017 : memref<1x1x64xf32, #tpu.memory_space<vmem_shared>> -> memref<1x64xf32, #tpu.memory_space<vmem_shared>>
      %dma_wait3A_1019 = arith.constant 0 : i32
      %dma_wait3A_1020 = arith.constant 0 : i32
      %dma_wait3A_1021 = tpu.memref_slice %arg3[%dma_wait3A_1019, %dma_wait3A_1020] : memref<1000000x64xf32, #tpu.memory_space<hbm>> -> memref<1x64xf32, #tpu.memory_space<hbm>>
      tpu.wait_dma2 semaphore(%arg7 : memref<!tpu.dma_semaphore, #tpu.memory_space<semaphore_mem>>) src(%dma_wait3A_1021 : memref<1x64xf32, #tpu.memory_space<hbm>>) dst(%dma_wait3A_1018 : memref<1x64xf32, #tpu.memory_space<vmem_shared>>)
      %dma_wait3A_1022 = arith.constant 0 : i32
      %dma_wait3A_1023 = arith.constant 0 : i32
      %dma_wait3A_1024 = tpu.memref_slice %arg6[%arg1, %dma_wait3A_1022, %dma_wait3A_1023] : memref<16x256x64xf32, #tpu.memory_space<vmem_shared>> -> memref<1x1x64xf32, #tpu.memory_space<vmem_shared>>
      %dma_wait3A_1025 = tpu.memref_squeeze %dma_wait3A_1024 : memref<1x1x64xf32, #tpu.memory_space<vmem_shared>> -> memref<1x64xf32, #tpu.memory_space<vmem_shared>>
      %dma_wait3A_1026 = arith.constant 0 : i32
      %dma_wait3A_1027 = arith.constant 0 : i32
      %dma_wait3A_1028 = tpu.memref_slice %arg3[%dma_wait3A_1026, %dma_wait3A_1027] : memref<1000000x64xf32, #tpu.memory_space<hbm>> -> memref<1x64xf32, #tpu.memory_space<hbm>>
      tpu.wait_dma2 semaphore(%arg7 : memref<!tpu.dma_semaphore, #tpu.memory_space<semaphore_mem>>) src(%dma_wait3A_1028 : memref<1x64xf32, #tpu.memory_space<hbm>>) dst(%dma_wait3A_1025 : memref<1x64xf32, #tpu.memory_space<vmem_shared>>)
      %dma_wait3A_1029 = arith.constant 0 : i32
      %dma_wait3A_1030 = arith.constant 0 : i32
      %dma_wait3A_1031 = tpu.memref_slice %arg6[%arg1, %dma_wait3A_1029, %dma_wait3A_1030] : memref<16x256x64xf32, #tpu.memory_space<vmem_shared>> -> memref<1x1x64xf32, #tpu.memory_space<vmem_shared>>
      %dma_wait3A_1032 = tpu.memref_squeeze %dma_wait3A_1031 : memref<1x1x64xf32, #tpu.memory_space<vmem_shared>> -> memref<1x64xf32, #tpu.memory_space<vmem_shared>>
      %dma_wait3A_1033 = arith.constant 0 : i32
      %dma_wait3A_1034 = arith.constant 0 : i32
      %dma_wait3A_1035 = tpu.memref_slice %arg3[%dma_wait3A_1033, %dma_wait3A_1034] : memref<1000000x64xf32, #tpu.memory_space<hbm>> -> memref<1x64xf32, #tpu.memory_space<hbm>>
      tpu.wait_dma2 semaphore(%arg7 : memref<!tpu.dma_semaphore, #tpu.memory_space<semaphore_mem>>) src(%dma_wait3A_1035 : memref<1x64xf32, #tpu.memory_space<hbm>>) dst(%dma_wait3A_1032 : memref<1x64xf32, #tpu.memory_space<vmem_shared>>)
      %dma_wait3A_1036 = arith.constant 0 : i32
      %dma_wait3A_1037 = arith.constant 0 : i32
      %dma_wait3A_1038 = tpu.memref_slice %arg6[%arg1, %dma_wait3A_1036, %dma_wait3A_1037] : memref<16x256x64xf32, #tpu.memory_space<vmem_shared>> -> memref<1x1x64xf32, #tpu.memory_space<vmem_shared>>
      %dma_wait3A_1039 = tpu.memref_squeeze %dma_wait3A_1038 : memref<1x1x64xf32, #tpu.memory_space<vmem_shared>> -> memref<1x64xf32, #tpu.memory_space<vmem_shared>>
      %dma_wait3A_1040 = arith.constant 0 : i32
      %dma_wait3A_1041 = arith.constant 0 : i32
      %dma_wait3A_1042 = tpu.memref_slice %arg3[%dma_wait3A_1040, %dma_wait3A_1041] : memref<1000000x64xf32, #tpu.memory_space<hbm>> -> memref<1x64xf32, #tpu.memory_space<hbm>>
      tpu.wait_dma2 semaphore(%arg7 : memref<!tpu.dma_semaphore, #tpu.memory_space<semaphore_mem>>) src(%dma_wait3A_1042 : memref<1x64xf32, #tpu.memory_space<hbm>>) dst(%dma_wait3A_1039 : memref<1x64xf32, #tpu.memory_space<vmem_shared>>)
      %dma_wait3A_1043 = arith.constant 0 : i32
      %dma_wait3A_1044 = arith.constant 0 : i32
      %dma_wait3A_1045 = tpu.memref_slice %arg6[%arg1, %dma_wait3A_1043, %dma_wait3A_1044] : memref<16x256x64xf32, #tpu.memory_space<vmem_shared>> -> memref<1x1x64xf32, #tpu.memory_space<vmem_shared>>
      %dma_wait3A_1046 = tpu.memref_squeeze %dma_wait3A_1045 : memref<1x1x64xf32, #tpu.memory_space<vmem_shared>> -> memref<1x64xf32, #tpu.memory_space<vmem_shared>>
      %dma_wait3A_1047 = arith.constant 0 : i32
      %dma_wait3A_1048 = arith.constant 0 : i32
      %dma_wait3A_1049 = tpu.memref_slice %arg3[%dma_wait3A_1047, %dma_wait3A_1048] : memref<1000000x64xf32, #tpu.memory_space<hbm>> -> memref<1x64xf32, #tpu.memory_space<hbm>>
      tpu.wait_dma2 semaphore(%arg7 : memref<!tpu.dma_semaphore, #tpu.memory_space<semaphore_mem>>) src(%dma_wait3A_1049 : memref<1x64xf32, #tpu.memory_space<hbm>>) dst(%dma_wait3A_1046 : memref<1x64xf32, #tpu.memory_space<vmem_shared>>)
      %dma_wait3A_1050 = arith.constant 0 : i32
      %dma_wait3A_1051 = arith.constant 0 : i32
      %dma_wait3A_1052 = tpu.memref_slice %arg6[%arg1, %dma_wait3A_1050, %dma_wait3A_1051] : memref<16x256x64xf32, #tpu.memory_space<vmem_shared>> -> memref<1x1x64xf32, #tpu.memory_space<vmem_shared>>
      %dma_wait3A_1053 = tpu.memref_squeeze %dma_wait3A_1052 : memref<1x1x64xf32, #tpu.memory_space<vmem_shared>> -> memref<1x64xf32, #tpu.memory_space<vmem_shared>>
      %dma_wait3A_1054 = arith.constant 0 : i32
      %dma_wait3A_1055 = arith.constant 0 : i32
      %dma_wait3A_1056 = tpu.memref_slice %arg3[%dma_wait3A_1054, %dma_wait3A_1055] : memref<1000000x64xf32, #tpu.memory_space<hbm>> -> memref<1x64xf32, #tpu.memory_space<hbm>>
      tpu.wait_dma2 semaphore(%arg7 : memref<!tpu.dma_semaphore, #tpu.memory_space<semaphore_mem>>) src(%dma_wait3A_1056 : memref<1x64xf32, #tpu.memory_space<hbm>>) dst(%dma_wait3A_1053 : memref<1x64xf32, #tpu.memory_space<vmem_shared>>)
      %dma_wait3A_1057 = arith.constant 0 : i32
      %dma_wait3A_1058 = arith.constant 0 : i32
      %dma_wait3A_1059 = tpu.memref_slice %arg6[%arg1, %dma_wait3A_1057, %dma_wait3A_1058] : memref<16x256x64xf32, #tpu.memory_space<vmem_shared>> -> memref<1x1x64xf32, #tpu.memory_space<vmem_shared>>
      %dma_wait3A_1060 = tpu.memref_squeeze %dma_wait3A_1059 : memref<1x1x64xf32, #tpu.memory_space<vmem_shared>> -> memref<1x64xf32, #tpu.memory_space<vmem_shared>>
      %dma_wait3A_1061 = arith.constant 0 : i32
      %dma_wait3A_1062 = arith.constant 0 : i32
      %dma_wait3A_1063 = tpu.memref_slice %arg3[%dma_wait3A_1061, %dma_wait3A_1062] : memref<1000000x64xf32, #tpu.memory_space<hbm>> -> memref<1x64xf32, #tpu.memory_space<hbm>>
      tpu.wait_dma2 semaphore(%arg7 : memref<!tpu.dma_semaphore, #tpu.memory_space<semaphore_mem>>) src(%dma_wait3A_1063 : memref<1x64xf32, #tpu.memory_space<hbm>>) dst(%dma_wait3A_1060 : memref<1x64xf32, #tpu.memory_space<vmem_shared>>)
      %dma_wait3A_1064 = arith.constant 0 : i32
      %dma_wait3A_1065 = arith.constant 0 : i32
      %dma_wait3A_1066 = tpu.memref_slice %arg6[%arg1, %dma_wait3A_1064, %dma_wait3A_1065] : memref<16x256x64xf32, #tpu.memory_space<vmem_shared>> -> memref<1x1x64xf32, #tpu.memory_space<vmem_shared>>
      %dma_wait3A_1067 = tpu.memref_squeeze %dma_wait3A_1066 : memref<1x1x64xf32, #tpu.memory_space<vmem_shared>> -> memref<1x64xf32, #tpu.memory_space<vmem_shared>>
      %dma_wait3A_1068 = arith.constant 0 : i32
      %dma_wait3A_1069 = arith.constant 0 : i32
      %dma_wait3A_1070 = tpu.memref_slice %arg3[%dma_wait3A_1068, %dma_wait3A_1069] : memref<1000000x64xf32, #tpu.memory_space<hbm>> -> memref<1x64xf32, #tpu.memory_space<hbm>>
      tpu.wait_dma2 semaphore(%arg7 : memref<!tpu.dma_semaphore, #tpu.memory_space<semaphore_mem>>) src(%dma_wait3A_1070 : memref<1x64xf32, #tpu.memory_space<hbm>>) dst(%dma_wait3A_1067 : memref<1x64xf32, #tpu.memory_space<vmem_shared>>)
      %dma_wait3A_1071 = arith.constant 0 : i32
      %dma_wait3A_1072 = arith.constant 0 : i32
      %dma_wait3A_1073 = tpu.memref_slice %arg6[%arg1, %dma_wait3A_1071, %dma_wait3A_1072] : memref<16x256x64xf32, #tpu.memory_space<vmem_shared>> -> memref<1x1x64xf32, #tpu.memory_space<vmem_shared>>
      %dma_wait3A_1074 = tpu.memref_squeeze %dma_wait3A_1073 : memref<1x1x64xf32, #tpu.memory_space<vmem_shared>> -> memref<1x64xf32, #tpu.memory_space<vmem_shared>>
      %dma_wait3A_1075 = arith.constant 0 : i32
      %dma_wait3A_1076 = arith.constant 0 : i32
      %dma_wait3A_1077 = tpu.memref_slice %arg3[%dma_wait3A_1075, %dma_wait3A_1076] : memref<1000000x64xf32, #tpu.memory_space<hbm>> -> memref<1x64xf32, #tpu.memory_space<hbm>>
      tpu.wait_dma2 semaphore(%arg7 : memref<!tpu.dma_semaphore, #tpu.memory_space<semaphore_mem>>) src(%dma_wait3A_1077 : memref<1x64xf32, #tpu.memory_space<hbm>>) dst(%dma_wait3A_1074 : memref<1x64xf32, #tpu.memory_space<vmem_shared>>)
      %dma_wait3A_1078 = arith.constant 0 : i32
      %dma_wait3A_1079 = arith.constant 0 : i32
      %dma_wait3A_1080 = tpu.memref_slice %arg6[%arg1, %dma_wait3A_1078, %dma_wait3A_1079] : memref<16x256x64xf32, #tpu.memory_space<vmem_shared>> -> memref<1x1x64xf32, #tpu.memory_space<vmem_shared>>
      %dma_wait3A_1081 = tpu.memref_squeeze %dma_wait3A_1080 : memref<1x1x64xf32, #tpu.memory_space<vmem_shared>> -> memref<1x64xf32, #tpu.memory_space<vmem_shared>>
      %dma_wait3A_1082 = arith.constant 0 : i32
      %dma_wait3A_1083 = arith.constant 0 : i32
      %dma_wait3A_1084 = tpu.memref_slice %arg3[%dma_wait3A_1082, %dma_wait3A_1083] : memref<1000000x64xf32, #tpu.memory_space<hbm>> -> memref<1x64xf32, #tpu.memory_space<hbm>>
      tpu.wait_dma2 semaphore(%arg7 : memref<!tpu.dma_semaphore, #tpu.memory_space<semaphore_mem>>) src(%dma_wait3A_1084 : memref<1x64xf32, #tpu.memory_space<hbm>>) dst(%dma_wait3A_1081 : memref<1x64xf32, #tpu.memory_space<vmem_shared>>)
      %dma_wait3A_1085 = arith.constant 0 : i32
      %dma_wait3A_1086 = arith.constant 0 : i32
      %dma_wait3A_1087 = tpu.memref_slice %arg6[%arg1, %dma_wait3A_1085, %dma_wait3A_1086] : memref<16x256x64xf32, #tpu.memory_space<vmem_shared>> -> memref<1x1x64xf32, #tpu.memory_space<vmem_shared>>
      %dma_wait3A_1088 = tpu.memref_squeeze %dma_wait3A_1087 : memref<1x1x64xf32, #tpu.memory_space<vmem_shared>> -> memref<1x64xf32, #tpu.memory_space<vmem_shared>>
      %dma_wait3A_1089 = arith.constant 0 : i32
      %dma_wait3A_1090 = arith.constant 0 : i32
      %dma_wait3A_1091 = tpu.memref_slice %arg3[%dma_wait3A_1089, %dma_wait3A_1090] : memref<1000000x64xf32, #tpu.memory_space<hbm>> -> memref<1x64xf32, #tpu.memory_space<hbm>>
      tpu.wait_dma2 semaphore(%arg7 : memref<!tpu.dma_semaphore, #tpu.memory_space<semaphore_mem>>) src(%dma_wait3A_1091 : memref<1x64xf32, #tpu.memory_space<hbm>>) dst(%dma_wait3A_1088 : memref<1x64xf32, #tpu.memory_space<vmem_shared>>)
      %dma_wait3A_1092 = arith.constant 0 : i32
      %dma_wait3A_1093 = arith.constant 0 : i32
      %dma_wait3A_1094 = tpu.memref_slice %arg6[%arg1, %dma_wait3A_1092, %dma_wait3A_1093] : memref<16x256x64xf32, #tpu.memory_space<vmem_shared>> -> memref<1x1x64xf32, #tpu.memory_space<vmem_shared>>
      %dma_wait3A_1095 = tpu.memref_squeeze %dma_wait3A_1094 : memref<1x1x64xf32, #tpu.memory_space<vmem_shared>> -> memref<1x64xf32, #tpu.memory_space<vmem_shared>>
      %dma_wait3A_1096 = arith.constant 0 : i32
      %dma_wait3A_1097 = arith.constant 0 : i32
      %dma_wait3A_1098 = tpu.memref_slice %arg3[%dma_wait3A_1096, %dma_wait3A_1097] : memref<1000000x64xf32, #tpu.memory_space<hbm>> -> memref<1x64xf32, #tpu.memory_space<hbm>>
      tpu.wait_dma2 semaphore(%arg7 : memref<!tpu.dma_semaphore, #tpu.memory_space<semaphore_mem>>) src(%dma_wait3A_1098 : memref<1x64xf32, #tpu.memory_space<hbm>>) dst(%dma_wait3A_1095 : memref<1x64xf32, #tpu.memory_space<vmem_shared>>)
      %dma_wait3A_1099 = arith.constant 0 : i32
      %dma_wait3A_1100 = arith.constant 0 : i32
      %dma_wait3A_1101 = tpu.memref_slice %arg6[%arg1, %dma_wait3A_1099, %dma_wait3A_1100] : memref<16x256x64xf32, #tpu.memory_space<vmem_shared>> -> memref<1x1x64xf32, #tpu.memory_space<vmem_shared>>
      %dma_wait3A_1102 = tpu.memref_squeeze %dma_wait3A_1101 : memref<1x1x64xf32, #tpu.memory_space<vmem_shared>> -> memref<1x64xf32, #tpu.memory_space<vmem_shared>>
      %dma_wait3A_1103 = arith.constant 0 : i32
      %dma_wait3A_1104 = arith.constant 0 : i32
      %dma_wait3A_1105 = tpu.memref_slice %arg3[%dma_wait3A_1103, %dma_wait3A_1104] : memref<1000000x64xf32, #tpu.memory_space<hbm>> -> memref<1x64xf32, #tpu.memory_space<hbm>>
      tpu.wait_dma2 semaphore(%arg7 : memref<!tpu.dma_semaphore, #tpu.memory_space<semaphore_mem>>) src(%dma_wait3A_1105 : memref<1x64xf32, #tpu.memory_space<hbm>>) dst(%dma_wait3A_1102 : memref<1x64xf32, #tpu.memory_space<vmem_shared>>)
      %dma_wait3A_1106 = arith.constant 0 : i32
      %dma_wait3A_1107 = arith.constant 0 : i32
      %dma_wait3A_1108 = tpu.memref_slice %arg6[%arg1, %dma_wait3A_1106, %dma_wait3A_1107] : memref<16x256x64xf32, #tpu.memory_space<vmem_shared>> -> memref<1x1x64xf32, #tpu.memory_space<vmem_shared>>
      %dma_wait3A_1109 = tpu.memref_squeeze %dma_wait3A_1108 : memref<1x1x64xf32, #tpu.memory_space<vmem_shared>> -> memref<1x64xf32, #tpu.memory_space<vmem_shared>>
      %dma_wait3A_1110 = arith.constant 0 : i32
      %dma_wait3A_1111 = arith.constant 0 : i32
      %dma_wait3A_1112 = tpu.memref_slice %arg3[%dma_wait3A_1110, %dma_wait3A_1111] : memref<1000000x64xf32, #tpu.memory_space<hbm>> -> memref<1x64xf32, #tpu.memory_space<hbm>>
      tpu.wait_dma2 semaphore(%arg7 : memref<!tpu.dma_semaphore, #tpu.memory_space<semaphore_mem>>) src(%dma_wait3A_1112 : memref<1x64xf32, #tpu.memory_space<hbm>>) dst(%dma_wait3A_1109 : memref<1x64xf32, #tpu.memory_space<vmem_shared>>)
      %dma_wait3A_1113 = arith.constant 0 : i32
      %dma_wait3A_1114 = arith.constant 0 : i32
      %dma_wait3A_1115 = tpu.memref_slice %arg6[%arg1, %dma_wait3A_1113, %dma_wait3A_1114] : memref<16x256x64xf32, #tpu.memory_space<vmem_shared>> -> memref<1x1x64xf32, #tpu.memory_space<vmem_shared>>
      %dma_wait3A_1116 = tpu.memref_squeeze %dma_wait3A_1115 : memref<1x1x64xf32, #tpu.memory_space<vmem_shared>> -> memref<1x64xf32, #tpu.memory_space<vmem_shared>>
      %dma_wait3A_1117 = arith.constant 0 : i32
      %dma_wait3A_1118 = arith.constant 0 : i32
      %dma_wait3A_1119 = tpu.memref_slice %arg3[%dma_wait3A_1117, %dma_wait3A_1118] : memref<1000000x64xf32, #tpu.memory_space<hbm>> -> memref<1x64xf32, #tpu.memory_space<hbm>>
      tpu.wait_dma2 semaphore(%arg7 : memref<!tpu.dma_semaphore, #tpu.memory_space<semaphore_mem>>) src(%dma_wait3A_1119 : memref<1x64xf32, #tpu.memory_space<hbm>>) dst(%dma_wait3A_1116 : memref<1x64xf32, #tpu.memory_space<vmem_shared>>)
      %dma_wait3A_1120 = arith.constant 0 : i32
      %dma_wait3A_1121 = arith.constant 0 : i32
      %dma_wait3A_1122 = tpu.memref_slice %arg6[%arg1, %dma_wait3A_1120, %dma_wait3A_1121] : memref<16x256x64xf32, #tpu.memory_space<vmem_shared>> -> memref<1x1x64xf32, #tpu.memory_space<vmem_shared>>
      %dma_wait3A_1123 = tpu.memref_squeeze %dma_wait3A_1122 : memref<1x1x64xf32, #tpu.memory_space<vmem_shared>> -> memref<1x64xf32, #tpu.memory_space<vmem_shared>>
      %dma_wait3A_1124 = arith.constant 0 : i32
      %dma_wait3A_1125 = arith.constant 0 : i32
      %dma_wait3A_1126 = tpu.memref_slice %arg3[%dma_wait3A_1124, %dma_wait3A_1125] : memref<1000000x64xf32, #tpu.memory_space<hbm>> -> memref<1x64xf32, #tpu.memory_space<hbm>>
      tpu.wait_dma2 semaphore(%arg7 : memref<!tpu.dma_semaphore, #tpu.memory_space<semaphore_mem>>) src(%dma_wait3A_1126 : memref<1x64xf32, #tpu.memory_space<hbm>>) dst(%dma_wait3A_1123 : memref<1x64xf32, #tpu.memory_space<vmem_shared>>)
      %dma_wait3A_1127 = arith.constant 0 : i32
      %dma_wait3A_1128 = arith.constant 0 : i32
      %dma_wait3A_1129 = tpu.memref_slice %arg6[%arg1, %dma_wait3A_1127, %dma_wait3A_1128] : memref<16x256x64xf32, #tpu.memory_space<vmem_shared>> -> memref<1x1x64xf32, #tpu.memory_space<vmem_shared>>
      %dma_wait3A_1130 = tpu.memref_squeeze %dma_wait3A_1129 : memref<1x1x64xf32, #tpu.memory_space<vmem_shared>> -> memref<1x64xf32, #tpu.memory_space<vmem_shared>>
      %dma_wait3A_1131 = arith.constant 0 : i32
      %dma_wait3A_1132 = arith.constant 0 : i32
      %dma_wait3A_1133 = tpu.memref_slice %arg3[%dma_wait3A_1131, %dma_wait3A_1132] : memref<1000000x64xf32, #tpu.memory_space<hbm>> -> memref<1x64xf32, #tpu.memory_space<hbm>>
      tpu.wait_dma2 semaphore(%arg7 : memref<!tpu.dma_semaphore, #tpu.memory_space<semaphore_mem>>) src(%dma_wait3A_1133 : memref<1x64xf32, #tpu.memory_space<hbm>>) dst(%dma_wait3A_1130 : memref<1x64xf32, #tpu.memory_space<vmem_shared>>)
      %dma_wait3A_1134 = arith.constant 0 : i32
      %dma_wait3A_1135 = arith.constant 0 : i32
      %dma_wait3A_1136 = tpu.memref_slice %arg6[%arg1, %dma_wait3A_1134, %dma_wait3A_1135] : memref<16x256x64xf32, #tpu.memory_space<vmem_shared>> -> memref<1x1x64xf32, #tpu.memory_space<vmem_shared>>
      %dma_wait3A_1137 = tpu.memref_squeeze %dma_wait3A_1136 : memref<1x1x64xf32, #tpu.memory_space<vmem_shared>> -> memref<1x64xf32, #tpu.memory_space<vmem_shared>>
      %dma_wait3A_1138 = arith.constant 0 : i32
      %dma_wait3A_1139 = arith.constant 0 : i32
      %dma_wait3A_1140 = tpu.memref_slice %arg3[%dma_wait3A_1138, %dma_wait3A_1139] : memref<1000000x64xf32, #tpu.memory_space<hbm>> -> memref<1x64xf32, #tpu.memory_space<hbm>>
      tpu.wait_dma2 semaphore(%arg7 : memref<!tpu.dma_semaphore, #tpu.memory_space<semaphore_mem>>) src(%dma_wait3A_1140 : memref<1x64xf32, #tpu.memory_space<hbm>>) dst(%dma_wait3A_1137 : memref<1x64xf32, #tpu.memory_space<vmem_shared>>)
      %dma_wait3A_1141 = arith.constant 0 : i32
      %dma_wait3A_1142 = arith.constant 0 : i32
      %dma_wait3A_1143 = tpu.memref_slice %arg6[%arg1, %dma_wait3A_1141, %dma_wait3A_1142] : memref<16x256x64xf32, #tpu.memory_space<vmem_shared>> -> memref<1x1x64xf32, #tpu.memory_space<vmem_shared>>
      %dma_wait3A_1144 = tpu.memref_squeeze %dma_wait3A_1143 : memref<1x1x64xf32, #tpu.memory_space<vmem_shared>> -> memref<1x64xf32, #tpu.memory_space<vmem_shared>>
      %dma_wait3A_1145 = arith.constant 0 : i32
      %dma_wait3A_1146 = arith.constant 0 : i32
      %dma_wait3A_1147 = tpu.memref_slice %arg3[%dma_wait3A_1145, %dma_wait3A_1146] : memref<1000000x64xf32, #tpu.memory_space<hbm>> -> memref<1x64xf32, #tpu.memory_space<hbm>>
      tpu.wait_dma2 semaphore(%arg7 : memref<!tpu.dma_semaphore, #tpu.memory_space<semaphore_mem>>) src(%dma_wait3A_1147 : memref<1x64xf32, #tpu.memory_space<hbm>>) dst(%dma_wait3A_1144 : memref<1x64xf32, #tpu.memory_space<vmem_shared>>)
      %dma_wait3A_1148 = arith.constant 0 : i32
      %dma_wait3A_1149 = arith.constant 0 : i32
      %dma_wait3A_1150 = tpu.memref_slice %arg6[%arg1, %dma_wait3A_1148, %dma_wait3A_1149] : memref<16x256x64xf32, #tpu.memory_space<vmem_shared>> -> memref<1x1x64xf32, #tpu.memory_space<vmem_shared>>
      %dma_wait3A_1151 = tpu.memref_squeeze %dma_wait3A_1150 : memref<1x1x64xf32, #tpu.memory_space<vmem_shared>> -> memref<1x64xf32, #tpu.memory_space<vmem_shared>>
      %dma_wait3A_1152 = arith.constant 0 : i32
      %dma_wait3A_1153 = arith.constant 0 : i32
      %dma_wait3A_1154 = tpu.memref_slice %arg3[%dma_wait3A_1152, %dma_wait3A_1153] : memref<1000000x64xf32, #tpu.memory_space<hbm>> -> memref<1x64xf32, #tpu.memory_space<hbm>>
      tpu.wait_dma2 semaphore(%arg7 : memref<!tpu.dma_semaphore, #tpu.memory_space<semaphore_mem>>) src(%dma_wait3A_1154 : memref<1x64xf32, #tpu.memory_space<hbm>>) dst(%dma_wait3A_1151 : memref<1x64xf32, #tpu.memory_space<vmem_shared>>)
      %dma_wait3A_1155 = arith.constant 0 : i32
      %dma_wait3A_1156 = arith.constant 0 : i32
      %dma_wait3A_1157 = tpu.memref_slice %arg6[%arg1, %dma_wait3A_1155, %dma_wait3A_1156] : memref<16x256x64xf32, #tpu.memory_space<vmem_shared>> -> memref<1x1x64xf32, #tpu.memory_space<vmem_shared>>
      %dma_wait3A_1158 = tpu.memref_squeeze %dma_wait3A_1157 : memref<1x1x64xf32, #tpu.memory_space<vmem_shared>> -> memref<1x64xf32, #tpu.memory_space<vmem_shared>>
      %dma_wait3A_1159 = arith.constant 0 : i32
      %dma_wait3A_1160 = arith.constant 0 : i32
      %dma_wait3A_1161 = tpu.memref_slice %arg3[%dma_wait3A_1159, %dma_wait3A_1160] : memref<1000000x64xf32, #tpu.memory_space<hbm>> -> memref<1x64xf32, #tpu.memory_space<hbm>>
      tpu.wait_dma2 semaphore(%arg7 : memref<!tpu.dma_semaphore, #tpu.memory_space<semaphore_mem>>) src(%dma_wait3A_1161 : memref<1x64xf32, #tpu.memory_space<hbm>>) dst(%dma_wait3A_1158 : memref<1x64xf32, #tpu.memory_space<vmem_shared>>)
      %dma_wait3A_1162 = arith.constant 0 : i32
      %dma_wait3A_1163 = arith.constant 0 : i32
      %dma_wait3A_1164 = tpu.memref_slice %arg6[%arg1, %dma_wait3A_1162, %dma_wait3A_1163] : memref<16x256x64xf32, #tpu.memory_space<vmem_shared>> -> memref<1x1x64xf32, #tpu.memory_space<vmem_shared>>
      %dma_wait3A_1165 = tpu.memref_squeeze %dma_wait3A_1164 : memref<1x1x64xf32, #tpu.memory_space<vmem_shared>> -> memref<1x64xf32, #tpu.memory_space<vmem_shared>>
      %dma_wait3A_1166 = arith.constant 0 : i32
      %dma_wait3A_1167 = arith.constant 0 : i32
      %dma_wait3A_1168 = tpu.memref_slice %arg3[%dma_wait3A_1166, %dma_wait3A_1167] : memref<1000000x64xf32, #tpu.memory_space<hbm>> -> memref<1x64xf32, #tpu.memory_space<hbm>>
      tpu.wait_dma2 semaphore(%arg7 : memref<!tpu.dma_semaphore, #tpu.memory_space<semaphore_mem>>) src(%dma_wait3A_1168 : memref<1x64xf32, #tpu.memory_space<hbm>>) dst(%dma_wait3A_1165 : memref<1x64xf32, #tpu.memory_space<vmem_shared>>)
      %dma_wait3A_1169 = arith.constant 0 : i32
      %dma_wait3A_1170 = arith.constant 0 : i32
      %dma_wait3A_1171 = tpu.memref_slice %arg6[%arg1, %dma_wait3A_1169, %dma_wait3A_1170] : memref<16x256x64xf32, #tpu.memory_space<vmem_shared>> -> memref<1x1x64xf32, #tpu.memory_space<vmem_shared>>
      %dma_wait3A_1172 = tpu.memref_squeeze %dma_wait3A_1171 : memref<1x1x64xf32, #tpu.memory_space<vmem_shared>> -> memref<1x64xf32, #tpu.memory_space<vmem_shared>>
      %dma_wait3A_1173 = arith.constant 0 : i32
      %dma_wait3A_1174 = arith.constant 0 : i32
      %dma_wait3A_1175 = tpu.memref_slice %arg3[%dma_wait3A_1173, %dma_wait3A_1174] : memref<1000000x64xf32, #tpu.memory_space<hbm>> -> memref<1x64xf32, #tpu.memory_space<hbm>>
      tpu.wait_dma2 semaphore(%arg7 : memref<!tpu.dma_semaphore, #tpu.memory_space<semaphore_mem>>) src(%dma_wait3A_1175 : memref<1x64xf32, #tpu.memory_space<hbm>>) dst(%dma_wait3A_1172 : memref<1x64xf32, #tpu.memory_space<vmem_shared>>)
      %dma_wait3A_1176 = arith.constant 0 : i32
      %dma_wait3A_1177 = arith.constant 0 : i32
      %dma_wait3A_1178 = tpu.memref_slice %arg6[%arg1, %dma_wait3A_1176, %dma_wait3A_1177] : memref<16x256x64xf32, #tpu.memory_space<vmem_shared>> -> memref<1x1x64xf32, #tpu.memory_space<vmem_shared>>
      %dma_wait3A_1179 = tpu.memref_squeeze %dma_wait3A_1178 : memref<1x1x64xf32, #tpu.memory_space<vmem_shared>> -> memref<1x64xf32, #tpu.memory_space<vmem_shared>>
      %dma_wait3A_1180 = arith.constant 0 : i32
      %dma_wait3A_1181 = arith.constant 0 : i32
      %dma_wait3A_1182 = tpu.memref_slice %arg3[%dma_wait3A_1180, %dma_wait3A_1181] : memref<1000000x64xf32, #tpu.memory_space<hbm>> -> memref<1x64xf32, #tpu.memory_space<hbm>>
      tpu.wait_dma2 semaphore(%arg7 : memref<!tpu.dma_semaphore, #tpu.memory_space<semaphore_mem>>) src(%dma_wait3A_1182 : memref<1x64xf32, #tpu.memory_space<hbm>>) dst(%dma_wait3A_1179 : memref<1x64xf32, #tpu.memory_space<vmem_shared>>)
      %dma_wait3A_1183 = arith.constant 0 : i32
      %dma_wait3A_1184 = arith.constant 0 : i32
      %dma_wait3A_1185 = tpu.memref_slice %arg6[%arg1, %dma_wait3A_1183, %dma_wait3A_1184] : memref<16x256x64xf32, #tpu.memory_space<vmem_shared>> -> memref<1x1x64xf32, #tpu.memory_space<vmem_shared>>
      %dma_wait3A_1186 = tpu.memref_squeeze %dma_wait3A_1185 : memref<1x1x64xf32, #tpu.memory_space<vmem_shared>> -> memref<1x64xf32, #tpu.memory_space<vmem_shared>>
      %dma_wait3A_1187 = arith.constant 0 : i32
      %dma_wait3A_1188 = arith.constant 0 : i32
      %dma_wait3A_1189 = tpu.memref_slice %arg3[%dma_wait3A_1187, %dma_wait3A_1188] : memref<1000000x64xf32, #tpu.memory_space<hbm>> -> memref<1x64xf32, #tpu.memory_space<hbm>>
      tpu.wait_dma2 semaphore(%arg7 : memref<!tpu.dma_semaphore, #tpu.memory_space<semaphore_mem>>) src(%dma_wait3A_1189 : memref<1x64xf32, #tpu.memory_space<hbm>>) dst(%dma_wait3A_1186 : memref<1x64xf32, #tpu.memory_space<vmem_shared>>)
      %dma_wait3A_1190 = arith.constant 0 : i32
      %dma_wait3A_1191 = arith.constant 0 : i32
      %dma_wait3A_1192 = tpu.memref_slice %arg6[%arg1, %dma_wait3A_1190, %dma_wait3A_1191] : memref<16x256x64xf32, #tpu.memory_space<vmem_shared>> -> memref<1x1x64xf32, #tpu.memory_space<vmem_shared>>
      %dma_wait3A_1193 = tpu.memref_squeeze %dma_wait3A_1192 : memref<1x1x64xf32, #tpu.memory_space<vmem_shared>> -> memref<1x64xf32, #tpu.memory_space<vmem_shared>>
      %dma_wait3A_1194 = arith.constant 0 : i32
      %dma_wait3A_1195 = arith.constant 0 : i32
      %dma_wait3A_1196 = tpu.memref_slice %arg3[%dma_wait3A_1194, %dma_wait3A_1195] : memref<1000000x64xf32, #tpu.memory_space<hbm>> -> memref<1x64xf32, #tpu.memory_space<hbm>>
      tpu.wait_dma2 semaphore(%arg7 : memref<!tpu.dma_semaphore, #tpu.memory_space<semaphore_mem>>) src(%dma_wait3A_1196 : memref<1x64xf32, #tpu.memory_space<hbm>>) dst(%dma_wait3A_1193 : memref<1x64xf32, #tpu.memory_space<vmem_shared>>)
      %dma_wait3A_1197 = arith.constant 0 : i32
      %dma_wait3A_1198 = arith.constant 0 : i32
      %dma_wait3A_1199 = tpu.memref_slice %arg6[%arg1, %dma_wait3A_1197, %dma_wait3A_1198] : memref<16x256x64xf32, #tpu.memory_space<vmem_shared>> -> memref<1x1x64xf32, #tpu.memory_space<vmem_shared>>
      %dma_wait3A_1200 = tpu.memref_squeeze %dma_wait3A_1199 : memref<1x1x64xf32, #tpu.memory_space<vmem_shared>> -> memref<1x64xf32, #tpu.memory_space<vmem_shared>>
      %dma_wait3A_1201 = arith.constant 0 : i32
      %dma_wait3A_1202 = arith.constant 0 : i32
      %dma_wait3A_1203 = tpu.memref_slice %arg3[%dma_wait3A_1201, %dma_wait3A_1202] : memref<1000000x64xf32, #tpu.memory_space<hbm>> -> memref<1x64xf32, #tpu.memory_space<hbm>>
      tpu.wait_dma2 semaphore(%arg7 : memref<!tpu.dma_semaphore, #tpu.memory_space<semaphore_mem>>) src(%dma_wait3A_1203 : memref<1x64xf32, #tpu.memory_space<hbm>>) dst(%dma_wait3A_1200 : memref<1x64xf32, #tpu.memory_space<vmem_shared>>)
      %dma_wait3A_1204 = arith.constant 0 : i32
      %dma_wait3A_1205 = arith.constant 0 : i32
      %dma_wait3A_1206 = tpu.memref_slice %arg6[%arg1, %dma_wait3A_1204, %dma_wait3A_1205] : memref<16x256x64xf32, #tpu.memory_space<vmem_shared>> -> memref<1x1x64xf32, #tpu.memory_space<vmem_shared>>
      %dma_wait3A_1207 = tpu.memref_squeeze %dma_wait3A_1206 : memref<1x1x64xf32, #tpu.memory_space<vmem_shared>> -> memref<1x64xf32, #tpu.memory_space<vmem_shared>>
      %dma_wait3A_1208 = arith.constant 0 : i32
      %dma_wait3A_1209 = arith.constant 0 : i32
      %dma_wait3A_1210 = tpu.memref_slice %arg3[%dma_wait3A_1208, %dma_wait3A_1209] : memref<1000000x64xf32, #tpu.memory_space<hbm>> -> memref<1x64xf32, #tpu.memory_space<hbm>>
      tpu.wait_dma2 semaphore(%arg7 : memref<!tpu.dma_semaphore, #tpu.memory_space<semaphore_mem>>) src(%dma_wait3A_1210 : memref<1x64xf32, #tpu.memory_space<hbm>>) dst(%dma_wait3A_1207 : memref<1x64xf32, #tpu.memory_space<vmem_shared>>)
      %dma_wait3A_1211 = arith.constant 0 : i32
      %dma_wait3A_1212 = arith.constant 0 : i32
      %dma_wait3A_1213 = tpu.memref_slice %arg6[%arg1, %dma_wait3A_1211, %dma_wait3A_1212] : memref<16x256x64xf32, #tpu.memory_space<vmem_shared>> -> memref<1x1x64xf32, #tpu.memory_space<vmem_shared>>
      %dma_wait3A_1214 = tpu.memref_squeeze %dma_wait3A_1213 : memref<1x1x64xf32, #tpu.memory_space<vmem_shared>> -> memref<1x64xf32, #tpu.memory_space<vmem_shared>>
      %dma_wait3A_1215 = arith.constant 0 : i32
      %dma_wait3A_1216 = arith.constant 0 : i32
      %dma_wait3A_1217 = tpu.memref_slice %arg3[%dma_wait3A_1215, %dma_wait3A_1216] : memref<1000000x64xf32, #tpu.memory_space<hbm>> -> memref<1x64xf32, #tpu.memory_space<hbm>>
      tpu.wait_dma2 semaphore(%arg7 : memref<!tpu.dma_semaphore, #tpu.memory_space<semaphore_mem>>) src(%dma_wait3A_1217 : memref<1x64xf32, #tpu.memory_space<hbm>>) dst(%dma_wait3A_1214 : memref<1x64xf32, #tpu.memory_space<vmem_shared>>)
      %dma_wait3A_1218 = arith.constant 0 : i32
      %dma_wait3A_1219 = arith.constant 0 : i32
      %dma_wait3A_1220 = tpu.memref_slice %arg6[%arg1, %dma_wait3A_1218, %dma_wait3A_1219] : memref<16x256x64xf32, #tpu.memory_space<vmem_shared>> -> memref<1x1x64xf32, #tpu.memory_space<vmem_shared>>
      %dma_wait3A_1221 = tpu.memref_squeeze %dma_wait3A_1220 : memref<1x1x64xf32, #tpu.memory_space<vmem_shared>> -> memref<1x64xf32, #tpu.memory_space<vmem_shared>>
      %dma_wait3A_1222 = arith.constant 0 : i32
      %dma_wait3A_1223 = arith.constant 0 : i32
      %dma_wait3A_1224 = tpu.memref_slice %arg3[%dma_wait3A_1222, %dma_wait3A_1223] : memref<1000000x64xf32, #tpu.memory_space<hbm>> -> memref<1x64xf32, #tpu.memory_space<hbm>>
      tpu.wait_dma2 semaphore(%arg7 : memref<!tpu.dma_semaphore, #tpu.memory_space<semaphore_mem>>) src(%dma_wait3A_1224 : memref<1x64xf32, #tpu.memory_space<hbm>>) dst(%dma_wait3A_1221 : memref<1x64xf32, #tpu.memory_space<vmem_shared>>)
      %dma_wait3A_1225 = arith.constant 0 : i32
      %dma_wait3A_1226 = arith.constant 0 : i32
      %dma_wait3A_1227 = tpu.memref_slice %arg6[%arg1, %dma_wait3A_1225, %dma_wait3A_1226] : memref<16x256x64xf32, #tpu.memory_space<vmem_shared>> -> memref<1x1x64xf32, #tpu.memory_space<vmem_shared>>
      %dma_wait3A_1228 = tpu.memref_squeeze %dma_wait3A_1227 : memref<1x1x64xf32, #tpu.memory_space<vmem_shared>> -> memref<1x64xf32, #tpu.memory_space<vmem_shared>>
      %dma_wait3A_1229 = arith.constant 0 : i32
      %dma_wait3A_1230 = arith.constant 0 : i32
      %dma_wait3A_1231 = tpu.memref_slice %arg3[%dma_wait3A_1229, %dma_wait3A_1230] : memref<1000000x64xf32, #tpu.memory_space<hbm>> -> memref<1x64xf32, #tpu.memory_space<hbm>>
      tpu.wait_dma2 semaphore(%arg7 : memref<!tpu.dma_semaphore, #tpu.memory_space<semaphore_mem>>) src(%dma_wait3A_1231 : memref<1x64xf32, #tpu.memory_space<hbm>>) dst(%dma_wait3A_1228 : memref<1x64xf32, #tpu.memory_space<vmem_shared>>)
      %dma_wait3A_1232 = arith.constant 0 : i32
      %dma_wait3A_1233 = arith.constant 0 : i32
      %dma_wait3A_1234 = tpu.memref_slice %arg6[%arg1, %dma_wait3A_1232, %dma_wait3A_1233] : memref<16x256x64xf32, #tpu.memory_space<vmem_shared>> -> memref<1x1x64xf32, #tpu.memory_space<vmem_shared>>
      %dma_wait3A_1235 = tpu.memref_squeeze %dma_wait3A_1234 : memref<1x1x64xf32, #tpu.memory_space<vmem_shared>> -> memref<1x64xf32, #tpu.memory_space<vmem_shared>>
      %dma_wait3A_1236 = arith.constant 0 : i32
      %dma_wait3A_1237 = arith.constant 0 : i32
      %dma_wait3A_1238 = tpu.memref_slice %arg3[%dma_wait3A_1236, %dma_wait3A_1237] : memref<1000000x64xf32, #tpu.memory_space<hbm>> -> memref<1x64xf32, #tpu.memory_space<hbm>>
      tpu.wait_dma2 semaphore(%arg7 : memref<!tpu.dma_semaphore, #tpu.memory_space<semaphore_mem>>) src(%dma_wait3A_1238 : memref<1x64xf32, #tpu.memory_space<hbm>>) dst(%dma_wait3A_1235 : memref<1x64xf32, #tpu.memory_space<vmem_shared>>)
      %dma_wait3A_1239 = arith.constant 0 : i32
      %dma_wait3A_1240 = arith.constant 0 : i32
      %dma_wait3A_1241 = tpu.memref_slice %arg6[%arg1, %dma_wait3A_1239, %dma_wait3A_1240] : memref<16x256x64xf32, #tpu.memory_space<vmem_shared>> -> memref<1x1x64xf32, #tpu.memory_space<vmem_shared>>
      %dma_wait3A_1242 = tpu.memref_squeeze %dma_wait3A_1241 : memref<1x1x64xf32, #tpu.memory_space<vmem_shared>> -> memref<1x64xf32, #tpu.memory_space<vmem_shared>>
      %dma_wait3A_1243 = arith.constant 0 : i32
      %dma_wait3A_1244 = arith.constant 0 : i32
      %dma_wait3A_1245 = tpu.memref_slice %arg3[%dma_wait3A_1243, %dma_wait3A_1244] : memref<1000000x64xf32, #tpu.memory_space<hbm>> -> memref<1x64xf32, #tpu.memory_space<hbm>>
      tpu.wait_dma2 semaphore(%arg7 : memref<!tpu.dma_semaphore, #tpu.memory_space<semaphore_mem>>) src(%dma_wait3A_1245 : memref<1x64xf32, #tpu.memory_space<hbm>>) dst(%dma_wait3A_1242 : memref<1x64xf32, #tpu.memory_space<vmem_shared>>)
      %dma_wait3A_1246 = arith.constant 0 : i32
      %dma_wait3A_1247 = arith.constant 0 : i32
      %dma_wait3A_1248 = tpu.memref_slice %arg6[%arg1, %dma_wait3A_1246, %dma_wait3A_1247] : memref<16x256x64xf32, #tpu.memory_space<vmem_shared>> -> memref<1x1x64xf32, #tpu.memory_space<vmem_shared>>
      %dma_wait3A_1249 = tpu.memref_squeeze %dma_wait3A_1248 : memref<1x1x64xf32, #tpu.memory_space<vmem_shared>> -> memref<1x64xf32, #tpu.memory_space<vmem_shared>>
      %dma_wait3A_1250 = arith.constant 0 : i32
      %dma_wait3A_1251 = arith.constant 0 : i32
      %dma_wait3A_1252 = tpu.memref_slice %arg3[%dma_wait3A_1250, %dma_wait3A_1251] : memref<1000000x64xf32, #tpu.memory_space<hbm>> -> memref<1x64xf32, #tpu.memory_space<hbm>>
      tpu.wait_dma2 semaphore(%arg7 : memref<!tpu.dma_semaphore, #tpu.memory_space<semaphore_mem>>) src(%dma_wait3A_1252 : memref<1x64xf32, #tpu.memory_space<hbm>>) dst(%dma_wait3A_1249 : memref<1x64xf32, #tpu.memory_space<vmem_shared>>)
      %dma_wait3A_1253 = arith.constant 0 : i32
      %dma_wait3A_1254 = arith.constant 0 : i32
      %dma_wait3A_1255 = tpu.memref_slice %arg6[%arg1, %dma_wait3A_1253, %dma_wait3A_1254] : memref<16x256x64xf32, #tpu.memory_space<vmem_shared>> -> memref<1x1x64xf32, #tpu.memory_space<vmem_shared>>
      %dma_wait3A_1256 = tpu.memref_squeeze %dma_wait3A_1255 : memref<1x1x64xf32, #tpu.memory_space<vmem_shared>> -> memref<1x64xf32, #tpu.memory_space<vmem_shared>>
      %dma_wait3A_1257 = arith.constant 0 : i32
      %dma_wait3A_1258 = arith.constant 0 : i32
      %dma_wait3A_1259 = tpu.memref_slice %arg3[%dma_wait3A_1257, %dma_wait3A_1258] : memref<1000000x64xf32, #tpu.memory_space<hbm>> -> memref<1x64xf32, #tpu.memory_space<hbm>>
      tpu.wait_dma2 semaphore(%arg7 : memref<!tpu.dma_semaphore, #tpu.memory_space<semaphore_mem>>) src(%dma_wait3A_1259 : memref<1x64xf32, #tpu.memory_space<hbm>>) dst(%dma_wait3A_1256 : memref<1x64xf32, #tpu.memory_space<vmem_shared>>)
      %dma_wait3A_1260 = arith.constant 0 : i32
      %dma_wait3A_1261 = arith.constant 0 : i32
      %dma_wait3A_1262 = tpu.memref_slice %arg6[%arg1, %dma_wait3A_1260, %dma_wait3A_1261] : memref<16x256x64xf32, #tpu.memory_space<vmem_shared>> -> memref<1x1x64xf32, #tpu.memory_space<vmem_shared>>
      %dma_wait3A_1263 = tpu.memref_squeeze %dma_wait3A_1262 : memref<1x1x64xf32, #tpu.memory_space<vmem_shared>> -> memref<1x64xf32, #tpu.memory_space<vmem_shared>>
      %dma_wait3A_1264 = arith.constant 0 : i32
      %dma_wait3A_1265 = arith.constant 0 : i32
      %dma_wait3A_1266 = tpu.memref_slice %arg3[%dma_wait3A_1264, %dma_wait3A_1265] : memref<1000000x64xf32, #tpu.memory_space<hbm>> -> memref<1x64xf32, #tpu.memory_space<hbm>>
      tpu.wait_dma2 semaphore(%arg7 : memref<!tpu.dma_semaphore, #tpu.memory_space<semaphore_mem>>) src(%dma_wait3A_1266 : memref<1x64xf32, #tpu.memory_space<hbm>>) dst(%dma_wait3A_1263 : memref<1x64xf32, #tpu.memory_space<vmem_shared>>)
      %dma_wait3A_1267 = arith.constant 0 : i32
      %dma_wait3A_1268 = arith.constant 0 : i32
      %dma_wait3A_1269 = tpu.memref_slice %arg6[%arg1, %dma_wait3A_1267, %dma_wait3A_1268] : memref<16x256x64xf32, #tpu.memory_space<vmem_shared>> -> memref<1x1x64xf32, #tpu.memory_space<vmem_shared>>
      %dma_wait3A_1270 = tpu.memref_squeeze %dma_wait3A_1269 : memref<1x1x64xf32, #tpu.memory_space<vmem_shared>> -> memref<1x64xf32, #tpu.memory_space<vmem_shared>>
      %dma_wait3A_1271 = arith.constant 0 : i32
      %dma_wait3A_1272 = arith.constant 0 : i32
      %dma_wait3A_1273 = tpu.memref_slice %arg3[%dma_wait3A_1271, %dma_wait3A_1272] : memref<1000000x64xf32, #tpu.memory_space<hbm>> -> memref<1x64xf32, #tpu.memory_space<hbm>>
      tpu.wait_dma2 semaphore(%arg7 : memref<!tpu.dma_semaphore, #tpu.memory_space<semaphore_mem>>) src(%dma_wait3A_1273 : memref<1x64xf32, #tpu.memory_space<hbm>>) dst(%dma_wait3A_1270 : memref<1x64xf32, #tpu.memory_space<vmem_shared>>)
      %dma_wait3A_1274 = arith.constant 0 : i32
      %dma_wait3A_1275 = arith.constant 0 : i32
      %dma_wait3A_1276 = tpu.memref_slice %arg6[%arg1, %dma_wait3A_1274, %dma_wait3A_1275] : memref<16x256x64xf32, #tpu.memory_space<vmem_shared>> -> memref<1x1x64xf32, #tpu.memory_space<vmem_shared>>
      %dma_wait3A_1277 = tpu.memref_squeeze %dma_wait3A_1276 : memref<1x1x64xf32, #tpu.memory_space<vmem_shared>> -> memref<1x64xf32, #tpu.memory_space<vmem_shared>>
      %dma_wait3A_1278 = arith.constant 0 : i32
      %dma_wait3A_1279 = arith.constant 0 : i32
      %dma_wait3A_1280 = tpu.memref_slice %arg3[%dma_wait3A_1278, %dma_wait3A_1279] : memref<1000000x64xf32, #tpu.memory_space<hbm>> -> memref<1x64xf32, #tpu.memory_space<hbm>>
      tpu.wait_dma2 semaphore(%arg7 : memref<!tpu.dma_semaphore, #tpu.memory_space<semaphore_mem>>) src(%dma_wait3A_1280 : memref<1x64xf32, #tpu.memory_space<hbm>>) dst(%dma_wait3A_1277 : memref<1x64xf32, #tpu.memory_space<vmem_shared>>)
      %dma_wait3A_1281 = arith.constant 0 : i32
      %dma_wait3A_1282 = arith.constant 0 : i32
      %dma_wait3A_1283 = tpu.memref_slice %arg6[%arg1, %dma_wait3A_1281, %dma_wait3A_1282] : memref<16x256x64xf32, #tpu.memory_space<vmem_shared>> -> memref<1x1x64xf32, #tpu.memory_space<vmem_shared>>
      %dma_wait3A_1284 = tpu.memref_squeeze %dma_wait3A_1283 : memref<1x1x64xf32, #tpu.memory_space<vmem_shared>> -> memref<1x64xf32, #tpu.memory_space<vmem_shared>>
      %dma_wait3A_1285 = arith.constant 0 : i32
      %dma_wait3A_1286 = arith.constant 0 : i32
      %dma_wait3A_1287 = tpu.memref_slice %arg3[%dma_wait3A_1285, %dma_wait3A_1286] : memref<1000000x64xf32, #tpu.memory_space<hbm>> -> memref<1x64xf32, #tpu.memory_space<hbm>>
      tpu.wait_dma2 semaphore(%arg7 : memref<!tpu.dma_semaphore, #tpu.memory_space<semaphore_mem>>) src(%dma_wait3A_1287 : memref<1x64xf32, #tpu.memory_space<hbm>>) dst(%dma_wait3A_1284 : memref<1x64xf32, #tpu.memory_space<vmem_shared>>)
      %dma_wait3A_1288 = arith.constant 0 : i32
      %dma_wait3A_1289 = arith.constant 0 : i32
      %dma_wait3A_1290 = tpu.memref_slice %arg6[%arg1, %dma_wait3A_1288, %dma_wait3A_1289] : memref<16x256x64xf32, #tpu.memory_space<vmem_shared>> -> memref<1x1x64xf32, #tpu.memory_space<vmem_shared>>
      %dma_wait3A_1291 = tpu.memref_squeeze %dma_wait3A_1290 : memref<1x1x64xf32, #tpu.memory_space<vmem_shared>> -> memref<1x64xf32, #tpu.memory_space<vmem_shared>>
      %dma_wait3A_1292 = arith.constant 0 : i32
      %dma_wait3A_1293 = arith.constant 0 : i32
      %dma_wait3A_1294 = tpu.memref_slice %arg3[%dma_wait3A_1292, %dma_wait3A_1293] : memref<1000000x64xf32, #tpu.memory_space<hbm>> -> memref<1x64xf32, #tpu.memory_space<hbm>>
      tpu.wait_dma2 semaphore(%arg7 : memref<!tpu.dma_semaphore, #tpu.memory_space<semaphore_mem>>) src(%dma_wait3A_1294 : memref<1x64xf32, #tpu.memory_space<hbm>>) dst(%dma_wait3A_1291 : memref<1x64xf32, #tpu.memory_space<vmem_shared>>)
      %dma_wait3A_1295 = arith.constant 0 : i32
      %dma_wait3A_1296 = arith.constant 0 : i32
      %dma_wait3A_1297 = tpu.memref_slice %arg6[%arg1, %dma_wait3A_1295, %dma_wait3A_1296] : memref<16x256x64xf32, #tpu.memory_space<vmem_shared>> -> memref<1x1x64xf32, #tpu.memory_space<vmem_shared>>
      %dma_wait3A_1298 = tpu.memref_squeeze %dma_wait3A_1297 : memref<1x1x64xf32, #tpu.memory_space<vmem_shared>> -> memref<1x64xf32, #tpu.memory_space<vmem_shared>>
      %dma_wait3A_1299 = arith.constant 0 : i32
      %dma_wait3A_1300 = arith.constant 0 : i32
      %dma_wait3A_1301 = tpu.memref_slice %arg3[%dma_wait3A_1299, %dma_wait3A_1300] : memref<1000000x64xf32, #tpu.memory_space<hbm>> -> memref<1x64xf32, #tpu.memory_space<hbm>>
      tpu.wait_dma2 semaphore(%arg7 : memref<!tpu.dma_semaphore, #tpu.memory_space<semaphore_mem>>) src(%dma_wait3A_1301 : memref<1x64xf32, #tpu.memory_space<hbm>>) dst(%dma_wait3A_1298 : memref<1x64xf32, #tpu.memory_space<vmem_shared>>)
      %dma_wait3A_1302 = arith.constant 0 : i32
      %dma_wait3A_1303 = arith.constant 0 : i32
      %dma_wait3A_1304 = tpu.memref_slice %arg6[%arg1, %dma_wait3A_1302, %dma_wait3A_1303] : memref<16x256x64xf32, #tpu.memory_space<vmem_shared>> -> memref<1x1x64xf32, #tpu.memory_space<vmem_shared>>
      %dma_wait3A_1305 = tpu.memref_squeeze %dma_wait3A_1304 : memref<1x1x64xf32, #tpu.memory_space<vmem_shared>> -> memref<1x64xf32, #tpu.memory_space<vmem_shared>>
      %dma_wait3A_1306 = arith.constant 0 : i32
      %dma_wait3A_1307 = arith.constant 0 : i32
      %dma_wait3A_1308 = tpu.memref_slice %arg3[%dma_wait3A_1306, %dma_wait3A_1307] : memref<1000000x64xf32, #tpu.memory_space<hbm>> -> memref<1x64xf32, #tpu.memory_space<hbm>>
      tpu.wait_dma2 semaphore(%arg7 : memref<!tpu.dma_semaphore, #tpu.memory_space<semaphore_mem>>) src(%dma_wait3A_1308 : memref<1x64xf32, #tpu.memory_space<hbm>>) dst(%dma_wait3A_1305 : memref<1x64xf32, #tpu.memory_space<vmem_shared>>)
      %dma_wait3A_1309 = arith.constant 0 : i32
      %dma_wait3A_1310 = arith.constant 0 : i32
      %dma_wait3A_1311 = tpu.memref_slice %arg6[%arg1, %dma_wait3A_1309, %dma_wait3A_1310] : memref<16x256x64xf32, #tpu.memory_space<vmem_shared>> -> memref<1x1x64xf32, #tpu.memory_space<vmem_shared>>
      %dma_wait3A_1312 = tpu.memref_squeeze %dma_wait3A_1311 : memref<1x1x64xf32, #tpu.memory_space<vmem_shared>> -> memref<1x64xf32, #tpu.memory_space<vmem_shared>>
      %dma_wait3A_1313 = arith.constant 0 : i32
      %dma_wait3A_1314 = arith.constant 0 : i32
      %dma_wait3A_1315 = tpu.memref_slice %arg3[%dma_wait3A_1313, %dma_wait3A_1314] : memref<1000000x64xf32, #tpu.memory_space<hbm>> -> memref<1x64xf32, #tpu.memory_space<hbm>>
      tpu.wait_dma2 semaphore(%arg7 : memref<!tpu.dma_semaphore, #tpu.memory_space<semaphore_mem>>) src(%dma_wait3A_1315 : memref<1x64xf32, #tpu.memory_space<hbm>>) dst(%dma_wait3A_1312 : memref<1x64xf32, #tpu.memory_space<vmem_shared>>)
      %dma_wait3A_1316 = arith.constant 0 : i32
      %dma_wait3A_1317 = arith.constant 0 : i32
      %dma_wait3A_1318 = tpu.memref_slice %arg6[%arg1, %dma_wait3A_1316, %dma_wait3A_1317] : memref<16x256x64xf32, #tpu.memory_space<vmem_shared>> -> memref<1x1x64xf32, #tpu.memory_space<vmem_shared>>
      %dma_wait3A_1319 = tpu.memref_squeeze %dma_wait3A_1318 : memref<1x1x64xf32, #tpu.memory_space<vmem_shared>> -> memref<1x64xf32, #tpu.memory_space<vmem_shared>>
      %dma_wait3A_1320 = arith.constant 0 : i32
      %dma_wait3A_1321 = arith.constant 0 : i32
      %dma_wait3A_1322 = tpu.memref_slice %arg3[%dma_wait3A_1320, %dma_wait3A_1321] : memref<1000000x64xf32, #tpu.memory_space<hbm>> -> memref<1x64xf32, #tpu.memory_space<hbm>>
      tpu.wait_dma2 semaphore(%arg7 : memref<!tpu.dma_semaphore, #tpu.memory_space<semaphore_mem>>) src(%dma_wait3A_1322 : memref<1x64xf32, #tpu.memory_space<hbm>>) dst(%dma_wait3A_1319 : memref<1x64xf32, #tpu.memory_space<vmem_shared>>)
      %dma_wait3A_1323 = arith.constant 0 : i32
      %dma_wait3A_1324 = arith.constant 0 : i32
      %dma_wait3A_1325 = tpu.memref_slice %arg6[%arg1, %dma_wait3A_1323, %dma_wait3A_1324] : memref<16x256x64xf32, #tpu.memory_space<vmem_shared>> -> memref<1x1x64xf32, #tpu.memory_space<vmem_shared>>
      %dma_wait3A_1326 = tpu.memref_squeeze %dma_wait3A_1325 : memref<1x1x64xf32, #tpu.memory_space<vmem_shared>> -> memref<1x64xf32, #tpu.memory_space<vmem_shared>>
      %dma_wait3A_1327 = arith.constant 0 : i32
      %dma_wait3A_1328 = arith.constant 0 : i32
      %dma_wait3A_1329 = tpu.memref_slice %arg3[%dma_wait3A_1327, %dma_wait3A_1328] : memref<1000000x64xf32, #tpu.memory_space<hbm>> -> memref<1x64xf32, #tpu.memory_space<hbm>>
      tpu.wait_dma2 semaphore(%arg7 : memref<!tpu.dma_semaphore, #tpu.memory_space<semaphore_mem>>) src(%dma_wait3A_1329 : memref<1x64xf32, #tpu.memory_space<hbm>>) dst(%dma_wait3A_1326 : memref<1x64xf32, #tpu.memory_space<vmem_shared>>)
      %dma_wait3A_1330 = arith.constant 0 : i32
      %dma_wait3A_1331 = arith.constant 0 : i32
      %dma_wait3A_1332 = tpu.memref_slice %arg6[%arg1, %dma_wait3A_1330, %dma_wait3A_1331] : memref<16x256x64xf32, #tpu.memory_space<vmem_shared>> -> memref<1x1x64xf32, #tpu.memory_space<vmem_shared>>
      %dma_wait3A_1333 = tpu.memref_squeeze %dma_wait3A_1332 : memref<1x1x64xf32, #tpu.memory_space<vmem_shared>> -> memref<1x64xf32, #tpu.memory_space<vmem_shared>>
      %dma_wait3A_1334 = arith.constant 0 : i32
      %dma_wait3A_1335 = arith.constant 0 : i32
      %dma_wait3A_1336 = tpu.memref_slice %arg3[%dma_wait3A_1334, %dma_wait3A_1335] : memref<1000000x64xf32, #tpu.memory_space<hbm>> -> memref<1x64xf32, #tpu.memory_space<hbm>>
      tpu.wait_dma2 semaphore(%arg7 : memref<!tpu.dma_semaphore, #tpu.memory_space<semaphore_mem>>) src(%dma_wait3A_1336 : memref<1x64xf32, #tpu.memory_space<hbm>>) dst(%dma_wait3A_1333 : memref<1x64xf32, #tpu.memory_space<vmem_shared>>)
      %dma_wait3A_1337 = arith.constant 0 : i32
      %dma_wait3A_1338 = arith.constant 0 : i32
      %dma_wait3A_1339 = tpu.memref_slice %arg6[%arg1, %dma_wait3A_1337, %dma_wait3A_1338] : memref<16x256x64xf32, #tpu.memory_space<vmem_shared>> -> memref<1x1x64xf32, #tpu.memory_space<vmem_shared>>
      %dma_wait3A_1340 = tpu.memref_squeeze %dma_wait3A_1339 : memref<1x1x64xf32, #tpu.memory_space<vmem_shared>> -> memref<1x64xf32, #tpu.memory_space<vmem_shared>>
      %dma_wait3A_1341 = arith.constant 0 : i32
      %dma_wait3A_1342 = arith.constant 0 : i32
      %dma_wait3A_1343 = tpu.memref_slice %arg3[%dma_wait3A_1341, %dma_wait3A_1342] : memref<1000000x64xf32, #tpu.memory_space<hbm>> -> memref<1x64xf32, #tpu.memory_space<hbm>>
      tpu.wait_dma2 semaphore(%arg7 : memref<!tpu.dma_semaphore, #tpu.memory_space<semaphore_mem>>) src(%dma_wait3A_1343 : memref<1x64xf32, #tpu.memory_space<hbm>>) dst(%dma_wait3A_1340 : memref<1x64xf32, #tpu.memory_space<vmem_shared>>)
      %dma_wait3A_1344 = arith.constant 0 : i32
      %dma_wait3A_1345 = arith.constant 0 : i32
      %dma_wait3A_1346 = tpu.memref_slice %arg6[%arg1, %dma_wait3A_1344, %dma_wait3A_1345] : memref<16x256x64xf32, #tpu.memory_space<vmem_shared>> -> memref<1x1x64xf32, #tpu.memory_space<vmem_shared>>
      %dma_wait3A_1347 = tpu.memref_squeeze %dma_wait3A_1346 : memref<1x1x64xf32, #tpu.memory_space<vmem_shared>> -> memref<1x64xf32, #tpu.memory_space<vmem_shared>>
      %dma_wait3A_1348 = arith.constant 0 : i32
      %dma_wait3A_1349 = arith.constant 0 : i32
      %dma_wait3A_1350 = tpu.memref_slice %arg3[%dma_wait3A_1348, %dma_wait3A_1349] : memref<1000000x64xf32, #tpu.memory_space<hbm>> -> memref<1x64xf32, #tpu.memory_space<hbm>>
      tpu.wait_dma2 semaphore(%arg7 : memref<!tpu.dma_semaphore, #tpu.memory_space<semaphore_mem>>) src(%dma_wait3A_1350 : memref<1x64xf32, #tpu.memory_space<hbm>>) dst(%dma_wait3A_1347 : memref<1x64xf32, #tpu.memory_space<vmem_shared>>)
      %dma_wait3A_1351 = arith.constant 0 : i32
      %dma_wait3A_1352 = arith.constant 0 : i32
      %dma_wait3A_1353 = tpu.memref_slice %arg6[%arg1, %dma_wait3A_1351, %dma_wait3A_1352] : memref<16x256x64xf32, #tpu.memory_space<vmem_shared>> -> memref<1x1x64xf32, #tpu.memory_space<vmem_shared>>
      %dma_wait3A_1354 = tpu.memref_squeeze %dma_wait3A_1353 : memref<1x1x64xf32, #tpu.memory_space<vmem_shared>> -> memref<1x64xf32, #tpu.memory_space<vmem_shared>>
      %dma_wait3A_1355 = arith.constant 0 : i32
      %dma_wait3A_1356 = arith.constant 0 : i32
      %dma_wait3A_1357 = tpu.memref_slice %arg3[%dma_wait3A_1355, %dma_wait3A_1356] : memref<1000000x64xf32, #tpu.memory_space<hbm>> -> memref<1x64xf32, #tpu.memory_space<hbm>>
      tpu.wait_dma2 semaphore(%arg7 : memref<!tpu.dma_semaphore, #tpu.memory_space<semaphore_mem>>) src(%dma_wait3A_1357 : memref<1x64xf32, #tpu.memory_space<hbm>>) dst(%dma_wait3A_1354 : memref<1x64xf32, #tpu.memory_space<vmem_shared>>)
      %mul3A_1358 = arith.constant 256 : i32
      %mul3A_1359 = arith.muli %scan3A_8, %mul3A_1358 : i32
      %add3A_1360 = arith.addi %mul3A_2, %mul3A_1359 : i32
      %multiple_of3A_1361 = tpu.assume_multiple %add3A_1360, 256 : i32
      %dma_start3A = arith.constant 0 : i32
      %dma_start3A_1362 = tpu.memref_slice %arg4[%multiple_of3A_1361, %dma_start3A] : memref<819200x64xf32, #tpu.memory_space<hbm>> -> memref<256x64xf32, #tpu.memory_space<hbm>>
      %dma_start3A_1363 = arith.constant 0 : i32
      %dma_start3A_1364 = arith.constant 0 : i32
      %dma_start3A_1365 = tpu.memref_slice %arg6[%arg1, %dma_start3A_1363, %dma_start3A_1364] : memref<16x256x64xf32, #tpu.memory_space<vmem_shared>> -> memref<1x256x64xf32, #tpu.memory_space<vmem_shared>>
      %dma_start3A_1366 = tpu.memref_squeeze %dma_start3A_1365 : memref<1x256x64xf32, #tpu.memory_space<vmem_shared>> -> memref<256x64xf32, #tpu.memory_space<vmem_shared>>
      tpu.enqueue_dma source(%dma_start3A_1366 : memref<256x64xf32, #tpu.memory_space<vmem_shared>>) target(%dma_start3A_1362 : memref<256x64xf32, #tpu.memory_space<hbm>>) target_semaphore(%arg8 : memref<!tpu.dma_semaphore, #tpu.memory_space<semaphore_mem>>)
      %dma_wait3A_1367 = arith.constant 0 : i32
      %dma_wait3A_1368 = arith.constant 0 : i32
      %dma_wait3A_1369 = tpu.memref_slice %arg4[%dma_wait3A_1367, %dma_wait3A_1368] : memref<819200x64xf32, #tpu.memory_space<hbm>> -> memref<256x64xf32, #tpu.memory_space<hbm>>
      %dma_wait3A_1370 = arith.constant 0 : i32
      %dma_wait3A_1371 = arith.constant 0 : i32
      %dma_wait3A_1372 = tpu.memref_slice %arg6[%arg1, %dma_wait3A_1370, %dma_wait3A_1371] : memref<16x256x64xf32, #tpu.memory_space<vmem_shared>> -> memref<1x256x64xf32, #tpu.memory_space<vmem_shared>>
      %dma_wait3A_1373 = tpu.memref_squeeze %dma_wait3A_1372 : memref<1x256x64xf32, #tpu.memory_space<vmem_shared>> -> memref<256x64xf32, #tpu.memory_space<vmem_shared>>
      tpu.wait_dma2 semaphore(%arg8 : memref<!tpu.dma_semaphore, #tpu.memory_space<semaphore_mem>>) src(%dma_wait3A_1373 : memref<256x64xf32, #tpu.memory_space<vmem_shared>>) dst(%dma_wait3A_1369 : memref<256x64xf32, #tpu.memory_space<hbm>>)
    }
    %scan3A_7 = arith.constant 100 : i32
    return
  }
}

</mosaic_0001>

<sc_bundles>
// kernel: _sc_gather.3.cloned.1.call-start
scs
__scs_entry_jumppad:
0x0: {  	(pc) =	sbr.rel $0x88, $3  }
0x1: {  	(tag) =	ssettag $0x0;
	lr =	simm.s32 $0x1  }
0x2: {  	[smem:$0x3F9F] =	sst lr;
	_ =	strace $0xD0000000  }
0x3: {  	_ = 	snop  }
0x4: {  	_ = 	snop  }
0x5: {  	_ = 	snop  }
0x6: {  	_ = 	snop  }
0x7: {  	_ = 	snop  }
__scs_overlays_trampoline_lowered:
0x8: {  	[smem:$0x3FAE] =	sst s0  }
0x9: {  	[smem:$0x3FAF] =	sst s1  }
0xa: {  	[smem:$0x3FB0] =	sst s2  }
0xb: {  	[smem:$0x3FB1] =	sst s3  }
0xc: {  	[smem:$0x3FB2] =	sst s4  }
0xd: {  	[smem:$0x3FB3] =	sst s5  }
0xe: {  	[smem:$0x3FB4] =	sst s6  }
0xf: {  	[smem:$0x3FB5] =	sst s7  }
0x10: {  	[smem:$0x3FB6] =	sst s8  }
0x11: {  	[smem:$0x3FB7] =	sst s9;
	s0 =	simm.s32 @!p0 $0x0  }
0x12: {  	s1 =	sld [smem:$0x3F9D];
	s0 =	simm.s32 @p0 $0x1  }
0x13: {  	[smem:$0x3FB8] =	sst s0;
	s0 =	simm.s32 @!p1 $0x0  }
0x14: {  	s2 =	sld [smem:$0x3F9C];
	s0 =	simm.s32 @p1 $0x1  }
0x15: {  	[smem:$0x3FB9] =	sst s0;
	s0 =	simm.s32 @!p2 $0x0  }
0x16: {  	s3 =	sld [smem:$0x3FDB];
	s0 =	simm.s32 @p2 $0x1  }
0x17: {  	s4 =	simm.s32 $0x1BF5;
	[smem:$0x3FBB] =	sst s0  }
0x18: {  	s0 =	sld [smem:$0x3F9E];
	_ =	swait.ge [sflag:s4], $0x0  }
0x19: {  	s7 =	sld [smem:$0x3F9F]  }
0x1a: {  	s8 =	sadd.s32 $0xFFFFE003, lr  }
0x1b: {  	s9 =	sadd.s32 $0xFFFFFEF7, lr;
	s5 =	simm.s32 $0xFFFFFFFF;
	p2 =	slt.u32 s8, $0xFFFFF086  }
0x1c: {  	p1 =	slt.u32 s9, $0xF7A;
	s5 =	simm.s32 @!p2 $0x0  }
0x1d: {  	s5 =	simm.s32 @p1 $0x1;
	p0 =	seq.s32 s7, s2  }
0x1e: {  	s7 =	smul.u32 @!p0 $0xF7A, s2;
	p2 =	seq.s32 @!p0 s5, $0x0  }
0x1f: {  	s9 =	smul.u32 $0xF7A, s1;
	s8 =	simm.s32 @!p0 $0x1BF5;
	p2 =	por !p2, p0  }
0x20: {  	[sflag:s8] =	ssyncset.s32 @!p0 $0xFFFFF086;
	s6 =	sadd.s32 @!p0 s3, s7;
	s7 =	simm.s32 @!p0 $0x108  }
0x21: {  	s3 =	sadd.s32 s3, s9;
	s6 =	sadd.s32 @!p0 $0x88, s6;
	s7 =	simm.s32 @p2 $0x1082  }
0x22: {  	[simem:s7], [sflag:s8] =	dma.local @!p0 [hbm:s6], $0xF7A  }
0x23: {  	s9 =	sor.u32 $0xD0000000, s2;
	s6 =	simm.s32 $0x108;
	_ =	swait.ge @!p0 [sflag:s8], $0x0  }
0x24: {  	s3 =	sadd.s32 $0x88, s3;
	s6 =	simm.s32 @!p1 $0x1082;
	[sflag:s4] =	ssyncset.s32 $0xFFFFF086  }
0x25: {  	[simem:s6], [sflag:s4] =	dma.local [hbm:s3], $0xF7A  }
0x26: {  	[smem:$0x3F9F] =	sst s1;
	(tag) =	ssettag s2;
	_ =	strace s9  }
0x27: {  	s1 =	sld [smem:$0x3FAF]  }
0x28: {  	s2 =	sld [smem:$0x3FB0]  }
0x29: {  	s4 =	sld [smem:$0x3FB2]  }
0x2a: {  	p0 =	seq.s32 s5, $0x0;
	s5 =	sld [smem:$0x3FB3]  }
0x2b: {  	s6 =	sld [smem:$0x3FB4]  }
0x2c: {  	s7 =	sld [smem:$0x3FB5]  }
0x2d: {  	s3 =	simm.s32 $0x108;
	s8 =	sld [smem:$0x3FB6]  }
0x2e: {  	s3 =	simm.s32 @!p0 $0x1082;
	s9 =	sld [smem:$0x3FB7]  }
0x2f: {  	lr =	sadd.s32 s0, s3;
	s0 =	sld [smem:$0x3FAE]  }
0x30: {  	s3 =	sld [smem:$0x3FB1]  }
0x31: {  	[smem:$0x3FBA] =	sst s10  }
0x32: {  	s10 =	sld [smem:$0x3FB8];
	_ =	sdelay $0x3  }
0x33: {  	p0 =	seq.s32 s10, $0x1;
	s10 =	sld [smem:$0x3FBA];
	_ =	sdelay $0x3  }
0x34: {  	[smem:$0x3FBA] =	sst s10  }
0x35: {  	s10 =	sld [smem:$0x3FB9];
	_ =	sdelay $0x3  }
0x36: {  	p1 =	seq.s32 s10, $0x1;
	s10 =	sld [smem:$0x3FBA];
	_ =	sdelay $0x3  }
0x37: {  	[smem:$0x3FBA] =	sst s10  }
0x38: {  	s10 =	sld [smem:$0x3FBB]  }
0x39: {  	_ = 	snop;
	(pc) =	sbr.ind lr, $3  }
0x3a: {  	_ = 	snop  }
0x3b: {  	_ = 	snop  }
0x3c: {  	p2 =	seq.s32 s10, $0x1;
	s10 =	sld [smem:$0x3FBA]  }
0x3d: {  	_ =	shalt  }
0x3e: {  	_ =	shalt  }
0x3f: {  	_ =	shalt  }
0x40: {  	_ =	shalt  }
0x41: {  	_ =	shalt  }
0x42: {  	_ =	shalt  }
0x43: {  	_ =	shalt  }
0x44: {  	_ =	shalt  }
0x45: {  	_ =	shalt  }
0x46: {  	_ =	shalt  }
0x47: {  	_ =	shalt  }
0x48: {  	_ =	shalt  }
0x49: {  	_ =	shalt  }
0x4a: {  	_ =	shalt  }
0x4b: {  	_ =	shalt  }
0x4c: {  	_ =	shalt  }
0x4d: {  	_ =	shalt  }
0x4e: {  	_ =	shalt  }
0x4f: {  	_ =	shalt  }
0x50: {  	_ =	shalt  }
0x51: {  	_ =	shalt  }
0x52: {  	_ =	shalt  }
0x53: {  	_ =	shalt  }
0x54: {  	_ =	shalt  }
0x55: {  	_ =	shalt  }
0x56: {  	_ =	shalt  }
0x57: {  	_ =	shalt  }
0x58: {  	_ =	shalt  }
0x59: {  	_ =	shalt  }
0x5a: {  	_ =	shalt  }
0x5b: {  	_ =	shalt  }
0x5c: {  	_ =	shalt  }
0x5d: {  	_ =	shalt  }
0x5e: {  	_ =	shalt  }
0x5f: {  	_ =	shalt  }
0x60: {  	_ =	shalt  }
0x61: {  	_ =	shalt  }
0x62: {  	_ =	shalt  }
0x63: {  	_ =	shalt  }
0x64: {  	_ =	shalt  }
0x65: {  	_ =	shalt  }
0x66: {  	_ =	shalt  }
0x67: {  	_ =	shalt  }
0x68: {  	_ =	shalt  }
0x69: {  	_ =	shalt  }
0x6a: {  	_ =	shalt  }
0x6b: {  	_ =	shalt  }
0x6c: {  	_ =	shalt  }
0x6d: {  	_ =	shalt  }
0x6e: {  	_ =	shalt  }
0x6f: {  	_ =	shalt  }
0x70: {  	_ =	shalt  }
0x71: {  	_ =	shalt  }
0x72: {  	_ =	shalt  }
0x73: {  	_ =	shalt  }
0x74: {  	_ =	shalt  }
0x75: {  	_ =	shalt  }
0x76: {  	_ =	shalt  }
0x77: {  	_ =	shalt  }
0x78: {  	_ =	shalt  }
0x79: {  	_ =	shalt  }
0x7a: {  	_ =	shalt  }
0x7b: {  	_ =	shalt  }
0x7c: {  	_ =	shalt  }
0x7d: {  	_ =	shalt  }
0x7e: {  	_ =	shalt  }
0x7f: {  	_ =	shalt  }
0x80: {  	_ =	shalt  }
0x81: {  	_ =	shalt  }
0x82: {  	_ =	shalt  }
0x83: {  	_ =	shalt  }
0x84: {  	_ =	shalt  }
0x85: {  	_ =	shalt  }
0x86: {  	_ =	shalt  }
0x87: {  	_ =	shalt  }
.Lfunc_end0:
.L_simem_size_0:
called_computation_lowered:
.L_overlay_start_0:
0x88: {  	s2 =	sld [smem:$0x3FD9]  }
0x89: {  	s3 =	sld [smem:$0x3FFE];
	_ =	sdelay $0x1  }
0x8a: {  	s1 =	srdreg.scid  }
0x8b: {  	s0 =	sand.u32 $0x1, s1  }
0x8c: {  	s17 =	sshll.u32 s0, $0xA;
	s2 =	sadd.s32 s3, s2  }
0x8d: {  	s2 =	sadd.s32 s2, s17  }
0x8e: {  	[smem:$0x3FC6] =	sst s2  }
0x8f: {  	_ = 	snop  }
0x90: {  	s2 =	sld [smem:$0x3FC9];
	(tm) =	ssettm $0x1  }
0x91: {  	s18 =	sld [smem:$0x3FFB];
	_ =	sdelay $0x3  }
0x92: {  	_ =	strace s18  }
0x93: {  	s3 =	sld [smem:$0x3FFC];
	_ =	sdelay $0x3  }
0x94: {  	_ =	strace s3  }
0x95: {  	s3 =	sld [smem:$0x3FFD];
	_ =	sdelay $0x3  }
0x96: {  	_ =	strace s3  }
0x97: {  	_ =	strace $0x8FFFFFFF  }
0x98: {  	s19 =	sld [smem:$0x3FDB];
	_ =	sdelay $0x1  }
0x99: {  	s4 =	simm.s32 $_scs_section_size  }
0x9a: {  	s5 =	simm.s32 $_size__tile_overlayer_lowered;
	s6 =	simm.s32 $_tile_overlayer_lowered  }
0x9b: {  	s22 =	simm.s32 $0x1BFF;
	s21 =	sshll.u32 s6, $0x1;
	s3 =	sadd.s32 s4, s19  }
0x9c: {  	s7 =	simm.s32 $0x0;
	s20 =	sshll.u32 s5, $0x1;
	s5 =	sadd.s32 s21, s3  }
0x9d: {  	[timem:s7], [sflag:s22] =	dma.local [hbm:s5], s20  }
0x9e: {  	_ =	swait.ge [sflag:s22], s20  }
0x9f: {  	s4 =	ssub.s32 $0x0, s20;
	[sflag:s22] =	ssyncset.done $0x0  }
0xa0: {  	[sflag:s22] =	ssyncadd.s32 s4;
	_ =	sdelay $0x1  }
0xa1: {  	s23 =	simm.s32 $0x1B8B  }
0xa2: {  	_ =	swait.ge [sflag:s23], $0x1  }
0xa3: {  	[sflag:s23] =	ssyncset.done $0x0  }
0xa4: {  	s25 =	simm.s32 $0x1B8E;
	s24 =	sld [smem:$0x3FFE];
	[sflag:s23] =	ssyncadd.s32 $0xFFFFFFFF  }
0xa5: {  	s26 =	simm.s32 $execute0_lowered;
	[smem:$0x3FD2] =	sst s25  }
0xa6: {  	s5 =	sshll.u32 s26, $0x1;
	_ =	strace $0x80000046;
	[dreg:$0x1] =	wrdreg $0xFFFFFFFF  }
0xa7: {  	s28 =	simm.s32 $_size_execute0_lowered;
	s3 =	sadd.s32 s3, s5;
	[dreg:$0x0] =	wrdreg $0x0  }
0xa8: {  	s5 =	sshll.u32 s28, $0x1;
	[dreg:$0x2] =	wrdreg s3  }
0xa9: {  	[dreg:$0x3] =	wrdreg s5  }
0xaa: {  	[dreg:$0x4] =	wrdreg $0xC0  }
0xab: {  	_ =	task [dreg:s7], $0x5FFFF  }
0xac: {  	[dreg:$0x1] =	wrdreg $0xFFFFFFFF  }
0xad: {  	[dreg:$0x0] =	wrdreg $0x60  }
0xae: {  	[dreg:$0x2] =	wrdreg s2  }
0xaf: {  	[dreg:$0x3] =	wrdreg s24  }
0xb0: {  	[dreg:$0x4] =	wrdreg $0x64000  }
0xb1: {  	[dreg:$0x5] =	wrdreg $0x9  }
0xb2: {  	_ =	task.clear_ibuf [dreg:s7], $0x6FFFF;
	_ =	strace $0x90000046  }
0xb3: {  	s29 =	simm.s32 $0x9;
	_ =	strace $0x80000048  }
0xb4: {  	_ =	swait.ge [sflag:s29], $0x1  }
0xb5: {  	[sflag:s29] =	ssyncadd.s32 $0xFFFFFFFF  }
0xb6: {  	_ =	strace $0x90000048  }
0xb7: {  	_ =	sfence  }
0xb8: {  	s30 =	sld [smem:$0x0];
	_ =	sdelay $0x2  }
0xb9: {  	s31 =	sshll.u32 s1, $0xD;
	s1 =	sshrl.u32 s1, $0x2  }
0xba: {  	s3 =	sand.u32 $0x4000, s31;
	s1 =	sadd.s32 s1, s30  }
0xbb: {  	s0 =	sor.u32 s3, s0;
	s1 =	sshll.u32 s1, $0x11  }
0xbc: {  	s0 =	sor.u32 s1, s0  }
0xbd: {  	s0 =	sadd.s32 $0x8F2B, s0  }
0xbe: {  	[sflag:s0] =	ssyncadd.remote.s32 $0x1  }
0xbf: {  	_ =	sfence.sel $0xFFFF  }
0xc0: {  	[dreg:$0x0] =	wrdreg $0xFFFFFFFF;
	(pc) =	sbr.abs _section_cstart, $3  }
0xc1: {  	[dreg:$0x1] =	wrdreg $0xFFFFFFFF  }
0xc2: {  	_ =	task.clear_ibuf [dreg:s7], $0x2FFFF;
	_ =	strace $0x9FFFFFFF  }
0xc3: {  	(tm) =	ssettm $0x7FFFFFFF  }
tec
execute0_lowered:
.L_overlay_start_1:
0x0: {  	(tag) =	ssettag $0x1  }
0x1: {  	s0 =	rddreg [dreg:$0x0]  }
0x2: {  	s1 =	rddreg [dreg:$0x1]  }
0x3: {  	s2 =	rddreg [dreg:$0x2];
	s4 =	simm.s32 $0x0;
	s3 =	srdreg.scid  }
0x4: {  	s8 =	stileid.u32;
	[smem:$0x7FF] =	sst s4  }
0x5: {  	s3 =	sand.u32 $0x1, s3;
	s24 =	sshll.u32 s8, $0x1;
	s26 =	sshll.u32 s8, $0xF  }
0x6: {  	_ =	strace $0x80000047;
	s5 =	ssub.s32 $0x2, s3;
	s4 =	sor.u32 s3, s24  }
0x7: {  	s3 =	sadd.s32 $0x400, s1;
	s1 =	sadd.s32 $0xF42800, s1;
	s28 =	smul.u32 $0x320000, s4  }
0x8: {  	s6 =	sshrl.u32 s5, $0x1;
	s7 =	smul.u32 $0xC80, s4;
	[dreg:$0x7] =	wrdreg s1  }
0x9: {  	s25 =	ssub.s32 s5, s6;
	s5 =	sadd.s32 s26, s2;
	[dreg:$0x9] =	wrdreg s28  }
0xa: {  	s0 =	sadd.s32 s0, s7;
	[dreg:$0x5] =	wrdreg s5  }
0xb: {  	s29 =	smax.u32 s25, $0x1;
	[dreg:$0x8] =	wrdreg s0  }
0xc: {  	s30 =	sshll.u32 s8, $0x6;
	s31 =	sshrl.u32 s5, $0x3;
	[dreg:$0xa] =	wrdreg s29  }
0xd: {  	s0 =	sor.u32 $0x1C02, s30;
	[dreg:$0xc] =	wrdreg s31  }
0xe: {  	s21 =	sor.u32 $0x1C01, s30;
	s1 =	simm.s32 $0x0;
	[dreg:$0xb] =	wrdreg s0  }
.LBB2_1:
0xf: {  	[dreg:$0xd] =	wrdreg s1  }
0x10: {  	s0 =	simm.s32 $0x0;
	s30 =	rddreg [dreg:$0x8];
	s31 =	simm.s32 $0x3  }
0x11: {  	[tilespmem:s0], [sflag:$0x3] =	stream.linear.gather [hbm4b:s30+s0], $0x6400, $0x38;
	[tilespmem:$0xA400] =	vst v63  }
0x12: {  	_ =	swait.ge [sflag:s31], $0x6400  }
0x13: {  	[sflag:s31] =	ssyncset.done $0x0  }
0x14: {  	s4 =	simm.s32 $0x0;
	[sflag:s31] =	ssyncadd.s32 $0xFFFF9C00  }
.LBB2_2:
0x15: {  	s0 =	sshll.u32 s4, $0x8  }
0x16: {  	s0 =	sand.u32 $0x3FFFFF00, s0  }
0x17: {  	s18 =	simm.s32 $0x0;
	[dreg:$0x4] =	wrdreg s0  }
0x18: {  	s1 =	sand.u32 $0x80, s18;
	s0 =	rddreg [dreg:$0x4]  }
0x19: {  	s2 =	sand.u32 $0x70, s18;
	s0 =	sadd.s32 s1, s0  }
0x1a: {  	s0 =	sadd.s32 s2, s0  }
0x1b: {  	v0 =	vld [tilespmem:s0+$0x0];
	_ =	sdelay $0x4  }
0x1c: {  	v0 =	vshll.u32 v0, $0x4  }
0x1d: {  	(v2sf) =	vpush v0, $0x9  }
0x1e: {  	(v2sf) =	vpush v0, $0x2  }
0x1f: {  	(v2sf) =	vpush v0, $0x3  }
0x20: {  	(v2sf) =	vpush v0, $0x0  }
0x21: {  	(v2sf) =	vpush v0, $0x1  }
0x22: {  	[dreg:$0xe] =	wrdreg s4;
	s23 =	sadd.s32 $0x0, s5;
	(v2sf) =	vpush v0, $0xC  }
0x23: {  	s19 =	simm.s32 $0x2000;
	p0 =	por $0x1, $0x1;
	s24 =	sadd.s32 $0x200, s23  }
0x24: {  	s25 =	sadd.s32 $0x100, s23;
	s6 =	sadd.s32 $0x300, s23;
	s16 =	sadd.s32 $0x380, s23;
	(v2sf) =	vpush v0, $0x5  }
0x25: {  	s7 =	sadd.s32 $0x400, s23;
	s5 =	sadd.s32 $0x180, s23;
	s8 =	sadd.s32 $0x480, s23;
	(v2sf) =	vpush v0, $0x6  }
0x26: {  	s9 =	sadd.s32 $0x500, s23;
	s12 =	sadd.s32 $0x580, s23;
	s13 =	sadd.s32 $0x600, s23;
	(v2sf) =	vpush v0, $0x7  }
0x27: {  	s14 =	sadd.s32 $0x680, s23;
	s15 =	sadd.s32 $0x700, s23;
	s20 =	sadd.s32 $0x280, s23  }
0x28: {  	s17 =	sadd.s32 $0x780, s23;
	s25 =	sshrl.u32 s25, $0x3;
	s26 =	sshrl.u32 s20, $0x3  }
0x29: {  	s22 =	sshrl.u32 s24, $0x3;
	s24 =	sshrl.u32 s17, $0x3;
	s17 =	simm.s32 @!p0 $0x1  }
0x2a: {  	s20 =	simm.s32 $0x1;
	s28 =	sshrl.u32 s14, $0x3;
	s31 =	sshrl.u32 s12, $0x3  }
0x2b: {  	s30 =	sshrl.u32 s13, $0x3;
	[dreg:$0x6] =	wrdreg s26;
	s26 =	sshrl.u32 s15, $0x3;
	(v2sf) =	vpush v0, $0x8  }
0x2c: {  	s1 =	sshrl.u32 s23, $0x3;
	s0 =	sadd.s32 $0x80, s23;
	(v2sf) =	vpush v0, $0xA;
	s4 =	spop (v2sf)  }
0x2d: {  	s23 =	sshrl.u32 s5, $0x3;
	s29 =	sshrl.u32 s0, $0x3;
	(v2sf) =	vpush v0, $0xD;
	s5 =	spop (v2sf)  }
0x2e: {  	(v2sf) =	vpush v0, $0x4;
	s12 =	sand.u32 $0x1FFFFFF0, s5;
	s5 =	sshrl.u32 s9, $0x3;
	s9 =	spop (v2sf)  }
0x2f: {  	(v2sf) =	vpush v0, $0xE;
	s15 =	sand.u32 $0x1FFFFFF0, s9;
	s9 =	sshrl.u32 s8, $0x3;
	s10 =	spop (v2sf)  }
0x30: {  	(v2sf) =	vpush v0, $0xB;
	s8 =	sshrl.u32 s7, $0x3;
	s0 =	sand.u32 $0x1FFFFFF0, s10;
	s11 =	spop (v2sf)  }
0x31: {  	(v2sf) =	vpush v0, $0xF;
	s0 =	sadd.s32 s3, s0;
	s2 =	sand.u32 $0x1FFFFFF0, s11;
	s13 =	spop (v2sf)  }
0x32: {  	[spmem:s1], [sflag:s21] =	dma.local [hbm:s0], $0x10  }
0x33: {  	s14 =	sadd.s32 s3, s2;
	s7 =	sand.u32 $0x1FFFFFF0, s13;
	s0 =	spop (v2sf)  }
0x34: {  	s1 =	sshrl.u32 s16, $0x3;
	s13 =	sand.u32 $0x1FFFFFF0, s0;
	s16 =	spop (v2sf)  }
0x35: {  	s0 =	sshrl.u32 s6, $0x3;
	s2 =	sand.u32 $0x1FFFFFF0, s16;
	s16 =	spop (v2sf)  }
.LBB2_3:
0x36: {  	_ =	sdelay $0x1  }
0x37: {  	s12 =	sadd.s32 s3, s12;
	s16 =	sand.u32 $0x1FFFFFF0, s16  }
0x38: {  	s2 =	sadd.s32 s3, s2;
	s4 =	sand.u32 $0x1FFFFFF0, s4;
	s7 =	sadd.s32 s3, s7  }
0x39: {  	s13 =	sadd.s32 s3, s13;
	s4 =	sadd.s32 s3, s4;
	s11 =	spop (v2sf)  }
0x3a: {  	[spmem:s29], [sflag:s21] =	dma.local [hbm:s14], $0x10  }
0x3b: {  	[spmem:s25], [sflag:s21] =	dma.local [hbm:s12], $0x10  }
0x3c: {  	s14 =	sadd.s32 s3, s16;
	s11 =	sand.u32 $0x1FFFFFF0, s11;
	s12 =	spop (v2sf)  }
0x3d: {  	s11 =	sadd.s32 s3, s11;
	s10 =	spop (v2sf);
	s12 =	sand.u32 $0x1FFFFFF0, s12  }
0x3e: {  	s16 =	sand.u32 $0x1FFFFFF0, s10;
	s25 =	spop (v2sf);
	s12 =	sadd.s32 s3, s12  }
0x3f: {  	s10 =	smov.u32 s3;
	s29 =	spop (v2sf);
	s25 =	sand.u32 $0x1FFFFFF0, s25  }
0x40: {  	s16 =	sadd.s32 s3, s16;
	s15 =	sadd.s32 s10, s15;
	s6 =	spop (v2sf)  }
0x41: {  	s25 =	sadd.s32 s3, s25;
	s29 =	sand.u32 $0x1FFFFFF0, s29;
	s3 =	spop (v2sf)  }
0x42: {  	s6 =	sand.u32 $0x1FFFFFF0, s6;
	s29 =	sadd.s32 s10, s29;
	s3 =	sand.u32 $0x1FFFFFF0, s3  }
0x43: {  	[spmem:s23], [sflag:s21] =	dma.local [hbm:s15], $0x10  }
0x44: {  	[spmem:s22], [sflag:s21] =	dma.local [hbm:s25], $0x10  }
0x45: {  	s6 =	sadd.s32 s10, s6;
	s3 =	sadd.s32 s10, s3;
	s25 =	rddreg [dreg:$0x6]  }
0x46: {  	[spmem:s25], [sflag:s21] =	dma.local [hbm:s13], $0x10  }
0x47: {  	[spmem:s0], [sflag:s21] =	dma.local [hbm:s2], $0x10  }
0x48: {  	[spmem:s1], [sflag:s21] =	dma.local [hbm:s14], $0x10  }
0x49: {  	[spmem:s8], [sflag:s21] =	dma.local [hbm:s11], $0x10  }
0x4a: {  	[spmem:s9], [sflag:s21] =	dma.local [hbm:s4], $0x10  }
0x4b: {  	[spmem:s5], [sflag:s21] =	dma.local [hbm:s12], $0x10  }
0x4c: {  	[spmem:s31], [sflag:s21] =	dma.local [hbm:s6], $0x10  }
0x4d: {  	[spmem:s30], [sflag:s21] =	dma.local [hbm:s7], $0x10  }
0x4e: {  	[spmem:s28], [sflag:s21] =	dma.local [hbm:s16], $0x10  }
0x4f: {  	[spmem:s26], [sflag:s21] =	dma.local [hbm:s29], $0x10  }
0x50: {  	[spmem:s24], [sflag:s21] =	dma.local [hbm:s3], $0x10  }
0x51: {  	_ =	swait.ge @!p0 [sflag:s17], $0x10  }
0x52: {  	[sflag:s17] =	ssyncset.done @!p0 $0x0  }
0x53: {  	[sflag:s17] =	ssyncadd.s32 @!p0 $0xFFFFFFF0  }
0x54: {  	_ =	swait.ge @!p0 [sflag:s17], $0x10  }
0x55: {  	[sflag:s17] =	ssyncset.done @!p0 $0x0  }
0x56: {  	[sflag:s17] =	ssyncadd.s32 @!p0 $0xFFFFFFF0  }
0x57: {  	_ =	swait.ge @!p0 [sflag:s17], $0x10  }
0x58: {  	[sflag:s17] =	ssyncset.done @!p0 $0x0  }
0x59: {  	[sflag:s17] =	ssyncadd.s32 @!p0 $0xFFFFFFF0  }
0x5a: {  	_ =	swait.ge @!p0 [sflag:s17], $0x10  }
0x5b: {  	[sflag:s17] =	ssyncset.done @!p0 $0x0  }
0x5c: {  	[sflag:s17] =	ssyncadd.s32 @!p0 $0xFFFFFFF0  }
0x5d: {  	_ =	swait.ge @!p0 [sflag:s17], $0x10  }
0x5e: {  	[sflag:s17] =	ssyncset.done @!p0 $0x0  }
0x5f: {  	[sflag:s17] =	ssyncadd.s32 @!p0 $0xFFFFFFF0  }
0x60: {  	_ =	swait.ge @!p0 [sflag:s17], $0x10  }
0x61: {  	[sflag:s17] =	ssyncset.done @!p0 $0x0  }
0x62: {  	[sflag:s17] =	ssyncadd.s32 @!p0 $0xFFFFFFF0  }
0x63: {  	_ =	swait.ge @!p0 [sflag:s17], $0x10  }
0x64: {  	[sflag:s17] =	ssyncset.done @!p0 $0x0  }
0x65: {  	[sflag:s17] =	ssyncadd.s32 @!p0 $0xFFFFFFF0  }
0x66: {  	s23 =	rddreg [dreg:$0x5];
	_ =	swait.ge @!p0 [sflag:s17], $0x10  }
0x67: {  	[sflag:s17] =	ssyncset.done @!p0 $0x0  }
0x68: {  	[sflag:s17] =	ssyncadd.s32 @!p0 $0xFFFFFFF0  }
0x69: {  	_ =	swait.ge @!p0 [sflag:s17], $0x10  }
0x6a: {  	[sflag:s17] =	ssyncset.done @!p0 $0x0  }
0x6b: {  	[sflag:s17] =	ssyncadd.s32 @!p0 $0xFFFFFFF0  }
0x6c: {  	s22 =	smov.u32 s19;
	_ =	swait.ge @!p0 [sflag:s17], $0x10  }
0x6d: {  	s0 =	sshra.s32 s22, $0x2;
	[sflag:s17] =	ssyncset.done @!p0 $0x0  }
0x6e: {  	s24 =	sadd.s32 s0, s23;
	[sflag:s17] =	ssyncadd.s32 @!p0 $0xFFFFFFF0  }
0x6f: {  	s22 =	sadd.s32 $0x280, s24;
	_ =	swait.ge @!p0 [sflag:s17], $0x10  }
0x70: {  	s23 =	sshrl.u32 s22, $0x3;
	[sflag:s17] =	ssyncset.done @!p0 $0x0  }
0x71: {  	[dreg:$0x6] =	wrdreg s23;
	[sflag:s17] =	ssyncadd.s32 @!p0 $0xFFFFFFF0  }
0x72: {  	_ =	swait.ge @!p0 [sflag:s17], $0x10  }
0x73: {  	[sflag:s17] =	ssyncset.done @!p0 $0x0  }
0x74: {  	[sflag:s17] =	ssyncadd.s32 @!p0 $0xFFFFFFF0  }
0x75: {  	_ =	swait.ge @!p0 [sflag:s17], $0x10  }
0x76: {  	[sflag:s17] =	ssyncset.done @!p0 $0x0  }
0x77: {  	[sflag:s17] =	ssyncadd.s32 @!p0 $0xFFFFFFF0  }
0x78: {  	_ =	swait.ge @!p0 [sflag:s17], $0x10  }
0x79: {  	[sflag:s17] =	ssyncset.done @!p0 $0x0  }
0x7a: {  	[sflag:s17] =	ssyncadd.s32 @!p0 $0xFFFFFFF0  }
0x7b: {  	_ =	swait.ge @!p0 [sflag:s17], $0x10  }
0x7c: {  	s18 =	sadd.s32 $0x10, s18;
	s13 =	sadd.s32 $0x100, s24;
	[sflag:s17] =	ssyncset.done @!p0 $0x0  }
0x7d: {  	s14 =	sadd.s32 $0x180, s24;
	s3 =	sadd.s32 $0x80, s24;
	[sflag:s17] =	ssyncadd.s32 @!p0 $0xFFFFFFF0  }
0x7e: {  	s25 =	sshrl.u32 s13, $0x3;
	s29 =	sshrl.u32 s3, $0x3;
	_ =	swait.ge @!p0 [sflag:s17], $0x10  }
0x7f: {  	s13 =	sand.u32 $0x80, s18;
	s23 =	sshrl.u32 s14, $0x3;
	s12 =	rddreg [dreg:$0x4]  }
0x80: {  	s14 =	sand.u32 $0x70, s18;
	[sflag:s17] =	ssyncset.done @!p0 $0x0;
	s3 =	sadd.s32 s13, s12  }
0x81: {  	[sflag:s17] =	ssyncadd.s32 @!p0 $0xFFFFFFF0;
	s3 =	sadd.s32 s14, s3  }
0x82: {  	v0 =	vld [tilespmem:s3+$0x0];
	_ =	sdelay $0x4  }
0x83: {  	v0 =	vshll.u32 v0, $0x4  }
0x84: {  	(v2sf) =	vpush v0, $0x9  }
0x85: {  	(v2sf) =	vpush v0, $0x2  }
0x86: {  	(v2sf) =	vpush v0, $0x3  }
0x87: {  	(v2sf) =	vpush v0, $0x0;
	_ =	sdelay $0x1  }
0x88: {  	(v2sf) =	vpush v0, $0x1  }
0x89: {  	(v2sf) =	vpush v0, $0xC;
	_ =	sdelay $0x1  }
0x8a: {  	s19 =	sadd.s32 $0x2000, s19;
	(v2sf) =	vpush v0, $0x5  }
0x8b: {  	p1 =	sne.s32 s19, $0x20000;
	s1 =	sshrl.u32 s24, $0x3;
	(v2sf) =	vpush v0, $0x6  }
0x8c: {  	s11 =	sadd.s32 $0x200, s24;
	s0 =	sadd.s32 $0x300, s24;
	s2 =	sadd.s32 $0x380, s24;
	(v2sf) =	vpush v0, $0x7  }
0x8d: {  	s8 =	sadd.s32 $0x400, s24;
	s9 =	sadd.s32 $0x480, s24;
	s5 =	sadd.s32 $0x500, s24  }
0x8e: {  	s30 =	sadd.s32 $0x580, s24;
	s15 =	sadd.s32 $0x600, s24;
	s4 =	sadd.s32 $0x680, s24  }
0x8f: {  	s26 =	sadd.s32 $0x700, s24;
	s16 =	sadd.s32 $0x780, s24;
	s22 =	sshrl.u32 s11, $0x3  }
0x90: {  	s24 =	sshrl.u32 s16, $0x3;
	s28 =	sshrl.u32 s4, $0x3;
	s26 =	sshrl.u32 s26, $0x3  }
0x91: {  	s31 =	sshrl.u32 s30, $0x3;
	s30 =	sshrl.u32 s15, $0x3;
	(v2sf) =	vpush v0, $0x8;
	s4 =	spop (v2sf)  }
0x92: {  	s5 =	sshrl.u32 s5, $0x3;
	s9 =	sshrl.u32 s9, $0x3;
	(v2sf) =	vpush v0, $0xA;
	s16 =	spop (v2sf)  }
0x93: {  	s8 =	sshrl.u32 s8, $0x3;
	s0 =	sshrl.u32 s0, $0x3;
	(v2sf) =	vpush v0, $0xD;
	s6 =	spop (v2sf)  }
0x94: {  	p0 =	slt.u32 s20, $0xC;
	s20 =	sadd.s32 $0x1, s20;
	(v2sf) =	vpush v0, $0x4;
	s7 =	spop (v2sf)  }
0x95: {  	s17 =	simm.s32 @!p0 $0x1;
	s12 =	sand.u32 $0x1FFFFFF0, s16;
	(v2sf) =	vpush v0, $0xE;
	s3 =	sand.u32 $0x1FFFFFF0, s7  }
0x96: {  	s15 =	sand.u32 $0x1FFFFFF0, s6;
	(v2sf) =	vpush v0, $0xB;
	s11 =	spop (v2sf);
	s3 =	sadd.s32 s10, s3  }
.Ltmp0:
0x97: {  	(v2sf) =	vpush v0, $0xF;
	s6 =	sand.u32 $0x1FFFFFF0, s11;
	s13 =	spop (v2sf);
	(pc) =	sbr.rel @p1 .LBB2_3-.Ltmp0, $4  }
0x98: {  	[spmem:s1], [sflag:s21] =	dma.local [hbm:s3], $0x10  }
0x99: {  	s3 =	smov.u32 s10;
	s14 =	sadd.s32 s10, s6;
	s1 =	spop (v2sf)  }
0x9a: {  	s7 =	sand.u32 $0x1FFFFFF0, s13;
	s13 =	sand.u32 $0x1FFFFFF0, s1;
	s16 =	spop (v2sf)  }
0x9b: {  	s1 =	sshrl.u32 s2, $0x3;
	s2 =	sand.u32 $0x1FFFFFF0, s16;
	s16 =	spop (v2sf)  }
0x9c: {  	_ =	sdelay $0x3  }
0x9d: {  	s3 =	sadd.s32 s10, s12;
	s6 =	spop (v2sf)  }
0x9e: {  	[spmem:s29], [sflag:s21] =	dma.local [hbm:s14], $0x10  }
0x9f: {  	[spmem:s25], [sflag:s21] =	dma.local [hbm:s3], $0x10  }
0xa0: {  	s3 =	spop (v2sf)  }
0xa1: {  	s11 =	spop (v2sf)  }
0xa2: {  	s14 =	spop (v2sf)  }
0xa3: {  	s20 =	spop (v2sf)  }
0xa4: {  	s12 =	sand.u32 $0x1FFFFFF0, s14;
	s18 =	spop (v2sf)  }
0xa5: {  	s15 =	sadd.s32 s10, s15;
	s12 =	sadd.s32 s10, s12;
	s19 =	spop (v2sf)  }
0xa6: {  	[spmem:s23], [sflag:s21] =	dma.local [hbm:s15], $0x10  }
0xa7: {  	[spmem:s22], [sflag:s21] =	dma.local [hbm:s12], $0x10  }
0xa8: {  	s2 =	sadd.s32 s10, s2;
	s25 =	sadd.s32 s10, s13;
	s29 =	rddreg [dreg:$0x6]  }
0xa9: {  	[spmem:s29], [sflag:s21] =	dma.local [hbm:s25], $0x10  }
0xaa: {  	[spmem:s0], [sflag:s21] =	dma.local [hbm:s2], $0x10  }
0xab: {  	s2 =	sand.u32 $0x1FFFFFF0, s16  }
0xac: {  	s6 =	sand.u32 $0x1FFFFFF0, s6;
	s0 =	sadd.s32 s10, s2  }
0xad: {  	[spmem:s1], [sflag:s21] =	dma.local [hbm:s0], $0x10  }
0xae: {  	s12 =	sand.u32 $0x1FFFFFF0, s4;
	s0 =	sadd.s32 s10, s6  }
0xaf: {  	[spmem:s8], [sflag:s21] =	dma.local [hbm:s0], $0x10  }
0xb0: {  	s13 =	sand.u32 $0x1FFFFFF0, s3;
	s0 =	sadd.s32 s10, s12  }
0xb1: {  	[spmem:s9], [sflag:s21] =	dma.local [hbm:s0], $0x10  }
0xb2: {  	s15 =	sand.u32 $0x1FFFFFF0, s18;
	s0 =	sadd.s32 s10, s13  }
0xb3: {  	[spmem:s5], [sflag:s21] =	dma.local [hbm:s0], $0x10  }
0xb4: {  	s18 =	sand.u32 $0x1FFFFFF0, s11;
	s0 =	sadd.s32 s10, s15  }
0xb5: {  	[spmem:s31], [sflag:s21] =	dma.local [hbm:s0], $0x10  }
0xb6: {  	s20 =	sand.u32 $0x1FFFFFF0, s20;
	s16 =	sadd.s32 s10, s7;
	s0 =	sadd.s32 s10, s18  }
0xb7: {  	[spmem:s30], [sflag:s21] =	dma.local [hbm:s16], $0x10  }
0xb8: {  	[spmem:s28], [sflag:s21] =	dma.local [hbm:s0], $0x10  }
0xb9: {  	s22 =	sand.u32 $0x1FFFFFF0, s19;
	s0 =	sadd.s32 s10, s20  }
0xba: {  	[spmem:s26], [sflag:s21] =	dma.local [hbm:s0], $0x10  }
0xbb: {  	s0 =	sadd.s32 s10, s22  }
0xbc: {  	[spmem:s24], [sflag:s21] =	dma.local [hbm:s0], $0x10  }
0xbd: {  	_ =	swait.ge @!p0 [sflag:s17], $0x10  }
0xbe: {  	[sflag:s17] =	ssyncset.done @!p0 $0x0  }
0xbf: {  	[sflag:s17] =	ssyncadd.s32 @!p0 $0xFFFFFFF0  }
0xc0: {  	_ =	swait.ge @!p0 [sflag:s17], $0x10  }
0xc1: {  	[sflag:s17] =	ssyncset.done @!p0 $0x0  }
0xc2: {  	[sflag:s17] =	ssyncadd.s32 @!p0 $0xFFFFFFF0  }
0xc3: {  	_ =	swait.ge @!p0 [sflag:s17], $0x10  }
0xc4: {  	[sflag:s17] =	ssyncset.done @!p0 $0x0  }
0xc5: {  	[sflag:s17] =	ssyncadd.s32 @!p0 $0xFFFFFFF0  }
0xc6: {  	_ =	swait.ge @!p0 [sflag:s17], $0x10  }
0xc7: {  	[sflag:s17] =	ssyncset.done @!p0 $0x0  }
0xc8: {  	[sflag:s17] =	ssyncadd.s32 @!p0 $0xFFFFFFF0  }
0xc9: {  	_ =	swait.ge @!p0 [sflag:s17], $0x10  }
0xca: {  	[sflag:s17] =	ssyncset.done @!p0 $0x0  }
0xcb: {  	[sflag:s17] =	ssyncadd.s32 @!p0 $0xFFFFFFF0  }
0xcc: {  	_ =	swait.ge @!p0 [sflag:s17], $0x10  }
0xcd: {  	[sflag:s17] =	ssyncset.done @!p0 $0x0  }
0xce: {  	[sflag:s17] =	ssyncadd.s32 @!p0 $0xFFFFFFF0  }
0xcf: {  	_ =	swait.ge @!p0 [sflag:s17], $0x10  }
0xd0: {  	[sflag:s17] =	ssyncset.done @!p0 $0x0  }
0xd1: {  	[sflag:s17] =	ssyncadd.s32 @!p0 $0xFFFFFFF0  }
0xd2: {  	_ =	swait.ge @!p0 [sflag:s17], $0x10  }
0xd3: {  	[sflag:s17] =	ssyncset.done @!p0 $0x0  }
0xd4: {  	[sflag:s17] =	ssyncadd.s32 @!p0 $0xFFFFFFF0  }
0xd5: {  	_ =	swait.ge @!p0 [sflag:s17], $0x10  }
0xd6: {  	[sflag:s17] =	ssyncset.done @!p0 $0x0  }
0xd7: {  	[sflag:s17] =	ssyncadd.s32 @!p0 $0xFFFFFFF0  }
0xd8: {  	_ =	swait.ge @!p0 [sflag:s17], $0x10  }
0xd9: {  	[sflag:s17] =	ssyncset.done @!p0 $0x0  }
0xda: {  	[sflag:s17] =	ssyncadd.s32 @!p0 $0xFFFFFFF0  }
0xdb: {  	_ =	swait.ge @!p0 [sflag:s17], $0x10  }
0xdc: {  	[sflag:s17] =	ssyncset.done @!p0 $0x0  }
0xdd: {  	[sflag:s17] =	ssyncadd.s32 @!p0 $0xFFFFFFF0  }
0xde: {  	_ =	swait.ge @!p0 [sflag:s17], $0x10  }
0xdf: {  	[sflag:s17] =	ssyncset.done @!p0 $0x0  }
0xe0: {  	[sflag:s17] =	ssyncadd.s32 @!p0 $0xFFFFFFF0  }
0xe1: {  	_ =	swait.ge @!p0 [sflag:s17], $0x10  }
0xe2: {  	[sflag:s17] =	ssyncset.done @!p0 $0x0  }
0xe3: {  	[sflag:s17] =	ssyncadd.s32 @!p0 $0xFFFFFFF0  }
0xe4: {  	_ =	swait.ge @!p0 [sflag:s17], $0x10  }
0xe5: {  	[sflag:s17] =	ssyncset.done @!p0 $0x0  }
0xe6: {  	[sflag:s17] =	ssyncadd.s32 @!p0 $0xFFFFFFF0  }
0xe7: {  	_ =	swait.ge @!p0 [sflag:s17], $0x10  }
0xe8: {  	[sflag:s17] =	ssyncset.done @!p0 $0x0  }
0xe9: {  	[sflag:s17] =	ssyncadd.s32 @!p0 $0xFFFFFFF0  }
0xea: {  	_ =	swait.ge @!p0 [sflag:s17], $0x10  }
0xeb: {  	[sflag:s17] =	ssyncset.done @!p0 $0x0  }
0xec: {  	s23 =	simm.s32 $0x1;
	[sflag:s17] =	ssyncadd.s32 @!p0 $0xFFFFFFF0  }
0xed: {  	_ =	swait.ge [sflag:s23], $0x10  }
0xee: {  	[sflag:s23] =	ssyncset.done $0x0  }
0xef: {  	[sflag:s23] =	ssyncadd.s32 $0xFFFFFFF0  }
0xf0: {  	_ =	swait.ge [sflag:s23], $0x10  }
0xf1: {  	[sflag:s23] =	ssyncset.done $0x0  }
0xf2: {  	[sflag:s23] =	ssyncadd.s32 $0xFFFFFFF0  }
0xf3: {  	_ =	swait.ge [sflag:s23], $0x10  }
0xf4: {  	[sflag:s23] =	ssyncset.done $0x0  }
0xf5: {  	[sflag:s23] =	ssyncadd.s32 $0xFFFFFFF0  }
0xf6: {  	_ =	swait.ge [sflag:s23], $0x10  }
0xf7: {  	[sflag:s23] =	ssyncset.done $0x0  }
0xf8: {  	[sflag:s23] =	ssyncadd.s32 $0xFFFFFFF0  }
0xf9: {  	_ =	swait.ge [sflag:s23], $0x10  }
0xfa: {  	[sflag:s23] =	ssyncset.done $0x0  }
0xfb: {  	[sflag:s23] =	ssyncadd.s32 $0xFFFFFFF0  }
0xfc: {  	_ =	swait.ge [sflag:s23], $0x10  }
0xfd: {  	[sflag:s23] =	ssyncset.done $0x0  }
0xfe: {  	[sflag:s23] =	ssyncadd.s32 $0xFFFFFFF0  }
0xff: {  	_ =	swait.ge [sflag:s23], $0x10  }
0x100: {  	[sflag:s23] =	ssyncset.done $0x0  }
0x101: {  	[sflag:s23] =	ssyncadd.s32 $0xFFFFFFF0  }
0x102: {  	_ =	swait.ge [sflag:s23], $0x10  }
0x103: {  	[sflag:s23] =	ssyncset.done $0x0  }
0x104: {  	[sflag:s23] =	ssyncadd.s32 $0xFFFFFFF0  }
0x105: {  	_ =	swait.ge [sflag:s23], $0x10  }
0x106: {  	[sflag:s23] =	ssyncset.done $0x0  }
0x107: {  	[sflag:s23] =	ssyncadd.s32 $0xFFFFFFF0  }
0x108: {  	_ =	swait.ge [sflag:s23], $0x10  }
0x109: {  	[sflag:s23] =	ssyncset.done $0x0  }
0x10a: {  	[sflag:s23] =	ssyncadd.s32 $0xFFFFFFF0  }
0x10b: {  	_ =	swait.ge [sflag:s23], $0x10  }
0x10c: {  	[sflag:s23] =	ssyncset.done $0x0  }
0x10d: {  	[sflag:s23] =	ssyncadd.s32 $0xFFFFFFF0  }
0x10e: {  	_ =	swait.ge [sflag:s23], $0x10  }
0x10f: {  	[sflag:s23] =	ssyncset.done $0x0  }
0x110: {  	[sflag:s23] =	ssyncadd.s32 $0xFFFFFFF0  }
0x111: {  	_ =	swait.ge [sflag:s23], $0x10  }
0x112: {  	[sflag:s23] =	ssyncset.done $0x0  }
0x113: {  	[sflag:s23] =	ssyncadd.s32 $0xFFFFFFF0  }
0x114: {  	_ =	swait.ge [sflag:s23], $0x10  }
0x115: {  	[sflag:s23] =	ssyncset.done $0x0  }
0x116: {  	[sflag:s23] =	ssyncadd.s32 $0xFFFFFFF0  }
0x117: {  	_ =	swait.ge [sflag:s23], $0x10  }
0x118: {  	[sflag:s23] =	ssyncset.done $0x0  }
0x119: {  	[sflag:s23] =	ssyncadd.s32 $0xFFFFFFF0  }
0x11a: {  	_ =	swait.ge [sflag:s23], $0x10  }
0x11b: {  	[sflag:s23] =	ssyncset.done $0x0  }
0x11c: {  	[sflag:s23] =	ssyncadd.s32 $0xFFFFFFF0  }
0x11d: {  	_ =	swait.ge [sflag:s23], $0x10  }
0x11e: {  	[sflag:s23] =	ssyncset.done $0x0  }
0x11f: {  	[sflag:s23] =	ssyncadd.s32 $0xFFFFFFF0  }
0x120: {  	_ =	swait.ge [sflag:s23], $0x10  }
0x121: {  	[sflag:s23] =	ssyncset.done $0x0  }
0x122: {  	[sflag:s23] =	ssyncadd.s32 $0xFFFFFFF0  }
0x123: {  	_ =	swait.ge [sflag:s23], $0x10  }
0x124: {  	[sflag:s23] =	ssyncset.done $0x0  }
0x125: {  	[sflag:s23] =	ssyncadd.s32 $0xFFFFFFF0  }
0x126: {  	_ =	swait.ge [sflag:s23], $0x10  }
0x127: {  	[sflag:s23] =	ssyncset.done $0x0  }
0x128: {  	[sflag:s23] =	ssyncadd.s32 $0xFFFFFFF0  }
0x129: {  	_ =	swait.ge [sflag:s23], $0x10  }
0x12a: {  	[sflag:s23] =	ssyncset.done $0x0  }
0x12b: {  	[sflag:s23] =	ssyncadd.s32 $0xFFFFFFF0  }
0x12c: {  	_ =	swait.ge [sflag:s23], $0x10  }
0x12d: {  	[sflag:s23] =	ssyncset.done $0x0  }
0x12e: {  	[sflag:s23] =	ssyncadd.s32 $0xFFFFFFF0  }
0x12f: {  	_ =	swait.ge [sflag:s23], $0x10  }
0x130: {  	[sflag:s23] =	ssyncset.done $0x0  }
0x131: {  	[sflag:s23] =	ssyncadd.s32 $0xFFFFFFF0  }
0x132: {  	_ =	swait.ge [sflag:s23], $0x10  }
0x133: {  	[sflag:s23] =	ssyncset.done $0x0  }
0x134: {  	[sflag:s23] =	ssyncadd.s32 $0xFFFFFFF0  }
0x135: {  	_ =	swait.ge [sflag:s23], $0x10  }
0x136: {  	[sflag:s23] =	ssyncset.done $0x0  }
0x137: {  	[sflag:s23] =	ssyncadd.s32 $0xFFFFFFF0  }
0x138: {  	_ =	swait.ge [sflag:s23], $0x10  }
0x139: {  	[sflag:s23] =	ssyncset.done $0x0  }
0x13a: {  	[sflag:s23] =	ssyncadd.s32 $0xFFFFFFF0  }
0x13b: {  	_ =	swait.ge [sflag:s23], $0x10  }
0x13c: {  	[sflag:s23] =	ssyncset.done $0x0  }
0x13d: {  	[sflag:s23] =	ssyncadd.s32 $0xFFFFFFF0  }
0x13e: {  	_ =	swait.ge [sflag:s23], $0x10  }
0x13f: {  	[sflag:s23] =	ssyncset.done $0x0  }
0x140: {  	[sflag:s23] =	ssyncadd.s32 $0xFFFFFFF0  }
0x141: {  	_ =	swait.ge [sflag:s23], $0x10  }
0x142: {  	[sflag:s23] =	ssyncset.done $0x0  }
0x143: {  	[sflag:s23] =	ssyncadd.s32 $0xFFFFFFF0  }
0x144: {  	_ =	swait.ge [sflag:s23], $0x10  }
0x145: {  	[sflag:s23] =	ssyncset.done $0x0  }
0x146: {  	[sflag:s23] =	ssyncadd.s32 $0xFFFFFFF0  }
0x147: {  	_ =	swait.ge [sflag:s23], $0x10  }
0x148: {  	[sflag:s23] =	ssyncset.done $0x0  }
0x149: {  	[sflag:s23] =	ssyncadd.s32 $0xFFFFFFF0  }
0x14a: {  	_ =	swait.ge [sflag:s23], $0x10  }
0x14b: {  	[sflag:s23] =	ssyncset.done $0x0  }
0x14c: {  	[sflag:s23] =	ssyncadd.s32 $0xFFFFFFF0  }
0x14d: {  	_ =	swait.ge [sflag:s23], $0x10  }
0x14e: {  	[sflag:s23] =	ssyncset.done $0x0  }
0x14f: {  	[sflag:s23] =	ssyncadd.s32 $0xFFFFFFF0  }
0x150: {  	_ =	swait.ge [sflag:s23], $0x10  }
0x151: {  	[sflag:s23] =	ssyncset.done $0x0  }
0x152: {  	[sflag:s23] =	ssyncadd.s32 $0xFFFFFFF0  }
0x153: {  	_ =	swait.ge [sflag:s23], $0x10  }
0x154: {  	[sflag:s23] =	ssyncset.done $0x0  }
0x155: {  	[sflag:s23] =	ssyncadd.s32 $0xFFFFFFF0  }
0x156: {  	_ =	swait.ge [sflag:s23], $0x10  }
0x157: {  	[sflag:s23] =	ssyncset.done $0x0  }
0x158: {  	[sflag:s23] =	ssyncadd.s32 $0xFFFFFFF0  }
0x159: {  	_ =	swait.ge [sflag:s23], $0x10  }
0x15a: {  	[sflag:s23] =	ssyncset.done $0x0  }
0x15b: {  	[sflag:s23] =	ssyncadd.s32 $0xFFFFFFF0  }
0x15c: {  	_ =	swait.ge [sflag:s23], $0x10  }
0x15d: {  	[sflag:s23] =	ssyncset.done $0x0  }
0x15e: {  	[sflag:s23] =	ssyncadd.s32 $0xFFFFFFF0  }
0x15f: {  	_ =	swait.ge [sflag:s23], $0x10  }
0x160: {  	[sflag:s23] =	ssyncset.done $0x0  }
0x161: {  	[sflag:s23] =	ssyncadd.s32 $0xFFFFFFF0  }
0x162: {  	_ =	swait.ge [sflag:s23], $0x10  }
0x163: {  	[sflag:s23] =	ssyncset.done $0x0  }
0x164: {  	[sflag:s23] =	ssyncadd.s32 $0xFFFFFFF0  }
0x165: {  	_ =	swait.ge [sflag:s23], $0x10  }
0x166: {  	[sflag:s23] =	ssyncset.done $0x0  }
0x167: {  	[sflag:s23] =	ssyncadd.s32 $0xFFFFFFF0  }
0x168: {  	_ =	swait.ge [sflag:s23], $0x10  }
0x169: {  	[sflag:s23] =	ssyncset.done $0x0  }
0x16a: {  	[sflag:s23] =	ssyncadd.s32 $0xFFFFFFF0  }
0x16b: {  	_ =	swait.ge [sflag:s23], $0x10  }
0x16c: {  	[sflag:s23] =	ssyncset.done $0x0  }
0x16d: {  	[sflag:s23] =	ssyncadd.s32 $0xFFFFFFF0  }
0x16e: {  	_ =	swait.ge [sflag:s23], $0x10  }
0x16f: {  	[sflag:s23] =	ssyncset.done $0x0  }
0x170: {  	[sflag:s23] =	ssyncadd.s32 $0xFFFFFFF0  }
0x171: {  	_ =	swait.ge [sflag:s23], $0x10  }
0x172: {  	[sflag:s23] =	ssyncset.done $0x0  }
0x173: {  	[sflag:s23] =	ssyncadd.s32 $0xFFFFFFF0  }
0x174: {  	_ =	swait.ge [sflag:s23], $0x10  }
0x175: {  	[sflag:s23] =	ssyncset.done $0x0  }
0x176: {  	[sflag:s23] =	ssyncadd.s32 $0xFFFFFFF0  }
0x177: {  	_ =	swait.ge [sflag:s23], $0x10  }
0x178: {  	[sflag:s23] =	ssyncset.done $0x0  }
0x179: {  	[sflag:s23] =	ssyncadd.s32 $0xFFFFFFF0  }
0x17a: {  	_ =	swait.ge [sflag:s23], $0x10  }
0x17b: {  	[sflag:s23] =	ssyncset.done $0x0  }
0x17c: {  	[sflag:s23] =	ssyncadd.s32 $0xFFFFFFF0  }
0x17d: {  	_ =	swait.ge [sflag:s23], $0x10  }
0x17e: {  	[sflag:s23] =	ssyncset.done $0x0  }
0x17f: {  	[sflag:s23] =	ssyncadd.s32 $0xFFFFFFF0  }
0x180: {  	_ =	swait.ge [sflag:s23], $0x10  }
0x181: {  	[sflag:s23] =	ssyncset.done $0x0  }
0x182: {  	[sflag:s23] =	ssyncadd.s32 $0xFFFFFFF0  }
0x183: {  	_ =	swait.ge [sflag:s23], $0x10  }
0x184: {  	[sflag:s23] =	ssyncset.done $0x0  }
0x185: {  	[sflag:s23] =	ssyncadd.s32 $0xFFFFFFF0  }
0x186: {  	_ =	swait.ge [sflag:s23], $0x10  }
0x187: {  	[sflag:s23] =	ssyncset.done $0x0  }
0x188: {  	[sflag:s23] =	ssyncadd.s32 $0xFFFFFFF0  }
0x189: {  	_ =	swait.ge [sflag:s23], $0x10  }
0x18a: {  	[sflag:s23] =	ssyncset.done $0x0  }
0x18b: {  	[sflag:s23] =	ssyncadd.s32 $0xFFFFFFF0  }
0x18c: {  	_ =	swait.ge [sflag:s23], $0x10  }
0x18d: {  	[sflag:s23] =	ssyncset.done $0x0  }
0x18e: {  	[sflag:s23] =	ssyncadd.s32 $0xFFFFFFF0  }
0x18f: {  	_ =	swait.ge [sflag:s23], $0x10  }
0x190: {  	[sflag:s23] =	ssyncset.done $0x0  }
0x191: {  	[sflag:s23] =	ssyncadd.s32 $0xFFFFFFF0  }
0x192: {  	_ =	swait.ge [sflag:s23], $0x10  }
0x193: {  	[sflag:s23] =	ssyncset.done $0x0  }
0x194: {  	[sflag:s23] =	ssyncadd.s32 $0xFFFFFFF0  }
0x195: {  	_ =	swait.ge [sflag:s23], $0x10  }
0x196: {  	[sflag:s23] =	ssyncset.done $0x0  }
0x197: {  	[sflag:s23] =	ssyncadd.s32 $0xFFFFFFF0  }
0x198: {  	_ =	swait.ge [sflag:s23], $0x10  }
0x199: {  	[sflag:s23] =	ssyncset.done $0x0  }
0x19a: {  	[sflag:s23] =	ssyncadd.s32 $0xFFFFFFF0  }
0x19b: {  	_ =	swait.ge [sflag:s23], $0x10  }
0x19c: {  	[sflag:s23] =	ssyncset.done $0x0  }
0x19d: {  	[sflag:s23] =	ssyncadd.s32 $0xFFFFFFF0  }
0x19e: {  	_ =	swait.ge [sflag:s23], $0x10  }
0x19f: {  	[sflag:s23] =	ssyncset.done $0x0  }
0x1a0: {  	[sflag:s23] =	ssyncadd.s32 $0xFFFFFFF0  }
0x1a1: {  	_ =	swait.ge [sflag:s23], $0x10  }
0x1a2: {  	[sflag:s23] =	ssyncset.done $0x0  }
0x1a3: {  	[sflag:s23] =	ssyncadd.s32 $0xFFFFFFF0  }
0x1a4: {  	_ =	swait.ge [sflag:s23], $0x10  }
0x1a5: {  	[sflag:s23] =	ssyncset.done $0x0  }
0x1a6: {  	[sflag:s23] =	ssyncadd.s32 $0xFFFFFFF0  }
0x1a7: {  	_ =	swait.ge [sflag:s23], $0x10  }
0x1a8: {  	[sflag:s23] =	ssyncset.done $0x0  }
0x1a9: {  	[sflag:s23] =	ssyncadd.s32 $0xFFFFFFF0  }
0x1aa: {  	_ =	swait.ge [sflag:s23], $0x10  }
0x1ab: {  	[sflag:s23] =	ssyncset.done $0x0  }
0x1ac: {  	[sflag:s23] =	ssyncadd.s32 $0xFFFFFFF0  }
0x1ad: {  	_ =	swait.ge [sflag:s23], $0x10  }
0x1ae: {  	[sflag:s23] =	ssyncset.done $0x0  }
0x1af: {  	[sflag:s23] =	ssyncadd.s32 $0xFFFFFFF0  }
0x1b0: {  	_ =	swait.ge [sflag:s23], $0x10  }
0x1b1: {  	[sflag:s23] =	ssyncset.done $0x0  }
0x1b2: {  	[sflag:s23] =	ssyncadd.s32 $0xFFFFFFF0  }
0x1b3: {  	_ =	swait.ge [sflag:s23], $0x10  }
0x1b4: {  	[sflag:s23] =	ssyncset.done $0x0  }
0x1b5: {  	[sflag:s23] =	ssyncadd.s32 $0xFFFFFFF0  }
0x1b6: {  	_ =	swait.ge [sflag:s23], $0x10  }
0x1b7: {  	[sflag:s23] =	ssyncset.done $0x0  }
0x1b8: {  	[sflag:s23] =	ssyncadd.s32 $0xFFFFFFF0  }
0x1b9: {  	_ =	swait.ge [sflag:s23], $0x10  }
0x1ba: {  	[sflag:s23] =	ssyncset.done $0x0  }
0x1bb: {  	[sflag:s23] =	ssyncadd.s32 $0xFFFFFFF0  }
0x1bc: {  	_ =	swait.ge [sflag:s23], $0x10  }
0x1bd: {  	[sflag:s23] =	ssyncset.done $0x0  }
0x1be: {  	[sflag:s23] =	ssyncadd.s32 $0xFFFFFFF0  }
0x1bf: {  	_ =	swait.ge [sflag:s23], $0x10  }
0x1c0: {  	[sflag:s23] =	ssyncset.done $0x0  }
0x1c1: {  	[sflag:s23] =	ssyncadd.s32 $0xFFFFFFF0  }
0x1c2: {  	_ =	swait.ge [sflag:s23], $0x10  }
0x1c3: {  	[sflag:s23] =	ssyncset.done $0x0  }
0x1c4: {  	[sflag:s23] =	ssyncadd.s32 $0xFFFFFFF0  }
0x1c5: {  	_ =	swait.ge [sflag:s23], $0x10  }
0x1c6: {  	[sflag:s23] =	ssyncset.done $0x0  }
0x1c7: {  	[sflag:s23] =	ssyncadd.s32 $0xFFFFFFF0  }
0x1c8: {  	_ =	swait.ge [sflag:s23], $0x10  }
0x1c9: {  	[sflag:s23] =	ssyncset.done $0x0  }
0x1ca: {  	[sflag:s23] =	ssyncadd.s32 $0xFFFFFFF0  }
0x1cb: {  	_ =	swait.ge [sflag:s23], $0x10  }
0x1cc: {  	[sflag:s23] =	ssyncset.done $0x0  }
0x1cd: {  	[sflag:s23] =	ssyncadd.s32 $0xFFFFFFF0  }
0x1ce: {  	_ =	swait.ge [sflag:s23], $0x10  }
0x1cf: {  	[sflag:s23] =	ssyncset.done $0x0  }
0x1d0: {  	[sflag:s23] =	ssyncadd.s32 $0xFFFFFFF0  }
0x1d1: {  	_ =	swait.ge [sflag:s23], $0x10  }
0x1d2: {  	[sflag:s23] =	ssyncset.done $0x0  }
0x1d3: {  	[sflag:s23] =	ssyncadd.s32 $0xFFFFFFF0  }
0x1d4: {  	_ =	swait.ge [sflag:s23], $0x10  }
0x1d5: {  	[sflag:s23] =	ssyncset.done $0x0  }
0x1d6: {  	[sflag:s23] =	ssyncadd.s32 $0xFFFFFFF0  }
0x1d7: {  	_ =	swait.ge [sflag:s23], $0x10  }
0x1d8: {  	[sflag:s23] =	ssyncset.done $0x0  }
0x1d9: {  	[sflag:s23] =	ssyncadd.s32 $0xFFFFFFF0  }
0x1da: {  	_ =	swait.ge [sflag:s23], $0x10  }
0x1db: {  	[sflag:s23] =	ssyncset.done $0x0  }
0x1dc: {  	[sflag:s23] =	ssyncadd.s32 $0xFFFFFFF0  }
0x1dd: {  	_ =	swait.ge [sflag:s23], $0x10  }
0x1de: {  	[sflag:s23] =	ssyncset.done $0x0  }
0x1df: {  	[sflag:s23] =	ssyncadd.s32 $0xFFFFFFF0  }
0x1e0: {  	_ =	swait.ge [sflag:s23], $0x10  }
0x1e1: {  	[sflag:s23] =	ssyncset.done $0x0  }
0x1e2: {  	[sflag:s23] =	ssyncadd.s32 $0xFFFFFFF0  }
0x1e3: {  	_ =	swait.ge [sflag:s23], $0x10  }
0x1e4: {  	[sflag:s23] =	ssyncset.done $0x0  }
0x1e5: {  	[sflag:s23] =	ssyncadd.s32 $0xFFFFFFF0  }
0x1e6: {  	_ =	swait.ge [sflag:s23], $0x10  }
0x1e7: {  	[sflag:s23] =	ssyncset.done $0x0  }
0x1e8: {  	[sflag:s23] =	ssyncadd.s32 $0xFFFFFFF0  }
0x1e9: {  	_ =	swait.ge [sflag:s23], $0x10  }
0x1ea: {  	[sflag:s23] =	ssyncset.done $0x0  }
0x1eb: {  	[sflag:s23] =	ssyncadd.s32 $0xFFFFFFF0  }
0x1ec: {  	_ =	swait.ge [sflag:s23], $0x10  }
0x1ed: {  	[sflag:s23] =	ssyncset.done $0x0  }
0x1ee: {  	[sflag:s23] =	ssyncadd.s32 $0xFFFFFFF0  }
0x1ef: {  	_ =	swait.ge [sflag:s23], $0x10  }
0x1f0: {  	[sflag:s23] =	ssyncset.done $0x0  }
0x1f1: {  	[sflag:s23] =	ssyncadd.s32 $0xFFFFFFF0  }
0x1f2: {  	_ =	swait.ge [sflag:s23], $0x10  }
0x1f3: {  	[sflag:s23] =	ssyncset.done $0x0  }
0x1f4: {  	[sflag:s23] =	ssyncadd.s32 $0xFFFFFFF0  }
0x1f5: {  	_ =	swait.ge [sflag:s23], $0x10  }
0x1f6: {  	[sflag:s23] =	ssyncset.done $0x0  }
0x1f7: {  	[sflag:s23] =	ssyncadd.s32 $0xFFFFFFF0  }
0x1f8: {  	_ =	swait.ge [sflag:s23], $0x10  }
0x1f9: {  	[sflag:s23] =	ssyncset.done $0x0  }
0x1fa: {  	[sflag:s23] =	ssyncadd.s32 $0xFFFFFFF0  }
0x1fb: {  	_ =	swait.ge [sflag:s23], $0x10  }
0x1fc: {  	[sflag:s23] =	ssyncset.done $0x0  }
0x1fd: {  	[sflag:s23] =	ssyncadd.s32 $0xFFFFFFF0  }
0x1fe: {  	_ =	swait.ge [sflag:s23], $0x10  }
0x1ff: {  	[sflag:s23] =	ssyncset.done $0x0  }
0x200: {  	[sflag:s23] =	ssyncadd.s32 $0xFFFFFFF0  }
0x201: {  	_ =	swait.ge [sflag:s23], $0x10  }
0x202: {  	[sflag:s23] =	ssyncset.done $0x0  }
0x203: {  	[sflag:s23] =	ssyncadd.s32 $0xFFFFFFF0  }
0x204: {  	_ =	swait.ge [sflag:s23], $0x10  }
0x205: {  	[sflag:s23] =	ssyncset.done $0x0  }
0x206: {  	[sflag:s23] =	ssyncadd.s32 $0xFFFFFFF0  }
0x207: {  	_ =	swait.ge [sflag:s23], $0x10  }
0x208: {  	[sflag:s23] =	ssyncset.done $0x0  }
0x209: {  	[sflag:s23] =	ssyncadd.s32 $0xFFFFFFF0  }
0x20a: {  	_ =	swait.ge [sflag:s23], $0x10  }
0x20b: {  	[sflag:s23] =	ssyncset.done $0x0  }
0x20c: {  	[sflag:s23] =	ssyncadd.s32 $0xFFFFFFF0  }
0x20d: {  	_ =	swait.ge [sflag:s23], $0x10  }
0x20e: {  	[sflag:s23] =	ssyncset.done $0x0  }
0x20f: {  	[sflag:s23] =	ssyncadd.s32 $0xFFFFFFF0  }
0x210: {  	_ =	swait.ge [sflag:s23], $0x10  }
0x211: {  	[sflag:s23] =	ssyncset.done $0x0  }
0x212: {  	[sflag:s23] =	ssyncadd.s32 $0xFFFFFFF0  }
0x213: {  	_ =	swait.ge [sflag:s23], $0x10  }
0x214: {  	[sflag:s23] =	ssyncset.done $0x0  }
0x215: {  	[sflag:s23] =	ssyncadd.s32 $0xFFFFFFF0  }
0x216: {  	_ =	swait.ge [sflag:s23], $0x10  }
0x217: {  	[sflag:s23] =	ssyncset.done $0x0  }
0x218: {  	[sflag:s23] =	ssyncadd.s32 $0xFFFFFFF0  }
0x219: {  	_ =	swait.ge [sflag:s23], $0x10  }
0x21a: {  	[sflag:s23] =	ssyncset.done $0x0  }
0x21b: {  	[sflag:s23] =	ssyncadd.s32 $0xFFFFFFF0  }
0x21c: {  	_ =	swait.ge [sflag:s23], $0x10  }
0x21d: {  	[sflag:s23] =	ssyncset.done $0x0  }
0x21e: {  	[sflag:s23] =	ssyncadd.s32 $0xFFFFFFF0  }
0x21f: {  	_ =	swait.ge [sflag:s23], $0x10  }
0x220: {  	[sflag:s23] =	ssyncset.done $0x0  }
0x221: {  	[sflag:s23] =	ssyncadd.s32 $0xFFFFFFF0  }
0x222: {  	_ =	swait.ge [sflag:s23], $0x10  }
0x223: {  	[sflag:s23] =	ssyncset.done $0x0  }
0x224: {  	[sflag:s23] =	ssyncadd.s32 $0xFFFFFFF0  }
0x225: {  	_ =	swait.ge [sflag:s23], $0x10  }
0x226: {  	[sflag:s23] =	ssyncset.done $0x0  }
0x227: {  	[sflag:s23] =	ssyncadd.s32 $0xFFFFFFF0  }
0x228: {  	_ =	swait.ge [sflag:s23], $0x10  }
0x229: {  	[sflag:s23] =	ssyncset.done $0x0  }
0x22a: {  	[sflag:s23] =	ssyncadd.s32 $0xFFFFFFF0  }
0x22b: {  	_ =	swait.ge [sflag:s23], $0x10  }
0x22c: {  	[sflag:s23] =	ssyncset.done $0x0  }
0x22d: {  	[sflag:s23] =	ssyncadd.s32 $0xFFFFFFF0  }
0x22e: {  	_ =	swait.ge [sflag:s23], $0x10  }
0x22f: {  	[sflag:s23] =	ssyncset.done $0x0  }
0x230: {  	[sflag:s23] =	ssyncadd.s32 $0xFFFFFFF0  }
0x231: {  	_ =	swait.ge [sflag:s23], $0x10  }
0x232: {  	[sflag:s23] =	ssyncset.done $0x0  }
0x233: {  	[sflag:s23] =	ssyncadd.s32 $0xFFFFFFF0  }
0x234: {  	_ =	swait.ge [sflag:s23], $0x10  }
0x235: {  	[sflag:s23] =	ssyncset.done $0x0  }
0x236: {  	[sflag:s23] =	ssyncadd.s32 $0xFFFFFFF0  }
0x237: {  	_ =	swait.ge [sflag:s23], $0x10  }
0x238: {  	[sflag:s23] =	ssyncset.done $0x0  }
0x239: {  	[sflag:s23] =	ssyncadd.s32 $0xFFFFFFF0  }
0x23a: {  	_ =	swait.ge [sflag:s23], $0x10  }
0x23b: {  	[sflag:s23] =	ssyncset.done $0x0  }
0x23c: {  	[sflag:s23] =	ssyncadd.s32 $0xFFFFFFF0  }
0x23d: {  	_ =	swait.ge [sflag:s23], $0x10  }
0x23e: {  	[sflag:s23] =	ssyncset.done $0x0  }
0x23f: {  	[sflag:s23] =	ssyncadd.s32 $0xFFFFFFF0  }
0x240: {  	_ =	swait.ge [sflag:s23], $0x10  }
0x241: {  	[sflag:s23] =	ssyncset.done $0x0  }
0x242: {  	[sflag:s23] =	ssyncadd.s32 $0xFFFFFFF0  }
0x243: {  	_ =	swait.ge [sflag:s23], $0x10  }
0x244: {  	[sflag:s23] =	ssyncset.done $0x0  }
0x245: {  	[sflag:s23] =	ssyncadd.s32 $0xFFFFFFF0  }
0x246: {  	_ =	swait.ge [sflag:s23], $0x10  }
0x247: {  	[sflag:s23] =	ssyncset.done $0x0  }
0x248: {  	[sflag:s23] =	ssyncadd.s32 $0xFFFFFFF0  }
0x249: {  	_ =	swait.ge [sflag:s23], $0x10  }
0x24a: {  	[sflag:s23] =	ssyncset.done $0x0  }
0x24b: {  	[sflag:s23] =	ssyncadd.s32 $0xFFFFFFF0  }
0x24c: {  	_ =	swait.ge [sflag:s23], $0x10  }
0x24d: {  	[sflag:s23] =	ssyncset.done $0x0  }
0x24e: {  	[sflag:s23] =	ssyncadd.s32 $0xFFFFFFF0  }
0x24f: {  	_ =	swait.ge [sflag:s23], $0x10  }
0x250: {  	[sflag:s23] =	ssyncset.done $0x0  }
0x251: {  	[sflag:s23] =	ssyncadd.s32 $0xFFFFFFF0  }
0x252: {  	_ =	swait.ge [sflag:s23], $0x10  }
0x253: {  	[sflag:s23] =	ssyncset.done $0x0  }
0x254: {  	[sflag:s23] =	ssyncadd.s32 $0xFFFFFFF0  }
0x255: {  	_ =	swait.ge [sflag:s23], $0x10  }
0x256: {  	[sflag:s23] =	ssyncset.done $0x0  }
0x257: {  	[sflag:s23] =	ssyncadd.s32 $0xFFFFFFF0  }
0x258: {  	_ =	swait.ge [sflag:s23], $0x10  }
0x259: {  	[sflag:s23] =	ssyncset.done $0x0  }
0x25a: {  	[sflag:s23] =	ssyncadd.s32 $0xFFFFFFF0  }
0x25b: {  	_ =	swait.ge [sflag:s23], $0x10  }
0x25c: {  	[sflag:s23] =	ssyncset.done $0x0  }
0x25d: {  	[sflag:s23] =	ssyncadd.s32 $0xFFFFFFF0  }
0x25e: {  	_ =	swait.ge [sflag:s23], $0x10  }
0x25f: {  	[sflag:s23] =	ssyncset.done $0x0  }
0x260: {  	[sflag:s23] =	ssyncadd.s32 $0xFFFFFFF0  }
0x261: {  	_ =	swait.ge [sflag:s23], $0x10  }
0x262: {  	[sflag:s23] =	ssyncset.done $0x0  }
0x263: {  	[sflag:s23] =	ssyncadd.s32 $0xFFFFFFF0  }
0x264: {  	_ =	swait.ge [sflag:s23], $0x10  }
0x265: {  	[sflag:s23] =	ssyncset.done $0x0  }
0x266: {  	[sflag:s23] =	ssyncadd.s32 $0xFFFFFFF0  }
0x267: {  	_ =	swait.ge [sflag:s23], $0x10  }
0x268: {  	[sflag:s23] =	ssyncset.done $0x0  }
0x269: {  	[sflag:s23] =	ssyncadd.s32 $0xFFFFFFF0  }
0x26a: {  	_ =	swait.ge [sflag:s23], $0x10  }
0x26b: {  	[sflag:s23] =	ssyncset.done $0x0  }
0x26c: {  	[sflag:s23] =	ssyncadd.s32 $0xFFFFFFF0  }
0x26d: {  	_ =	swait.ge [sflag:s23], $0x10  }
0x26e: {  	[sflag:s23] =	ssyncset.done $0x0  }
0x26f: {  	[sflag:s23] =	ssyncadd.s32 $0xFFFFFFF0  }
0x270: {  	_ =	swait.ge [sflag:s23], $0x10  }
0x271: {  	[sflag:s23] =	ssyncset.done $0x0  }
0x272: {  	[sflag:s23] =	ssyncadd.s32 $0xFFFFFFF0  }
0x273: {  	_ =	swait.ge [sflag:s23], $0x10  }
0x274: {  	[sflag:s23] =	ssyncset.done $0x0  }
0x275: {  	[sflag:s23] =	ssyncadd.s32 $0xFFFFFFF0  }
0x276: {  	_ =	swait.ge [sflag:s23], $0x10  }
0x277: {  	[sflag:s23] =	ssyncset.done $0x0  }
0x278: {  	[sflag:s23] =	ssyncadd.s32 $0xFFFFFFF0  }
0x279: {  	_ =	swait.ge [sflag:s23], $0x10  }
0x27a: {  	[sflag:s23] =	ssyncset.done $0x0  }
0x27b: {  	[sflag:s23] =	ssyncadd.s32 $0xFFFFFFF0  }
0x27c: {  	_ =	swait.ge [sflag:s23], $0x10  }
0x27d: {  	[sflag:s23] =	ssyncset.done $0x0  }
0x27e: {  	[sflag:s23] =	ssyncadd.s32 $0xFFFFFFF0  }
0x27f: {  	_ =	swait.ge [sflag:s23], $0x10  }
0x280: {  	[sflag:s23] =	ssyncset.done $0x0  }
0x281: {  	[sflag:s23] =	ssyncadd.s32 $0xFFFFFFF0  }
0x282: {  	_ =	swait.ge [sflag:s23], $0x10  }
0x283: {  	[sflag:s23] =	ssyncset.done $0x0  }
0x284: {  	[sflag:s23] =	ssyncadd.s32 $0xFFFFFFF0  }
0x285: {  	_ =	swait.ge [sflag:s23], $0x10  }
0x286: {  	[sflag:s23] =	ssyncset.done $0x0  }
0x287: {  	[sflag:s23] =	ssyncadd.s32 $0xFFFFFFF0  }
0x288: {  	_ =	swait.ge [sflag:s23], $0x10  }
0x289: {  	[sflag:s23] =	ssyncset.done $0x0  }
0x28a: {  	[sflag:s23] =	ssyncadd.s32 $0xFFFFFFF0  }
0x28b: {  	_ =	swait.ge [sflag:s23], $0x10  }
0x28c: {  	[sflag:s23] =	ssyncset.done $0x0  }
0x28d: {  	[sflag:s23] =	ssyncadd.s32 $0xFFFFFFF0  }
0x28e: {  	_ =	swait.ge [sflag:s23], $0x10  }
0x28f: {  	[sflag:s23] =	ssyncset.done $0x0  }
0x290: {  	[sflag:s23] =	ssyncadd.s32 $0xFFFFFFF0  }
0x291: {  	_ =	swait.ge [sflag:s23], $0x10  }
0x292: {  	[sflag:s23] =	ssyncset.done $0x0  }
0x293: {  	[sflag:s23] =	ssyncadd.s32 $0xFFFFFFF0  }
0x294: {  	_ =	swait.ge [sflag:s23], $0x10  }
0x295: {  	[sflag:s23] =	ssyncset.done $0x0  }
0x296: {  	[sflag:s23] =	ssyncadd.s32 $0xFFFFFFF0  }
0x297: {  	_ =	swait.ge [sflag:s23], $0x10  }
0x298: {  	[sflag:s23] =	ssyncset.done $0x0  }
0x299: {  	[sflag:s23] =	ssyncadd.s32 $0xFFFFFFF0  }
0x29a: {  	_ =	swait.ge [sflag:s23], $0x10  }
0x29b: {  	[sflag:s23] =	ssyncset.done $0x0  }
0x29c: {  	[sflag:s23] =	ssyncadd.s32 $0xFFFFFFF0  }
0x29d: {  	_ =	swait.ge [sflag:s23], $0x10  }
0x29e: {  	[sflag:s23] =	ssyncset.done $0x0  }
0x29f: {  	[sflag:s23] =	ssyncadd.s32 $0xFFFFFFF0  }
0x2a0: {  	_ =	swait.ge [sflag:s23], $0x10  }
0x2a1: {  	[sflag:s23] =	ssyncset.done $0x0  }
0x2a2: {  	[sflag:s23] =	ssyncadd.s32 $0xFFFFFFF0  }
0x2a3: {  	_ =	swait.ge [sflag:s23], $0x10  }
0x2a4: {  	[sflag:s23] =	ssyncset.done $0x0  }
0x2a5: {  	[sflag:s23] =	ssyncadd.s32 $0xFFFFFFF0  }
0x2a6: {  	_ =	swait.ge [sflag:s23], $0x10  }
0x2a7: {  	[sflag:s23] =	ssyncset.done $0x0  }
0x2a8: {  	[sflag:s23] =	ssyncadd.s32 $0xFFFFFFF0  }
0x2a9: {  	_ =	swait.ge [sflag:s23], $0x10  }
0x2aa: {  	[sflag:s23] =	ssyncset.done $0x0  }
0x2ab: {  	[sflag:s23] =	ssyncadd.s32 $0xFFFFFFF0  }
0x2ac: {  	_ =	swait.ge [sflag:s23], $0x10  }
0x2ad: {  	[sflag:s23] =	ssyncset.done $0x0  }
0x2ae: {  	[sflag:s23] =	ssyncadd.s32 $0xFFFFFFF0  }
0x2af: {  	_ =	swait.ge [sflag:s23], $0x10  }
0x2b0: {  	[sflag:s23] =	ssyncset.done $0x0  }
0x2b1: {  	[sflag:s23] =	ssyncadd.s32 $0xFFFFFFF0  }
0x2b2: {  	_ =	swait.ge [sflag:s23], $0x10  }
0x2b3: {  	[sflag:s23] =	ssyncset.done $0x0  }
0x2b4: {  	[sflag:s23] =	ssyncadd.s32 $0xFFFFFFF0  }
0x2b5: {  	_ =	swait.ge [sflag:s23], $0x10  }
0x2b6: {  	[sflag:s23] =	ssyncset.done $0x0  }
0x2b7: {  	[sflag:s23] =	ssyncadd.s32 $0xFFFFFFF0  }
0x2b8: {  	_ =	swait.ge [sflag:s23], $0x10  }
0x2b9: {  	[sflag:s23] =	ssyncset.done $0x0  }
0x2ba: {  	[sflag:s23] =	ssyncadd.s32 $0xFFFFFFF0  }
0x2bb: {  	_ =	swait.ge [sflag:s23], $0x10  }
0x2bc: {  	[sflag:s23] =	ssyncset.done $0x0  }
0x2bd: {  	[sflag:s23] =	ssyncadd.s32 $0xFFFFFFF0  }
0x2be: {  	_ =	swait.ge [sflag:s23], $0x10  }
0x2bf: {  	[sflag:s23] =	ssyncset.done $0x0  }
0x2c0: {  	[sflag:s23] =	ssyncadd.s32 $0xFFFFFFF0  }
0x2c1: {  	_ =	swait.ge [sflag:s23], $0x10  }
0x2c2: {  	[sflag:s23] =	ssyncset.done $0x0  }
0x2c3: {  	[sflag:s23] =	ssyncadd.s32 $0xFFFFFFF0  }
0x2c4: {  	_ =	swait.ge [sflag:s23], $0x10  }
0x2c5: {  	[sflag:s23] =	ssyncset.done $0x0  }
0x2c6: {  	[sflag:s23] =	ssyncadd.s32 $0xFFFFFFF0  }
0x2c7: {  	_ =	swait.ge [sflag:s23], $0x10  }
0x2c8: {  	[sflag:s23] =	ssyncset.done $0x0  }
0x2c9: {  	[sflag:s23] =	ssyncadd.s32 $0xFFFFFFF0  }
0x2ca: {  	_ =	swait.ge [sflag:s23], $0x10  }
0x2cb: {  	[sflag:s23] =	ssyncset.done $0x0  }
0x2cc: {  	[sflag:s23] =	ssyncadd.s32 $0xFFFFFFF0  }
0x2cd: {  	_ =	swait.ge [sflag:s23], $0x10  }
0x2ce: {  	[sflag:s23] =	ssyncset.done $0x0  }
0x2cf: {  	[sflag:s23] =	ssyncadd.s32 $0xFFFFFFF0  }
0x2d0: {  	_ =	swait.ge [sflag:s23], $0x10  }
0x2d1: {  	[sflag:s23] =	ssyncset.done $0x0  }
0x2d2: {  	[sflag:s23] =	ssyncadd.s32 $0xFFFFFFF0  }
0x2d3: {  	_ =	swait.ge [sflag:s23], $0x10  }
0x2d4: {  	[sflag:s23] =	ssyncset.done $0x0  }
0x2d5: {  	[sflag:s23] =	ssyncadd.s32 $0xFFFFFFF0  }
0x2d6: {  	_ =	swait.ge [sflag:s23], $0x10  }
0x2d7: {  	[sflag:s23] =	ssyncset.done $0x0  }
0x2d8: {  	[sflag:s23] =	ssyncadd.s32 $0xFFFFFFF0  }
0x2d9: {  	_ =	swait.ge [sflag:s23], $0x10  }
0x2da: {  	[sflag:s23] =	ssyncset.done $0x0  }
0x2db: {  	[sflag:s23] =	ssyncadd.s32 $0xFFFFFFF0  }
0x2dc: {  	_ =	swait.ge [sflag:s23], $0x10  }
0x2dd: {  	[sflag:s23] =	ssyncset.done $0x0  }
0x2de: {  	[sflag:s23] =	ssyncadd.s32 $0xFFFFFFF0  }
0x2df: {  	_ =	swait.ge [sflag:s23], $0x10  }
0x2e0: {  	[sflag:s23] =	ssyncset.done $0x0  }
0x2e1: {  	[sflag:s23] =	ssyncadd.s32 $0xFFFFFFF0  }
0x2e2: {  	_ =	swait.ge [sflag:s23], $0x10  }
0x2e3: {  	[sflag:s23] =	ssyncset.done $0x0  }
0x2e4: {  	[sflag:s23] =	ssyncadd.s32 $0xFFFFFFF0  }
0x2e5: {  	_ =	swait.ge [sflag:s23], $0x10  }
0x2e6: {  	[sflag:s23] =	ssyncset.done $0x0  }
0x2e7: {  	[sflag:s23] =	ssyncadd.s32 $0xFFFFFFF0  }
0x2e8: {  	_ =	swait.ge [sflag:s23], $0x10  }
0x2e9: {  	[sflag:s23] =	ssyncset.done $0x0  }
0x2ea: {  	[sflag:s23] =	ssyncadd.s32 $0xFFFFFFF0  }
0x2eb: {  	_ =	swait.ge [sflag:s23], $0x10  }
0x2ec: {  	[sflag:s23] =	ssyncset.done $0x0  }
0x2ed: {  	[sflag:s23] =	ssyncadd.s32 $0xFFFFFFF0  }
0x2ee: {  	_ =	swait.ge [sflag:s23], $0x10  }
0x2ef: {  	[sflag:s23] =	ssyncset.done $0x0  }
0x2f0: {  	[sflag:s23] =	ssyncadd.s32 $0xFFFFFFF0  }
0x2f1: {  	_ =	swait.ge [sflag:s23], $0x10  }
0x2f2: {  	[sflag:s23] =	ssyncset.done $0x0  }
0x2f3: {  	[sflag:s23] =	ssyncadd.s32 $0xFFFFFFF0  }
0x2f4: {  	_ =	swait.ge [sflag:s23], $0x10  }
0x2f5: {  	[sflag:s23] =	ssyncset.done $0x0  }
0x2f6: {  	[sflag:s23] =	ssyncadd.s32 $0xFFFFFFF0  }
0x2f7: {  	_ =	swait.ge [sflag:s23], $0x10  }
0x2f8: {  	[sflag:s23] =	ssyncset.done $0x0  }
0x2f9: {  	[sflag:s23] =	ssyncadd.s32 $0xFFFFFFF0  }
0x2fa: {  	_ =	swait.ge [sflag:s23], $0x10  }
0x2fb: {  	[sflag:s23] =	ssyncset.done $0x0  }
0x2fc: {  	[sflag:s23] =	ssyncadd.s32 $0xFFFFFFF0  }
0x2fd: {  	_ =	swait.ge [sflag:s23], $0x10  }
0x2fe: {  	[sflag:s23] =	ssyncset.done $0x0  }
0x2ff: {  	[sflag:s23] =	ssyncadd.s32 $0xFFFFFFF0  }
0x300: {  	_ =	swait.ge [sflag:s23], $0x10  }
0x301: {  	[sflag:s23] =	ssyncset.done $0x0  }
0x302: {  	[sflag:s23] =	ssyncadd.s32 $0xFFFFFFF0  }
0x303: {  	_ =	swait.ge [sflag:s23], $0x10  }
0x304: {  	[sflag:s23] =	ssyncset.done $0x0  }
0x305: {  	[sflag:s23] =	ssyncadd.s32 $0xFFFFFFF0  }
0x306: {  	_ =	swait.ge [sflag:s23], $0x10  }
0x307: {  	[sflag:s23] =	ssyncset.done $0x0  }
0x308: {  	[sflag:s23] =	ssyncadd.s32 $0xFFFFFFF0  }
0x309: {  	_ =	swait.ge [sflag:s23], $0x10  }
0x30a: {  	[sflag:s23] =	ssyncset.done $0x0  }
0x30b: {  	[sflag:s23] =	ssyncadd.s32 $0xFFFFFFF0  }
0x30c: {  	_ =	swait.ge [sflag:s23], $0x10  }
0x30d: {  	[sflag:s23] =	ssyncset.done $0x0  }
0x30e: {  	[sflag:s23] =	ssyncadd.s32 $0xFFFFFFF0  }
0x30f: {  	_ =	swait.ge [sflag:s23], $0x10  }
0x310: {  	[sflag:s23] =	ssyncset.done $0x0  }
0x311: {  	[sflag:s23] =	ssyncadd.s32 $0xFFFFFFF0  }
0x312: {  	_ =	swait.ge [sflag:s23], $0x10  }
0x313: {  	[sflag:s23] =	ssyncset.done $0x0  }
0x314: {  	[sflag:s23] =	ssyncadd.s32 $0xFFFFFFF0  }
0x315: {  	_ =	swait.ge [sflag:s23], $0x10  }
0x316: {  	[sflag:s23] =	ssyncset.done $0x0  }
0x317: {  	[sflag:s23] =	ssyncadd.s32 $0xFFFFFFF0  }
0x318: {  	_ =	swait.ge [sflag:s23], $0x10  }
0x319: {  	[sflag:s23] =	ssyncset.done $0x0  }
0x31a: {  	[sflag:s23] =	ssyncadd.s32 $0xFFFFFFF0  }
0x31b: {  	_ =	swait.ge [sflag:s23], $0x10  }
0x31c: {  	[sflag:s23] =	ssyncset.done $0x0  }
0x31d: {  	[sflag:s23] =	ssyncadd.s32 $0xFFFFFFF0  }
0x31e: {  	_ =	swait.ge [sflag:s23], $0x10  }
0x31f: {  	[sflag:s23] =	ssyncset.done $0x0  }
0x320: {  	[sflag:s23] =	ssyncadd.s32 $0xFFFFFFF0  }
0x321: {  	_ =	swait.ge [sflag:s23], $0x10  }
0x322: {  	[sflag:s23] =	ssyncset.done $0x0  }
0x323: {  	[sflag:s23] =	ssyncadd.s32 $0xFFFFFFF0  }
0x324: {  	_ =	swait.ge [sflag:s23], $0x10  }
0x325: {  	[sflag:s23] =	ssyncset.done $0x0  }
0x326: {  	[sflag:s23] =	ssyncadd.s32 $0xFFFFFFF0  }
0x327: {  	_ =	swait.ge [sflag:s23], $0x10  }
0x328: {  	[sflag:s23] =	ssyncset.done $0x0  }
0x329: {  	[sflag:s23] =	ssyncadd.s32 $0xFFFFFFF0  }
0x32a: {  	s24 =	rddreg [dreg:$0xe];
	_ =	swait.ge [sflag:s23], $0x10  }
0x32b: {  	s31 =	simm.s32 $0x2;
	s26 =	rddreg [dreg:$0x9]  }
0x32c: {  	s25 =	sshll.u32 s24, $0xF;
	s4 =	sadd.s32 $0x1, s24;
	s28 =	rddreg [dreg:$0x7]  }
0x32d: {  	p0 =	sne.s32 s4, $0x64;
	s29 =	rddreg [dreg:$0xb];
	s0 =	sadd.s32 s26, s25  }
0x32e: {  	[sflag:s23] =	ssyncset.done $0x0;
	s30 =	rddreg [dreg:$0xc];
	s0 =	sshrl.u32 s0, $0x3  }
.Ltmp1:
0x32f: {  	[sflag:s23] =	ssyncadd.s32 $0xFFFFFFF0;
	s0 =	sadd.s32 s28, s0;
	(pc) =	sbr.rel @p0 .LBB2_2-.Ltmp1, $4  }
0x330: {  	[hbm:s0], [sflag:s29] =	dma.local [spmem:s30], $0x1000  }
0x331: {  	_ =	swait.ge [sflag:s31], $0x1000  }
0x332: {  	[sflag:s31] =	ssyncset.done $0x0  }
0x333: {  	s3 =	smov.u32 s10;
	s5 =	rddreg [dreg:$0x5];
	[sflag:s31] =	ssyncadd.s32 $0xFFFFF000  }
0x334: {  	s1 =	rddreg [dreg:$0xd]  }
0x335: {  	s0 =	rddreg [dreg:$0xa];
	s1 =	sadd.s32 $0x1, s1  }
0x336: {  	p0 =	sne.s32 s1, s0  }
.Ltmp2:
0x337: {  	_ = 	snop;
	(pc) =	sbr.rel @p0 .LBB2_1-.Ltmp2, $1  }
0x338: {  	_ =	sdelay $0x3  }
0x339: {  	_ =	sfence.sel $0x180000  }
0x33a: {  	[bflag:$0x0] =	sbarrier.arrive $0xFFFF  }
0x33b: {  	_ =	strace $0x90000047  }
0x33c: {  	s0 =	stileid.u32;
	[bflag:$0x2] =	sbarrier.arrive $0xFFFF  }
0x33d: {  	p0 =	sne.s32 s0, $0x0;
	s0 =	rddreg [dreg:$0x3]  }
0x33e: {  	s0 =	sadd.s32 @!p0 $0x100000, s0  }
0x33f: {  	[sflag:s0] =	ssyncadd.tile.s32 @!p0 $0x1;
	_ =	shalt  }
.Lfunc_end2:
_tile_overlayer_lowered:
.L_overlay_start_2:
0x340: {  	(tag) =	ssettag $0x2  }
0x341: {  	s0 =	rddreg [dreg:$0x0];
	s2 =	stileid.u32  }
0x342: {  	s1 =	rddreg [dreg:$0x1];
	p0 =	sne.s32 s2, $0x0  }
0x343: {  	s3 =	rddreg [dreg:$0x2];
	[bflag:$0x3] =	sbarrier.arrive $0xFFFF;
	s2 =	simm.s32 @!p0 $0x1C03  }
0x344: {  	[timem:s3], [sflag:s2] =	dma.local @!p0 [hbm:s0], s1  }
0x345: {  	s0 =	simm.s32 @!p0 $0x3  }
0x346: {  	_ =	swait.ge @!p0 [sflag:s0], s1  }
0x347: {  	s1 =	ssub.s32 @!p0 $0x0, s1;
	[sflag:s0] =	ssyncset.done @!p0 $0x0  }
0x348: {  	[sflag:s0] =	ssyncadd.s32 @!p0 s1  }
0x349: {  	[bflag:$0x3] =	sbarrier.arrive $0xFFFF  }
0x34a: {  	_ =	shalt  }

</sc_bundles>
